<compile_context>
chip_gen: v7x
topology: tpu7x:2x2x1
jax: 0.10.2.dev20260603
libtpu: 0.0.44.dev20260713+nightly
codegen_flags: <defaults>
</compile_context>

<pallas_src>
import functools

import jax
import jax.numpy as jnp
from jax import lax
from jax.experimental import pallas as pl
from jax.experimental.pallas import tpu as pltpu
from jax.experimental.pallas import tpu_sc as plsc

_B, _S, _N, _D, _K = 4, 2048, 8192, 128, 3
_H = 256
_TN = 2048
_TM = 4096
_NBUF = 4
_NW = 32
_CH = 128


def _knn_body(b0, x2_ref, x1_ref, idx_ref, w_ref):
    b = pl.program_id(0) + b0
    x2 = x2_ref[0]
    x1 = x1_ref[0]
    inf = jnp.float32(jnp.inf)
    c0, c1, c2 = x2[:, 0:1], x2[:, 1:2], x2[:, 2:3]
    a1 = jnp.full((_TN, 128), inf, jnp.float32)
    a2 = a1
    a3 = a1
    mhi = jnp.int32(~0xF)
    for c in range(_S // 128):
        lo = c * 128
        e0 = c0 - x1[0:1, lo:lo + 128]
        e1 = c1 - x1[1:2, lo:lo + 128]
        e2 = c2 - x1[2:3, lo:lo + 128]
        d = e0 * e0 + e1 * e1 + e2 * e2
        key = lax.bitcast_convert_type(
            (lax.bitcast_convert_type(d, jnp.int32) & mhi) | jnp.int32(c),
            jnp.float32)
        k1 = jnp.minimum(a1, key)
        h1 = jnp.maximum(a1, key)
        k2 = jnp.minimum(a2, h1)
        h2 = jnp.maximum(a2, h1)
        a3 = jnp.minimum(a3, h2)
        a1, a2 = k1, k2
    lane = lax.broadcasted_iota(jnp.int32, (_TN, 128), 1)
    kbits = [lax.bitcast_convert_type(a, jnp.int32) for a in (a1, a2, a3)]
    vals = jnp.concatenate(
        [lax.bitcast_convert_type(kb & mhi, jnp.float32) for kb in kbits],
        axis=1)
    gidx = jnp.concatenate(
        [((kb & 0xF) * 128 + lane).astype(jnp.float32) for kb in kbits],
        axis=1)
    big = jnp.float32(65536.0)
    idxs, dists = [], []
    for k in range(_K):
        m = jnp.min(vals, axis=1, keepdims=True)
        cand = jnp.where(vals == m, gidx, big)
        g = jnp.min(cand, axis=1, keepdims=True)
        idxs.append(g)
        dists.append(m)
        if k < _K - 1:
            vals = jnp.where((vals == m) & (gidx == g), inf, vals)
    dist = jnp.concatenate(dists, axis=1)
    w = 1.0 / (dist + 1e-8)
    w = w / jnp.sum(w, axis=1, keepdims=True)
    gi = (jnp.concatenate(idxs, axis=1).astype(jnp.int32)
          + b * _S)
    idx_ref[0] = gi
    w_ref[0] = w


def _knn(x2, x1t8, b0, bc):
    return pl.pallas_call(
        functools.partial(_knn_body, b0),
        grid=(bc, _N // _TN),
        in_specs=[
            pl.BlockSpec((1, _TN, 3), lambda b, i: (b, i, 0)),
            pl.BlockSpec((1, 8, _S), lambda b, i: (b, 0, 0)),
        ],
        out_specs=[
            pl.BlockSpec((1, _TN, _K), lambda b, i: (b, i, 0)),
            pl.BlockSpec((1, _TN, _K), lambda b, i: (b, i, 0)),
        ],
        out_shape=[
            jax.ShapeDtypeStruct((bc, _N, _K), jnp.int32),
            jax.ShapeDtypeStruct((bc, _N, _K), jnp.float32),
        ],
    )(x2, x1t8)


def _sc_body(nchunk, rw, idx_hbm, table_hbm, out_hbm, idx_v, buf_v, gsems,
             wsems):
    c = lax.axis_index("c")
    s = lax.axis_index("s")
    wid = s * 2 + c
    base = wid * rw
    pltpu.sync_copy(idx_hbm.at[wid], idx_v)
    lag = 2
    gd = [None] * _NBUF
    wd = [None] * _NBUF
    for j in range(nchunk + lag):
        sl = j % _NBUF
        if j < nchunk:
            if j >= _NBUF:
                wd[sl].wait()
            gd[sl] = pltpu.async_copy(table_hbm.at[idx_v.at[j]], buf_v.at[sl],
                                      gsems[sl])
        p = j - lag
        if p >= 0:
            psl = p % _NBUF
            gd[psl].wait()
            wd[psl] = pltpu.async_copy(
                buf_v.at[psl], out_hbm.at[pl.ds(base + p * _CH, _CH)],
                wsems[psl])
    for p in range(nchunk - _NBUF, nchunk):
        wd[p % _NBUF].wait()


def _sc_gather(idx_grouped, table, rows):
    rw = rows // _NW
    nchunk = rw // _CH
    mesh = plsc.VectorSubcoreMesh(core_axis_name="c", subcore_axis_name="s")
    fn = pl.kernel(
        functools.partial(_sc_body, nchunk, rw),
        out_type=jax.ShapeDtypeStruct((rows, _D), jnp.float32),
        mesh=mesh,
        scratch_types=[
            pltpu.VMEM((nchunk, _CH), jnp.int32),
            pltpu.VMEM((_NBUF, _CH, _D), jnp.float32),
            [pltpu.SemaphoreType.DMA] * _NBUF,
            [pltpu.SemaphoreType.DMA] * _NBUF,
        ],
    )
    return fn(idx_grouped, table)


def _mlp_body(g_ref, w_ref, f2_ref, w1a_ref, w1b_ref, w2_ref, b1_ref, b2_ref,
              lng_ref, lnb_ref, out_ref):
    w = w_ref[...]
    nf = (w[:, 0:1] * g_ref[0] + w[:, 1:2] * g_ref[1] + w[:, 2:3] * g_ref[2])
    h = jnp.dot(nf, w1a_ref[...], preferred_element_type=jnp.float32)
    h += jnp.dot(f2_ref[...], w1b_ref[...], preferred_element_type=jnp.float32)
    h = jnp.maximum(h + b1_ref[...], 0.0)
    h2 = jnp.dot(h, w2_ref[...], preferred_element_type=jnp.float32)
    h2 = jnp.maximum(h2 + b2_ref[...], 0.0)
    mu = jnp.mean(h2, axis=1, keepdims=True)
    var = jnp.mean((h2 - mu) ** 2, axis=1, keepdims=True)
    out_ref[...] = (h2 - mu) / jnp.sqrt(var + 1e-5) * lng_ref[...] + lnb_ref[...]


def _mlp(gath, w_flat, f2_flat, W1a, W1b, W2, b1r, b2r, lngr, lnbr):
    bn = gath.shape[1]
    return pl.pallas_call(
        _mlp_body,
        grid=(bn // _TM,),
        in_specs=[
            pl.BlockSpec((_K, _TM, _D), lambda i: (0, i, 0)),
            pl.BlockSpec((_TM, _K), lambda i: (i, 0)),
            pl.BlockSpec((_TM, _D), lambda i: (i, 0)),
            pl.BlockSpec((_D, _H), lambda i: (0, 0)),
            pl.BlockSpec((_D, _H), lambda i: (0, 0)),
            pl.BlockSpec((_H, _H), lambda i: (0, 0)),
            pl.BlockSpec((1, _H), lambda i: (0, 0)),
            pl.BlockSpec((1, _H), lambda i: (0, 0)),
            pl.BlockSpec((1, _H), lambda i: (0, 0)),
            pl.BlockSpec((1, _H), lambda i: (0, 0)),
        ],
        out_specs=pl.BlockSpec((_TM, _H), lambda i: (i, 0)),
        out_shape=jax.ShapeDtypeStruct((bn, _H), jnp.float32),
    )(gath, w_flat, f2_flat, W1a, W1b, W2, b1r, b2r, lngr, lnbr)


def kernel(feature_1, feature_2, points_1, points_2, W1, b1, W2, b2, ln_g, ln_b):
    x2 = points_2[..., 0:3]
    x1t = jnp.transpose(points_1[..., 0:3], (0, 2, 1))
    x1t8 = jnp.concatenate(
        [x1t, jnp.zeros((_B, 5, _S), jnp.float32)], axis=1)
    table = feature_1.reshape(_B * _S, _D)
    mlp_consts = (W1[:_D], W1[_D:], W2,
                  b1.reshape(1, _H), b2.reshape(1, _H),
                  ln_g.reshape(1, _H), ln_b.reshape(1, _H))

    bc = _B
    outs = []
    for b0 in range(0, _B, bc):
        bnc = bc * _N
        rows = _K * bnc
        idx, w = _knn(x2[b0:b0 + bc], x1t8[b0:b0 + bc], b0, bc)
        idx_grouped = (jnp.transpose(idx, (2, 0, 1))
                       .reshape(_NW, rows // _NW // _CH, _CH))
        gath = _sc_gather(idx_grouped, table, rows)
        out = _mlp(gath.reshape(_K, bnc, _D),
                   w.reshape(bnc, _K),
                   feature_2[b0:b0 + bc].reshape(bnc, _D),
                   *mlp_consts)
        outs.append(out)
    return jnp.concatenate(outs, axis=0).reshape(_B, _N, _H)

# --- scband reference (transcript-rebuilt; emitter-appended) ---
"""Pipeline reference for scband-up-interpoaltion-knn-37855841747272 (READ-ONLY COPY).

The authoritative reference and input builder live on the scoring server;
editing this copy changes nothing except your own understanding.
"""

import jax, jax.numpy as jnp
import numpy as np

B, S, N, D, K = 4, 2048, 8192, 128, 3
IN_CH, H1, H2 = 256, 256, 256


def setup_inputs(seed: int = 0) -> dict:
    key = jax.random.key(seed)
    ks = jax.random.split(key, 8)
    feature_1 = jax.random.normal(ks[0], (B, S, D), dtype=jnp.float32)
    feature_2 = jax.random.normal(ks[1], (B, N, D), dtype=jnp.float32)
    points_1 = jax.random.normal(ks[2], (B, S, 6), dtype=jnp.float32)
    points_2 = jax.random.normal(ks[3], (B, N, 6), dtype=jnp.float32)
    W1 = jax.random.normal(ks[4], (IN_CH, H1), dtype=jnp.float32) * (1.0 / np.sqrt(IN_CH))
    b1 = jnp.zeros((H1,), dtype=jnp.float32)
    W2 = jax.random.normal(ks[5], (H1, H2), dtype=jnp.float32) * (1.0 / np.sqrt(H1))
    b2 = jnp.zeros((H2,), dtype=jnp.float32)
    ln_g = jnp.ones((H2,), dtype=jnp.float32)
    ln_b = jnp.zeros((H2,), dtype=jnp.float32)
    return {"feature_1": feature_1, "feature_2": feature_2, "points_1": points_1,
            "points_2": points_2, "W1": W1, "b1": b1, "W2": W2, "b2": b2,
            "ln_g": ln_g, "ln_b": ln_b}


def _knn_interp(f1, xyz1, xyz2):
    # f1: [S, D], xyz1: [S, 3], xyz2: [N, 3] -> [N, D]
    d2 = jnp.sum((xyz2[:, None, :] - xyz1[None, :, :]) ** 2, axis=-1)  # [N, S]
    neg_d, idx = jax.lax.top_k(-d2, K)  # k nearest (smallest dist)
    dist = -neg_d
    w = 1.0 / (dist + 1e-8)
    w = w / jnp.sum(w, axis=-1, keepdims=True)  # [N, K]
    gathered = f1[idx]  # [N, K, D]
    return jnp.sum(w[..., None] * gathered, axis=1)


def reference(feature_1, feature_2, points_1, points_2, W1, b1, W2, b2, ln_g, ln_b):
    xyz1 = points_1[..., 0:3]
    xyz2 = points_2[..., 0:3]
    new_features = jax.vmap(_knn_interp)(feature_1, xyz1, xyz2)  # [B, N, D]
    x = jnp.concatenate([new_features, feature_2], axis=-1)  # [B, N, 2D]
    # post_ln path (norm_before=False): mlp + relu, then LayerNorm
    x = jax.nn.relu(jnp.dot(x, W1) + b1)
    x = jax.nn.relu(jnp.dot(x, W2) + b2)
    mu = jnp.mean(x, axis=-1, keepdims=True)
    var = jnp.var(x, axis=-1, keepdims=True)
    x = (x - mu) / jnp.sqrt(var + 1e-5) * ln_g + ln_b
    return x

if __name__ == "__main__":
    import jax
    _d = setup_inputs()
    print(jax.jit(kernel)(*tuple(_d.values())))

</pallas_src>

<mosaic_0001>
#map = affine_map<(d0, d1) -> (0, 0, 0)>
#map1 = affine_map<(d0, d1) -> (0, 0)>
module attributes {stable_mosaic.version = 14 : i64} {
  func.func @_sc_body(%arg0: i32, %arg1: i32, %arg2: memref<32x24x128xi32, #tpu.memory_space<hbm>>, %arg3: memref<8192x128xf32, #tpu.memory_space<hbm>>, %arg4: memref<98304x128xf32, #tpu.memory_space<hbm>>, %arg5: memref<24x128xi32, #tpu.memory_space<vmem>>, %arg6: memref<4x128x128xf32, #tpu.memory_space<vmem>>, %arg7: memref<!tpu.dma_semaphore, #tpu.memory_space<semaphore_mem>>, %arg8: memref<!tpu.dma_semaphore, #tpu.memory_space<semaphore_mem>>, %arg9: memref<!tpu.dma_semaphore, #tpu.memory_space<semaphore_mem>>, %arg10: memref<!tpu.dma_semaphore, #tpu.memory_space<semaphore_mem>>, %arg11: memref<!tpu.dma_semaphore, #tpu.memory_space<semaphore_mem>>, %arg12: memref<!tpu.dma_semaphore, #tpu.memory_space<semaphore_mem>>, %arg13: memref<!tpu.dma_semaphore, #tpu.memory_space<semaphore_mem>>, %arg14: memref<!tpu.dma_semaphore, #tpu.memory_space<semaphore_mem>>) attributes {dimension_semantics = [#tpu.dimension_semantics<core_parallel>, #tpu.dimension_semantics<subcore_parallel>], iteration_bounds = array<i64: 2, 16>, scalar_prefetch = 0 : i64, scratch_operands = 10 : i64, tpu.core_type = #tpu.core_type<sc_vector_subcore>, window_params = [{transform_indices = #map}, {transform_indices = #map1}, {transform_indices = #map1}]} {
    %mul3A = arith.constant 2 : i32
    %mul3A_0 = arith.muli %arg1, %mul3A : i32
    %add3A = arith.addi %mul3A_0, %arg0 : i32
    %mul3A_1 = arith.constant 3072 : i32
    %mul3A_2 = arith.muli %add3A, %mul3A_1 : i32
    "tpu.region"() ({
      %run_scoped3A = tpu.sem_alloc : memref<!tpu.dma_semaphore, #tpu.memory_space<semaphore_mem>>
      %dma_start3A_1249 = arith.constant 0 : i32
      %dma_start3A_1250 = arith.constant 0 : i32
      %dma_start3A_1251 = tpu.memref_slice %arg2[%add3A, %dma_start3A_1249, %dma_start3A_1250] : memref<32x24x128xi32, #tpu.memory_space<hbm>> -> memref<1x24x128xi32, #tpu.memory_space<hbm>>
      %dma_start3A_1252 = tpu.memref_squeeze %dma_start3A_1251 : memref<1x24x128xi32, #tpu.memory_space<hbm>> -> memref<24x128xi32, #tpu.memory_space<hbm>>
      %dma_start3A_1253 = arith.constant 0 : i32
      %dma_start3A_1254 = arith.constant 0 : i32
      %dma_start3A_1255 = tpu.memref_slice %arg2[%add3A, %dma_start3A_1253, %dma_start3A_1254] : memref<32x24x128xi32, #tpu.memory_space<hbm>> -> memref<1x24x128xi32, #tpu.memory_space<hbm>>
      %dma_start3A_1256 = tpu.memref_squeeze %dma_start3A_1255 : memref<1x24x128xi32, #tpu.memory_space<hbm>> -> memref<24x128xi32, #tpu.memory_space<hbm>>
      tpu.enqueue_dma source(%dma_start3A_1256 : memref<24x128xi32, #tpu.memory_space<hbm>>) target(%arg5 : memref<24x128xi32, #tpu.memory_space<vmem>>) target_semaphore(%run_scoped3A : memref<!tpu.dma_semaphore, #tpu.memory_space<semaphore_mem>>)
      %dma_wait3A_1257 = arith.constant 0 : i32
      %dma_wait3A_1258 = arith.constant 0 : i32
      %dma_wait3A_1259 = tpu.memref_slice %arg2[%add3A, %dma_wait3A_1257, %dma_wait3A_1258] : memref<32x24x128xi32, #tpu.memory_space<hbm>> -> memref<1x24x128xi32, #tpu.memory_space<hbm>>
      %dma_wait3A_1260 = tpu.memref_squeeze %dma_wait3A_1259 : memref<1x24x128xi32, #tpu.memory_space<hbm>> -> memref<24x128xi32, #tpu.memory_space<hbm>>
      %dma_wait3A_1261 = arith.constant 0 : i32
      %dma_wait3A_1262 = arith.constant 0 : i32
      %dma_wait3A_1263 = tpu.memref_slice %arg2[%add3A, %dma_wait3A_1261, %dma_wait3A_1262] : memref<32x24x128xi32, #tpu.memory_space<hbm>> -> memref<1x24x128xi32, #tpu.memory_space<hbm>>
      %dma_wait3A_1264 = tpu.memref_squeeze %dma_wait3A_1263 : memref<1x24x128xi32, #tpu.memory_space<hbm>> -> memref<24x128xi32, #tpu.memory_space<hbm>>
      tpu.wait_dma2 semaphore(%run_scoped3A : memref<!tpu.dma_semaphore, #tpu.memory_space<semaphore_mem>>) src(%dma_wait3A_1264 : memref<24x128xi32, #tpu.memory_space<hbm>>) dst(%arg5 : memref<24x128xi32, #tpu.memory_space<vmem>>)
      tpu.yield
    }) : () -> ()
    %dma_start3A = arith.constant 0 : i32
    %dma_start3A_3 = arith.constant 0 : i32
    %dma_start3A_4 = arith.constant 0 : i32
    %dma_start3A_5 = arith.constant 0 : i32
    %dma_start3A_6 = tpu.memref_slice %arg6[%dma_start3A_3, %dma_start3A_4, %dma_start3A_5] : memref<4x128x128xf32, #tpu.memory_space<vmem>> -> memref<1x128x128xf32, #tpu.memory_space<vmem>>
    %dma_start3A_7 = tpu.memref_squeeze %dma_start3A_6 : memref<1x128x128xf32, #tpu.memory_space<vmem>> -> memref<128x128xf32, #tpu.memory_space<vmem>>
    %dma_start3A_8 = arith.constant 0 : i32
    %dma_start3A_9 = tpu.memref_slice %arg5[%dma_start3A, %dma_start3A_8] : memref<24x128xi32, #tpu.memory_space<vmem>> -> memref<1x128xi32, #tpu.memory_space<vmem>>
    %dma_start3A_10 = tpu.memref_squeeze %dma_start3A_9 : memref<1x128xi32, #tpu.memory_space<vmem>> -> memref<128xi32, #tpu.memory_space<vmem>>
    %dma_start3A_11 = arith.constant 0 : i32
    %dma_start3A_12 = arith.constant 0 : i32
    %dma_start3A_13 = tpu.memref_slice %arg3[%dma_start3A_11, %dma_start3A_12] : memref<8192x128xf32, #tpu.memory_space<hbm>> -> memref<8192x128xf32, #tpu.memory_space<hbm>>
    tpu.enqueue_indirect_dma source(%dma_start3A_13 : memref<8192x128xf32, #tpu.memory_space<hbm>>) target(%dma_start3A_7 : memref<128x128xf32, #tpu.memory_space<vmem>>) offsets(%dma_start3A_10 : memref<128xi32, #tpu.memory_space<vmem>>) semaphore(%arg7 : memref<!tpu.dma_semaphore, #tpu.memory_space<semaphore_mem>>)
    %dma_start3A_14 = arith.constant 1 : i32
    %dma_start3A_15 = arith.constant 1 : i32
    %dma_start3A_16 = arith.constant 0 : i32
    %dma_start3A_17 = arith.constant 0 : i32
    %dma_start3A_18 = tpu.memref_slice %arg6[%dma_start3A_15, %dma_start3A_16, %dma_start3A_17] : memref<4x128x128xf32, #tpu.memory_space<vmem>> -> memref<1x128x128xf32, #tpu.memory_space<vmem>>
    %dma_start3A_19 = tpu.memref_squeeze %dma_start3A_18 : memref<1x128x128xf32, #tpu.memory_space<vmem>> -> memref<128x128xf32, #tpu.memory_space<vmem>>
    %dma_start3A_20 = arith.constant 0 : i32
    %dma_start3A_21 = tpu.memref_slice %arg5[%dma_start3A_14, %dma_start3A_20] : memref<24x128xi32, #tpu.memory_space<vmem>> -> memref<1x128xi32, #tpu.memory_space<vmem>>
    %dma_start3A_22 = tpu.memref_squeeze %dma_start3A_21 : memref<1x128xi32, #tpu.memory_space<vmem>> -> memref<128xi32, #tpu.memory_space<vmem>>
    %dma_start3A_23 = arith.constant 0 : i32
    %dma_start3A_24 = arith.constant 0 : i32
    %dma_start3A_25 = tpu.memref_slice %arg3[%dma_start3A_23, %dma_start3A_24] : memref<8192x128xf32, #tpu.memory_space<hbm>> -> memref<8192x128xf32, #tpu.memory_space<hbm>>
    tpu.enqueue_indirect_dma source(%dma_start3A_25 : memref<8192x128xf32, #tpu.memory_space<hbm>>) target(%dma_start3A_19 : memref<128x128xf32, #tpu.memory_space<vmem>>) offsets(%dma_start3A_22 : memref<128xi32, #tpu.memory_space<vmem>>) semaphore(%arg8 : memref<!tpu.dma_semaphore, #tpu.memory_space<semaphore_mem>>)
    %dma_start3A_26 = arith.constant 2 : i32
    %dma_start3A_27 = arith.constant 2 : i32
    %dma_start3A_28 = arith.constant 0 : i32
    %dma_start3A_29 = arith.constant 0 : i32
    %dma_start3A_30 = tpu.memref_slice %arg6[%dma_start3A_27, %dma_start3A_28, %dma_start3A_29] : memref<4x128x128xf32, #tpu.memory_space<vmem>> -> memref<1x128x128xf32, #tpu.memory_space<vmem>>
    %dma_start3A_31 = tpu.memref_squeeze %dma_start3A_30 : memref<1x128x128xf32, #tpu.memory_space<vmem>> -> memref<128x128xf32, #tpu.memory_space<vmem>>
    %dma_start3A_32 = arith.constant 0 : i32
    %dma_start3A_33 = tpu.memref_slice %arg5[%dma_start3A_26, %dma_start3A_32] : memref<24x128xi32, #tpu.memory_space<vmem>> -> memref<1x128xi32, #tpu.memory_space<vmem>>
    %dma_start3A_34 = tpu.memref_squeeze %dma_start3A_33 : memref<1x128xi32, #tpu.memory_space<vmem>> -> memref<128xi32, #tpu.memory_space<vmem>>
    %dma_start3A_35 = arith.constant 0 : i32
    %dma_start3A_36 = arith.constant 0 : i32
    %dma_start3A_37 = tpu.memref_slice %arg3[%dma_start3A_35, %dma_start3A_36] : memref<8192x128xf32, #tpu.memory_space<hbm>> -> memref<8192x128xf32, #tpu.memory_space<hbm>>
    tpu.enqueue_indirect_dma source(%dma_start3A_37 : memref<8192x128xf32, #tpu.memory_space<hbm>>) target(%dma_start3A_31 : memref<128x128xf32, #tpu.memory_space<vmem>>) offsets(%dma_start3A_34 : memref<128xi32, #tpu.memory_space<vmem>>) semaphore(%arg9 : memref<!tpu.dma_semaphore, #tpu.memory_space<semaphore_mem>>)
    %dma_wait3A = arith.constant 0 : i32
    %dma_wait3A_38 = arith.constant 0 : i32
    %dma_wait3A_39 = arith.constant 0 : i32
    %dma_wait3A_40 = arith.constant 0 : i32
    %dma_wait3A_41 = tpu.memref_slice %arg6[%dma_wait3A_38, %dma_wait3A_39, %dma_wait3A_40] : memref<4x128x128xf32, #tpu.memory_space<vmem>> -> memref<1x128x128xf32, #tpu.memory_space<vmem>>
    %dma_wait3A_42 = tpu.memref_squeeze %dma_wait3A_41 : memref<1x128x128xf32, #tpu.memory_space<vmem>> -> memref<128x128xf32, #tpu.memory_space<vmem>>
    %dma_wait3A_43 = arith.constant 0 : i32
    %dma_wait3A_44 = tpu.memref_slice %arg5[%dma_wait3A, %dma_wait3A_43] : memref<24x128xi32, #tpu.memory_space<vmem>> -> memref<1x128xi32, #tpu.memory_space<vmem>>
    %dma_wait3A_45 = tpu.memref_squeeze %dma_wait3A_44 : memref<1x128xi32, #tpu.memory_space<vmem>> -> memref<128xi32, #tpu.memory_space<vmem>>
    %dma_wait3A_46 = arith.constant 0 : i32
    %dma_wait3A_47 = arith.constant 0 : i32
    %dma_wait3A_48 = tpu.memref_slice %arg3[%dma_wait3A_46, %dma_wait3A_47] : memref<8192x128xf32, #tpu.memory_space<hbm>> -> memref<8192x128xf32, #tpu.memory_space<hbm>>
    tpu.wait_indirect_dma semaphore(%arg7 : memref<!tpu.dma_semaphore, #tpu.memory_space<semaphore_mem>>) src(%dma_wait3A_48 : memref<8192x128xf32, #tpu.memory_space<hbm>>) dst(%dma_wait3A_42 : memref<128x128xf32, #tpu.memory_space<vmem>>)
    %add3A_49 = arith.constant 0 : i32
    %add3A_50 = arith.addi %mul3A_2, %add3A_49 : i32
    %dma_start3A_51 = arith.constant 0 : i32
    %dma_start3A_52 = arith.constant 0 : i32
    %dma_start3A_53 = arith.constant 0 : i32
    %dma_start3A_54 = tpu.memref_slice %arg6[%dma_start3A_51, %dma_start3A_52, %dma_start3A_53] : memref<4x128x128xf32, #tpu.memory_space<vmem>> -> memref<1x128x128xf32, #tpu.memory_space<vmem>>
    %dma_start3A_55 = tpu.memref_squeeze %dma_start3A_54 : memref<1x128x128xf32, #tpu.memory_space<vmem>> -> memref<128x128xf32, #tpu.memory_space<vmem>>
    %dma_start3A_56 = arith.constant 0 : i32
    %dma_start3A_57 = tpu.memref_slice %arg4[%add3A_50, %dma_start3A_56] : memref<98304x128xf32, #tpu.memory_space<hbm>> -> memref<128x128xf32, #tpu.memory_space<hbm>>
    %dma_start3A_58 = arith.constant 0 : i32
    %dma_start3A_59 = tpu.memref_slice %arg4[%add3A_50, %dma_start3A_58] : memref<98304x128xf32, #tpu.memory_space<hbm>> -> memref<128x128xf32, #tpu.memory_space<hbm>>
    %dma_start3A_60 = arith.constant 0 : i32
    %dma_start3A_61 = arith.constant 0 : i32
    %dma_start3A_62 = tpu.memref_slice %arg6[%dma_start3A_51, %dma_start3A_60, %dma_start3A_61] : memref<4x128x128xf32, #tpu.memory_space<vmem>> -> memref<1x128x128xf32, #tpu.memory_space<vmem>>
    %dma_start3A_63 = tpu.memref_squeeze %dma_start3A_62 : memref<1x128x128xf32, #tpu.memory_space<vmem>> -> memref<128x128xf32, #tpu.memory_space<vmem>>
    tpu.enqueue_dma source(%dma_start3A_63 : memref<128x128xf32, #tpu.memory_space<vmem>>) target(%dma_start3A_59 : memref<128x128xf32, #tpu.memory_space<hbm>>) target_semaphore(%arg11 : memref<!tpu.dma_semaphore, #tpu.memory_space<semaphore_mem>>)
    %dma_start3A_64 = arith.constant 3 : i32
    %dma_start3A_65 = arith.constant 3 : i32
    %dma_start3A_66 = arith.constant 0 : i32
    %dma_start3A_67 = arith.constant 0 : i32
    %dma_start3A_68 = tpu.memref_slice %arg6[%dma_start3A_65, %dma_start3A_66, %dma_start3A_67] : memref<4x128x128xf32, #tpu.memory_space<vmem>> -> memref<1x128x128xf32, #tpu.memory_space<vmem>>
    %dma_start3A_69 = tpu.memref_squeeze %dma_start3A_68 : memref<1x128x128xf32, #tpu.memory_space<vmem>> -> memref<128x128xf32, #tpu.memory_space<vmem>>
    %dma_start3A_70 = arith.constant 0 : i32
    %dma_start3A_71 = tpu.memref_slice %arg5[%dma_start3A_64, %dma_start3A_70] : memref<24x128xi32, #tpu.memory_space<vmem>> -> memref<1x128xi32, #tpu.memory_space<vmem>>
    %dma_start3A_72 = tpu.memref_squeeze %dma_start3A_71 : memref<1x128xi32, #tpu.memory_space<vmem>> -> memref<128xi32, #tpu.memory_space<vmem>>
    %dma_start3A_73 = arith.constant 0 : i32
    %dma_start3A_74 = arith.constant 0 : i32
    %dma_start3A_75 = tpu.memref_slice %arg3[%dma_start3A_73, %dma_start3A_74] : memref<8192x128xf32, #tpu.memory_space<hbm>> -> memref<8192x128xf32, #tpu.memory_space<hbm>>
    tpu.enqueue_indirect_dma source(%dma_start3A_75 : memref<8192x128xf32, #tpu.memory_space<hbm>>) target(%dma_start3A_69 : memref<128x128xf32, #tpu.memory_space<vmem>>) offsets(%dma_start3A_72 : memref<128xi32, #tpu.memory_space<vmem>>) semaphore(%arg10 : memref<!tpu.dma_semaphore, #tpu.memory_space<semaphore_mem>>)
    %dma_wait3A_76 = arith.constant 1 : i32
    %dma_wait3A_77 = arith.constant 1 : i32
    %dma_wait3A_78 = arith.constant 0 : i32
    %dma_wait3A_79 = arith.constant 0 : i32
    %dma_wait3A_80 = tpu.memref_slice %arg6[%dma_wait3A_77, %dma_wait3A_78, %dma_wait3A_79] : memref<4x128x128xf32, #tpu.memory_space<vmem>> -> memref<1x128x128xf32, #tpu.memory_space<vmem>>
    %dma_wait3A_81 = tpu.memref_squeeze %dma_wait3A_80 : memref<1x128x128xf32, #tpu.memory_space<vmem>> -> memref<128x128xf32, #tpu.memory_space<vmem>>
    %dma_wait3A_82 = arith.constant 0 : i32
    %dma_wait3A_83 = tpu.memref_slice %arg5[%dma_wait3A_76, %dma_wait3A_82] : memref<24x128xi32, #tpu.memory_space<vmem>> -> memref<1x128xi32, #tpu.memory_space<vmem>>
    %dma_wait3A_84 = tpu.memref_squeeze %dma_wait3A_83 : memref<1x128xi32, #tpu.memory_space<vmem>> -> memref<128xi32, #tpu.memory_space<vmem>>
    %dma_wait3A_85 = arith.constant 0 : i32
    %dma_wait3A_86 = arith.constant 0 : i32
    %dma_wait3A_87 = tpu.memref_slice %arg3[%dma_wait3A_85, %dma_wait3A_86] : memref<8192x128xf32, #tpu.memory_space<hbm>> -> memref<8192x128xf32, #tpu.memory_space<hbm>>
    tpu.wait_indirect_dma semaphore(%arg8 : memref<!tpu.dma_semaphore, #tpu.memory_space<semaphore_mem>>) src(%dma_wait3A_87 : memref<8192x128xf32, #tpu.memory_space<hbm>>) dst(%dma_wait3A_81 : memref<128x128xf32, #tpu.memory_space<vmem>>)
    %add3A_88 = arith.constant 128 : i32
    %add3A_89 = arith.addi %mul3A_2, %add3A_88 : i32
    %dma_start3A_90 = arith.constant 1 : i32
    %dma_start3A_91 = arith.constant 0 : i32
    %dma_start3A_92 = arith.constant 0 : i32
    %dma_start3A_93 = tpu.memref_slice %arg6[%dma_start3A_90, %dma_start3A_91, %dma_start3A_92] : memref<4x128x128xf32, #tpu.memory_space<vmem>> -> memref<1x128x128xf32, #tpu.memory_space<vmem>>
    %dma_start3A_94 = tpu.memref_squeeze %dma_start3A_93 : memref<1x128x128xf32, #tpu.memory_space<vmem>> -> memref<128x128xf32, #tpu.memory_space<vmem>>
    %dma_start3A_95 = arith.constant 0 : i32
    %dma_start3A_96 = tpu.memref_slice %arg4[%add3A_89, %dma_start3A_95] : memref<98304x128xf32, #tpu.memory_space<hbm>> -> memref<128x128xf32, #tpu.memory_space<hbm>>
    %dma_start3A_97 = arith.constant 0 : i32
    %dma_start3A_98 = tpu.memref_slice %arg4[%add3A_89, %dma_start3A_97] : memref<98304x128xf32, #tpu.memory_space<hbm>> -> memref<128x128xf32, #tpu.memory_space<hbm>>
    %dma_start3A_99 = arith.constant 0 : i32
    %dma_start3A_100 = arith.constant 0 : i32
    %dma_start3A_101 = tpu.memref_slice %arg6[%dma_start3A_90, %dma_start3A_99, %dma_start3A_100] : memref<4x128x128xf32, #tpu.memory_space<vmem>> -> memref<1x128x128xf32, #tpu.memory_space<vmem>>
    %dma_start3A_102 = tpu.memref_squeeze %dma_start3A_101 : memref<1x128x128xf32, #tpu.memory_space<vmem>> -> memref<128x128xf32, #tpu.memory_space<vmem>>
    tpu.enqueue_dma source(%dma_start3A_102 : memref<128x128xf32, #tpu.memory_space<vmem>>) target(%dma_start3A_98 : memref<128x128xf32, #tpu.memory_space<hbm>>) target_semaphore(%arg12 : memref<!tpu.dma_semaphore, #tpu.memory_space<semaphore_mem>>)
    %dma_wait3A_103 = arith.constant 0 : i32
    %dma_wait3A_104 = arith.constant 0 : i32
    %dma_wait3A_105 = arith.constant 0 : i32
    %dma_wait3A_106 = tpu.memref_slice %arg6[%dma_wait3A_103, %dma_wait3A_104, %dma_wait3A_105] : memref<4x128x128xf32, #tpu.memory_space<vmem>> -> memref<1x128x128xf32, #tpu.memory_space<vmem>>
    %dma_wait3A_107 = tpu.memref_squeeze %dma_wait3A_106 : memref<1x128x128xf32, #tpu.memory_space<vmem>> -> memref<128x128xf32, #tpu.memory_space<vmem>>
    %dma_wait3A_108 = arith.constant 0 : i32
    %dma_wait3A_109 = tpu.memref_slice %arg4[%add3A_50, %dma_wait3A_108] : memref<98304x128xf32, #tpu.memory_space<hbm>> -> memref<128x128xf32, #tpu.memory_space<hbm>>
    %dma_wait3A_110 = arith.constant 0 : i32
    %dma_wait3A_111 = tpu.memref_slice %arg4[%add3A_50, %dma_wait3A_110] : memref<98304x128xf32, #tpu.memory_space<hbm>> -> memref<128x128xf32, #tpu.memory_space<hbm>>
    %dma_wait3A_112 = arith.constant 0 : i32
    %dma_wait3A_113 = arith.constant 0 : i32
    %dma_wait3A_114 = tpu.memref_slice %arg6[%dma_wait3A_103, %dma_wait3A_112, %dma_wait3A_113] : memref<4x128x128xf32, #tpu.memory_space<vmem>> -> memref<1x128x128xf32, #tpu.memory_space<vmem>>
    %dma_wait3A_115 = tpu.memref_squeeze %dma_wait3A_114 : memref<1x128x128xf32, #tpu.memory_space<vmem>> -> memref<128x128xf32, #tpu.memory_space<vmem>>
    tpu.wait_dma2 semaphore(%arg11 : memref<!tpu.dma_semaphore, #tpu.memory_space<semaphore_mem>>) src(%dma_wait3A_115 : memref<128x128xf32, #tpu.memory_space<vmem>>) dst(%dma_wait3A_111 : memref<128x128xf32, #tpu.memory_space<hbm>>)
    %dma_start3A_116 = arith.constant 4 : i32
    %dma_start3A_117 = arith.constant 0 : i32
    %dma_start3A_118 = arith.constant 0 : i32
    %dma_start3A_119 = arith.constant 0 : i32
    %dma_start3A_120 = tpu.memref_slice %arg6[%dma_start3A_117, %dma_start3A_118, %dma_start3A_119] : memref<4x128x128xf32, #tpu.memory_space<vmem>> -> memref<1x128x128xf32, #tpu.memory_space<vmem>>
    %dma_start3A_121 = tpu.memref_squeeze %dma_start3A_120 : memref<1x128x128xf32, #tpu.memory_space<vmem>> -> memref<128x128xf32, #tpu.memory_space<vmem>>
    %dma_start3A_122 = arith.constant 0 : i32
    %dma_start3A_123 = tpu.memref_slice %arg5[%dma_start3A_116, %dma_start3A_122] : memref<24x128xi32, #tpu.memory_space<vmem>> -> memref<1x128xi32, #tpu.memory_space<vmem>>
    %dma_start3A_124 = tpu.memref_squeeze %dma_start3A_123 : memref<1x128xi32, #tpu.memory_space<vmem>> -> memref<128xi32, #tpu.memory_space<vmem>>
    %dma_start3A_125 = arith.constant 0 : i32
    %dma_start3A_126 = arith.constant 0 : i32
    %dma_start3A_127 = tpu.memref_slice %arg3[%dma_start3A_125, %dma_start3A_126] : memref<8192x128xf32, #tpu.memory_space<hbm>> -> memref<8192x128xf32, #tpu.memory_space<hbm>>
    tpu.enqueue_indirect_dma source(%dma_start3A_127 : memref<8192x128xf32, #tpu.memory_space<hbm>>) target(%dma_start3A_121 : memref<128x128xf32, #tpu.memory_space<vmem>>) offsets(%dma_start3A_124 : memref<128xi32, #tpu.memory_space<vmem>>) semaphore(%arg7 : memref<!tpu.dma_semaphore, #tpu.memory_space<semaphore_mem>>)
    %dma_wait3A_128 = arith.constant 2 : i32
    %dma_wait3A_129 = arith.constant 2 : i32
    %dma_wait3A_130 = arith.constant 0 : i32
    %dma_wait3A_131 = arith.constant 0 : i32
    %dma_wait3A_132 = tpu.memref_slice %arg6[%dma_wait3A_129, %dma_wait3A_130, %dma_wait3A_131] : memref<4x128x128xf32, #tpu.memory_space<vmem>> -> memref<1x128x128xf32, #tpu.memory_space<vmem>>
    %dma_wait3A_133 = tpu.memref_squeeze %dma_wait3A_132 : memref<1x128x128xf32, #tpu.memory_space<vmem>> -> memref<128x128xf32, #tpu.memory_space<vmem>>
    %dma_wait3A_134 = arith.constant 0 : i32
    %dma_wait3A_135 = tpu.memref_slice %arg5[%dma_wait3A_128, %dma_wait3A_134] : memref<24x128xi32, #tpu.memory_space<vmem>> -> memref<1x128xi32, #tpu.memory_space<vmem>>
    %dma_wait3A_136 = tpu.memref_squeeze %dma_wait3A_135 : memref<1x128xi32, #tpu.memory_space<vmem>> -> memref<128xi32, #tpu.memory_space<vmem>>
    %dma_wait3A_137 = arith.constant 0 : i32
    %dma_wait3A_138 = arith.constant 0 : i32
    %dma_wait3A_139 = tpu.memref_slice %arg3[%dma_wait3A_137, %dma_wait3A_138] : memref<8192x128xf32, #tpu.memory_space<hbm>> -> memref<8192x128xf32, #tpu.memory_space<hbm>>
    tpu.wait_indirect_dma semaphore(%arg9 : memref<!tpu.dma_semaphore, #tpu.memory_space<semaphore_mem>>) src(%dma_wait3A_139 : memref<8192x128xf32, #tpu.memory_space<hbm>>) dst(%dma_wait3A_133 : memref<128x128xf32, #tpu.memory_space<vmem>>)
    %add3A_140 = arith.constant 256 : i32
    %add3A_141 = arith.addi %mul3A_2, %add3A_140 : i32
    %dma_start3A_142 = arith.constant 2 : i32
    %dma_start3A_143 = arith.constant 0 : i32
    %dma_start3A_144 = arith.constant 0 : i32
    %dma_start3A_145 = tpu.memref_slice %arg6[%dma_start3A_142, %dma_start3A_143, %dma_start3A_144] : memref<4x128x128xf32, #tpu.memory_space<vmem>> -> memref<1x128x128xf32, #tpu.memory_space<vmem>>
    %dma_start3A_146 = tpu.memref_squeeze %dma_start3A_145 : memref<1x128x128xf32, #tpu.memory_space<vmem>> -> memref<128x128xf32, #tpu.memory_space<vmem>>
    %dma_start3A_147 = arith.constant 0 : i32
    %dma_start3A_148 = tpu.memref_slice %arg4[%add3A_141, %dma_start3A_147] : memref<98304x128xf32, #tpu.memory_space<hbm>> -> memref<128x128xf32, #tpu.memory_space<hbm>>
    %dma_start3A_149 = arith.constant 0 : i32
    %dma_start3A_150 = tpu.memref_slice %arg4[%add3A_141, %dma_start3A_149] : memref<98304x128xf32, #tpu.memory_space<hbm>> -> memref<128x128xf32, #tpu.memory_space<hbm>>
    %dma_start3A_151 = arith.constant 0 : i32
    %dma_start3A_152 = arith.constant 0 : i32
    %dma_start3A_153 = tpu.memref_slice %arg6[%dma_start3A_142, %dma_start3A_151, %dma_start3A_152] : memref<4x128x128xf32, #tpu.memory_space<vmem>> -> memref<1x128x128xf32, #tpu.memory_space<vmem>>
    %dma_start3A_154 = tpu.memref_squeeze %dma_start3A_153 : memref<1x128x128xf32, #tpu.memory_space<vmem>> -> memref<128x128xf32, #tpu.memory_space<vmem>>
    tpu.enqueue_dma source(%dma_start3A_154 : memref<128x128xf32, #tpu.memory_space<vmem>>) target(%dma_start3A_150 : memref<128x128xf32, #tpu.memory_space<hbm>>) target_semaphore(%arg13 : memref<!tpu.dma_semaphore, #tpu.memory_space<semaphore_mem>>)
    %dma_wait3A_155 = arith.constant 1 : i32
    %dma_wait3A_156 = arith.constant 0 : i32
    %dma_wait3A_157 = arith.constant 0 : i32
    %dma_wait3A_158 = tpu.memref_slice %arg6[%dma_wait3A_155, %dma_wait3A_156, %dma_wait3A_157] : memref<4x128x128xf32, #tpu.memory_space<vmem>> -> memref<1x128x128xf32, #tpu.memory_space<vmem>>
    %dma_wait3A_159 = tpu.memref_squeeze %dma_wait3A_158 : memref<1x128x128xf32, #tpu.memory_space<vmem>> -> memref<128x128xf32, #tpu.memory_space<vmem>>
    %dma_wait3A_160 = arith.constant 0 : i32
    %dma_wait3A_161 = tpu.memref_slice %arg4[%add3A_89, %dma_wait3A_160] : memref<98304x128xf32, #tpu.memory_space<hbm>> -> memref<128x128xf32, #tpu.memory_space<hbm>>
    %dma_wait3A_162 = arith.constant 0 : i32
    %dma_wait3A_163 = tpu.memref_slice %arg4[%add3A_89, %dma_wait3A_162] : memref<98304x128xf32, #tpu.memory_space<hbm>> -> memref<128x128xf32, #tpu.memory_space<hbm>>
    %dma_wait3A_164 = arith.constant 0 : i32
    %dma_wait3A_165 = arith.constant 0 : i32
    %dma_wait3A_166 = tpu.memref_slice %arg6[%dma_wait3A_155, %dma_wait3A_164, %dma_wait3A_165] : memref<4x128x128xf32, #tpu.memory_space<vmem>> -> memref<1x128x128xf32, #tpu.memory_space<vmem>>
    %dma_wait3A_167 = tpu.memref_squeeze %dma_wait3A_166 : memref<1x128x128xf32, #tpu.memory_space<vmem>> -> memref<128x128xf32, #tpu.memory_space<vmem>>
    tpu.wait_dma2 semaphore(%arg12 : memref<!tpu.dma_semaphore, #tpu.memory_space<semaphore_mem>>) src(%dma_wait3A_167 : memref<128x128xf32, #tpu.memory_space<vmem>>) dst(%dma_wait3A_163 : memref<128x128xf32, #tpu.memory_space<hbm>>)
    %dma_start3A_168 = arith.constant 5 : i32
    %dma_start3A_169 = arith.constant 1 : i32
    %dma_start3A_170 = arith.constant 0 : i32
    %dma_start3A_171 = arith.constant 0 : i32
    %dma_start3A_172 = tpu.memref_slice %arg6[%dma_start3A_169, %dma_start3A_170, %dma_start3A_171] : memref<4x128x128xf32, #tpu.memory_space<vmem>> -> memref<1x128x128xf32, #tpu.memory_space<vmem>>
    %dma_start3A_173 = tpu.memref_squeeze %dma_start3A_172 : memref<1x128x128xf32, #tpu.memory_space<vmem>> -> memref<128x128xf32, #tpu.memory_space<vmem>>
    %dma_start3A_174 = arith.constant 0 : i32
    %dma_start3A_175 = tpu.memref_slice %arg5[%dma_start3A_168, %dma_start3A_174] : memref<24x128xi32, #tpu.memory_space<vmem>> -> memref<1x128xi32, #tpu.memory_space<vmem>>
    %dma_start3A_176 = tpu.memref_squeeze %dma_start3A_175 : memref<1x128xi32, #tpu.memory_space<vmem>> -> memref<128xi32, #tpu.memory_space<vmem>>
    %dma_start3A_177 = arith.constant 0 : i32
    %dma_start3A_178 = arith.constant 0 : i32
    %dma_start3A_179 = tpu.memref_slice %arg3[%dma_start3A_177, %dma_start3A_178] : memref<8192x128xf32, #tpu.memory_space<hbm>> -> memref<8192x128xf32, #tpu.memory_space<hbm>>
    tpu.enqueue_indirect_dma source(%dma_start3A_179 : memref<8192x128xf32, #tpu.memory_space<hbm>>) target(%dma_start3A_173 : memref<128x128xf32, #tpu.memory_space<vmem>>) offsets(%dma_start3A_176 : memref<128xi32, #tpu.memory_space<vmem>>) semaphore(%arg8 : memref<!tpu.dma_semaphore, #tpu.memory_space<semaphore_mem>>)
    %dma_wait3A_180 = arith.constant 3 : i32
    %dma_wait3A_181 = arith.constant 3 : i32
    %dma_wait3A_182 = arith.constant 0 : i32
    %dma_wait3A_183 = arith.constant 0 : i32
    %dma_wait3A_184 = tpu.memref_slice %arg6[%dma_wait3A_181, %dma_wait3A_182, %dma_wait3A_183] : memref<4x128x128xf32, #tpu.memory_space<vmem>> -> memref<1x128x128xf32, #tpu.memory_space<vmem>>
    %dma_wait3A_185 = tpu.memref_squeeze %dma_wait3A_184 : memref<1x128x128xf32, #tpu.memory_space<vmem>> -> memref<128x128xf32, #tpu.memory_space<vmem>>
    %dma_wait3A_186 = arith.constant 0 : i32
    %dma_wait3A_187 = tpu.memref_slice %arg5[%dma_wait3A_180, %dma_wait3A_186] : memref<24x128xi32, #tpu.memory_space<vmem>> -> memref<1x128xi32, #tpu.memory_space<vmem>>
    %dma_wait3A_188 = tpu.memref_squeeze %dma_wait3A_187 : memref<1x128xi32, #tpu.memory_space<vmem>> -> memref<128xi32, #tpu.memory_space<vmem>>
    %dma_wait3A_189 = arith.constant 0 : i32
    %dma_wait3A_190 = arith.constant 0 : i32
    %dma_wait3A_191 = tpu.memref_slice %arg3[%dma_wait3A_189, %dma_wait3A_190] : memref<8192x128xf32, #tpu.memory_space<hbm>> -> memref<8192x128xf32, #tpu.memory_space<hbm>>
    tpu.wait_indirect_dma semaphore(%arg10 : memref<!tpu.dma_semaphore, #tpu.memory_space<semaphore_mem>>) src(%dma_wait3A_191 : memref<8192x128xf32, #tpu.memory_space<hbm>>) dst(%dma_wait3A_185 : memref<128x128xf32, #tpu.memory_space<vmem>>)
    %add3A_192 = arith.constant 384 : i32
    %add3A_193 = arith.addi %mul3A_2, %add3A_192 : i32
    %dma_start3A_194 = arith.constant 3 : i32
    %dma_start3A_195 = arith.constant 0 : i32
    %dma_start3A_196 = arith.constant 0 : i32
    %dma_start3A_197 = tpu.memref_slice %arg6[%dma_start3A_194, %dma_start3A_195, %dma_start3A_196] : memref<4x128x128xf32, #tpu.memory_space<vmem>> -> memref<1x128x128xf32, #tpu.memory_space<vmem>>
    %dma_start3A_198 = tpu.memref_squeeze %dma_start3A_197 : memref<1x128x128xf32, #tpu.memory_space<vmem>> -> memref<128x128xf32, #tpu.memory_space<vmem>>
    %dma_start3A_199 = arith.constant 0 : i32
    %dma_start3A_200 = tpu.memref_slice %arg4[%add3A_193, %dma_start3A_199] : memref<98304x128xf32, #tpu.memory_space<hbm>> -> memref<128x128xf32, #tpu.memory_space<hbm>>
    %dma_start3A_201 = arith.constant 0 : i32
    %dma_start3A_202 = tpu.memref_slice %arg4[%add3A_193, %dma_start3A_201] : memref<98304x128xf32, #tpu.memory_space<hbm>> -> memref<128x128xf32, #tpu.memory_space<hbm>>
    %dma_start3A_203 = arith.constant 0 : i32
    %dma_start3A_204 = arith.constant 0 : i32
    %dma_start3A_205 = tpu.memref_slice %arg6[%dma_start3A_194, %dma_start3A_203, %dma_start3A_204] : memref<4x128x128xf32, #tpu.memory_space<vmem>> -> memref<1x128x128xf32, #tpu.memory_space<vmem>>
    %dma_start3A_206 = tpu.memref_squeeze %dma_start3A_205 : memref<1x128x128xf32, #tpu.memory_space<vmem>> -> memref<128x128xf32, #tpu.memory_space<vmem>>
    tpu.enqueue_dma source(%dma_start3A_206 : memref<128x128xf32, #tpu.memory_space<vmem>>) target(%dma_start3A_202 : memref<128x128xf32, #tpu.memory_space<hbm>>) target_semaphore(%arg14 : memref<!tpu.dma_semaphore, #tpu.memory_space<semaphore_mem>>)
    %dma_wait3A_207 = arith.constant 2 : i32
    %dma_wait3A_208 = arith.constant 0 : i32
    %dma_wait3A_209 = arith.constant 0 : i32
    %dma_wait3A_210 = tpu.memref_slice %arg6[%dma_wait3A_207, %dma_wait3A_208, %dma_wait3A_209] : memref<4x128x128xf32, #tpu.memory_space<vmem>> -> memref<1x128x128xf32, #tpu.memory_space<vmem>>
    %dma_wait3A_211 = tpu.memref_squeeze %dma_wait3A_210 : memref<1x128x128xf32, #tpu.memory_space<vmem>> -> memref<128x128xf32, #tpu.memory_space<vmem>>
    %dma_wait3A_212 = arith.constant 0 : i32
    %dma_wait3A_213 = tpu.memref_slice %arg4[%add3A_141, %dma_wait3A_212] : memref<98304x128xf32, #tpu.memory_space<hbm>> -> memref<128x128xf32, #tpu.memory_space<hbm>>
    %dma_wait3A_214 = arith.constant 0 : i32
    %dma_wait3A_215 = tpu.memref_slice %arg4[%add3A_141, %dma_wait3A_214] : memref<98304x128xf32, #tpu.memory_space<hbm>> -> memref<128x128xf32, #tpu.memory_space<hbm>>
    %dma_wait3A_216 = arith.constant 0 : i32
    %dma_wait3A_217 = arith.constant 0 : i32
    %dma_wait3A_218 = tpu.memref_slice %arg6[%dma_wait3A_207, %dma_wait3A_216, %dma_wait3A_217] : memref<4x128x128xf32, #tpu.memory_space<vmem>> -> memref<1x128x128xf32, #tpu.memory_space<vmem>>
    %dma_wait3A_219 = tpu.memref_squeeze %dma_wait3A_218 : memref<1x128x128xf32, #tpu.memory_space<vmem>> -> memref<128x128xf32, #tpu.memory_space<vmem>>
    tpu.wait_dma2 semaphore(%arg13 : memref<!tpu.dma_semaphore, #tpu.memory_space<semaphore_mem>>) src(%dma_wait3A_219 : memref<128x128xf32, #tpu.memory_space<vmem>>) dst(%dma_wait3A_215 : memref<128x128xf32, #tpu.memory_space<hbm>>)
    %dma_start3A_220 = arith.constant 6 : i32
    %dma_start3A_221 = arith.constant 2 : i32
    %dma_start3A_222 = arith.constant 0 : i32
    %dma_start3A_223 = arith.constant 0 : i32
    %dma_start3A_224 = tpu.memref_slice %arg6[%dma_start3A_221, %dma_start3A_222, %dma_start3A_223] : memref<4x128x128xf32, #tpu.memory_space<vmem>> -> memref<1x128x128xf32, #tpu.memory_space<vmem>>
    %dma_start3A_225 = tpu.memref_squeeze %dma_start3A_224 : memref<1x128x128xf32, #tpu.memory_space<vmem>> -> memref<128x128xf32, #tpu.memory_space<vmem>>
    %dma_start3A_226 = arith.constant 0 : i32
    %dma_start3A_227 = tpu.memref_slice %arg5[%dma_start3A_220, %dma_start3A_226] : memref<24x128xi32, #tpu.memory_space<vmem>> -> memref<1x128xi32, #tpu.memory_space<vmem>>
    %dma_start3A_228 = tpu.memref_squeeze %dma_start3A_227 : memref<1x128xi32, #tpu.memory_space<vmem>> -> memref<128xi32, #tpu.memory_space<vmem>>
    %dma_start3A_229 = arith.constant 0 : i32
    %dma_start3A_230 = arith.constant 0 : i32
    %dma_start3A_231 = tpu.memref_slice %arg3[%dma_start3A_229, %dma_start3A_230] : memref<8192x128xf32, #tpu.memory_space<hbm>> -> memref<8192x128xf32, #tpu.memory_space<hbm>>
    tpu.enqueue_indirect_dma source(%dma_start3A_231 : memref<8192x128xf32, #tpu.memory_space<hbm>>) target(%dma_start3A_225 : memref<128x128xf32, #tpu.memory_space<vmem>>) offsets(%dma_start3A_228 : memref<128xi32, #tpu.memory_space<vmem>>) semaphore(%arg9 : memref<!tpu.dma_semaphore, #tpu.memory_space<semaphore_mem>>)
    %dma_wait3A_232 = arith.constant 4 : i32
    %dma_wait3A_233 = arith.constant 0 : i32
    %dma_wait3A_234 = arith.constant 0 : i32
    %dma_wait3A_235 = arith.constant 0 : i32
    %dma_wait3A_236 = tpu.memref_slice %arg6[%dma_wait3A_233, %dma_wait3A_234, %dma_wait3A_235] : memref<4x128x128xf32, #tpu.memory_space<vmem>> -> memref<1x128x128xf32, #tpu.memory_space<vmem>>
    %dma_wait3A_237 = tpu.memref_squeeze %dma_wait3A_236 : memref<1x128x128xf32, #tpu.memory_space<vmem>> -> memref<128x128xf32, #tpu.memory_space<vmem>>
    %dma_wait3A_238 = arith.constant 0 : i32
    %dma_wait3A_239 = tpu.memref_slice %arg5[%dma_wait3A_232, %dma_wait3A_238] : memref<24x128xi32, #tpu.memory_space<vmem>> -> memref<1x128xi32, #tpu.memory_space<vmem>>
    %dma_wait3A_240 = tpu.memref_squeeze %dma_wait3A_239 : memref<1x128xi32, #tpu.memory_space<vmem>> -> memref<128xi32, #tpu.memory_space<vmem>>
    %dma_wait3A_241 = arith.constant 0 : i32
    %dma_wait3A_242 = arith.constant 0 : i32
    %dma_wait3A_243 = tpu.memref_slice %arg3[%dma_wait3A_241, %dma_wait3A_242] : memref<8192x128xf32, #tpu.memory_space<hbm>> -> memref<8192x128xf32, #tpu.memory_space<hbm>>
    tpu.wait_indirect_dma semaphore(%arg7 : memref<!tpu.dma_semaphore, #tpu.memory_space<semaphore_mem>>) src(%dma_wait3A_243 : memref<8192x128xf32, #tpu.memory_space<hbm>>) dst(%dma_wait3A_237 : memref<128x128xf32, #tpu.memory_space<vmem>>)
    %add3A_244 = arith.constant 512 : i32
    %add3A_245 = arith.addi %mul3A_2, %add3A_244 : i32
    %dma_start3A_246 = arith.constant 0 : i32
    %dma_start3A_247 = arith.constant 0 : i32
    %dma_start3A_248 = arith.constant 0 : i32
    %dma_start3A_249 = tpu.memref_slice %arg6[%dma_start3A_246, %dma_start3A_247, %dma_start3A_248] : memref<4x128x128xf32, #tpu.memory_space<vmem>> -> memref<1x128x128xf32, #tpu.memory_space<vmem>>
    %dma_start3A_250 = tpu.memref_squeeze %dma_start3A_249 : memref<1x128x128xf32, #tpu.memory_space<vmem>> -> memref<128x128xf32, #tpu.memory_space<vmem>>
    %dma_start3A_251 = arith.constant 0 : i32
    %dma_start3A_252 = tpu.memref_slice %arg4[%add3A_245, %dma_start3A_251] : memref<98304x128xf32, #tpu.memory_space<hbm>> -> memref<128x128xf32, #tpu.memory_space<hbm>>
    %dma_start3A_253 = arith.constant 0 : i32
    %dma_start3A_254 = tpu.memref_slice %arg4[%add3A_245, %dma_start3A_253] : memref<98304x128xf32, #tpu.memory_space<hbm>> -> memref<128x128xf32, #tpu.memory_space<hbm>>
    %dma_start3A_255 = arith.constant 0 : i32
    %dma_start3A_256 = arith.constant 0 : i32
    %dma_start3A_257 = tpu.memref_slice %arg6[%dma_start3A_246, %dma_start3A_255, %dma_start3A_256] : memref<4x128x128xf32, #tpu.memory_space<vmem>> -> memref<1x128x128xf32, #tpu.memory_space<vmem>>
    %dma_start3A_258 = tpu.memref_squeeze %dma_start3A_257 : memref<1x128x128xf32, #tpu.memory_space<vmem>> -> memref<128x128xf32, #tpu.memory_space<vmem>>
    tpu.enqueue_dma source(%dma_start3A_258 : memref<128x128xf32, #tpu.memory_space<vmem>>) target(%dma_start3A_254 : memref<128x128xf32, #tpu.memory_space<hbm>>) target_semaphore(%arg11 : memref<!tpu.dma_semaphore, #tpu.memory_space<semaphore_mem>>)
    %dma_wait3A_259 = arith.constant 3 : i32
    %dma_wait3A_260 = arith.constant 0 : i32
    %dma_wait3A_261 = arith.constant 0 : i32
    %dma_wait3A_262 = tpu.memref_slice %arg6[%dma_wait3A_259, %dma_wait3A_260, %dma_wait3A_261] : memref<4x128x128xf32, #tpu.memory_space<vmem>> -> memref<1x128x128xf32, #tpu.memory_space<vmem>>
    %dma_wait3A_263 = tpu.memref_squeeze %dma_wait3A_262 : memref<1x128x128xf32, #tpu.memory_space<vmem>> -> memref<128x128xf32, #tpu.memory_space<vmem>>
    %dma_wait3A_264 = arith.constant 0 : i32
    %dma_wait3A_265 = tpu.memref_slice %arg4[%add3A_193, %dma_wait3A_264] : memref<98304x128xf32, #tpu.memory_space<hbm>> -> memref<128x128xf32, #tpu.memory_space<hbm>>
    %dma_wait3A_266 = arith.constant 0 : i32
    %dma_wait3A_267 = tpu.memref_slice %arg4[%add3A_193, %dma_wait3A_266] : memref<98304x128xf32, #tpu.memory_space<hbm>> -> memref<128x128xf32, #tpu.memory_space<hbm>>
    %dma_wait3A_268 = arith.constant 0 : i32
    %dma_wait3A_269 = arith.constant 0 : i32
    %dma_wait3A_270 = tpu.memref_slice %arg6[%dma_wait3A_259, %dma_wait3A_268, %dma_wait3A_269] : memref<4x128x128xf32, #tpu.memory_space<vmem>> -> memref<1x128x128xf32, #tpu.memory_space<vmem>>
    %dma_wait3A_271 = tpu.memref_squeeze %dma_wait3A_270 : memref<1x128x128xf32, #tpu.memory_space<vmem>> -> memref<128x128xf32, #tpu.memory_space<vmem>>
    tpu.wait_dma2 semaphore(%arg14 : memref<!tpu.dma_semaphore, #tpu.memory_space<semaphore_mem>>) src(%dma_wait3A_271 : memref<128x128xf32, #tpu.memory_space<vmem>>) dst(%dma_wait3A_267 : memref<128x128xf32, #tpu.memory_space<hbm>>)
    %dma_start3A_272 = arith.constant 7 : i32
    %dma_start3A_273 = arith.constant 3 : i32
    %dma_start3A_274 = arith.constant 0 : i32
    %dma_start3A_275 = arith.constant 0 : i32
    %dma_start3A_276 = tpu.memref_slice %arg6[%dma_start3A_273, %dma_start3A_274, %dma_start3A_275] : memref<4x128x128xf32, #tpu.memory_space<vmem>> -> memref<1x128x128xf32, #tpu.memory_space<vmem>>
    %dma_start3A_277 = tpu.memref_squeeze %dma_start3A_276 : memref<1x128x128xf32, #tpu.memory_space<vmem>> -> memref<128x128xf32, #tpu.memory_space<vmem>>
    %dma_start3A_278 = arith.constant 0 : i32
    %dma_start3A_279 = tpu.memref_slice %arg5[%dma_start3A_272, %dma_start3A_278] : memref<24x128xi32, #tpu.memory_space<vmem>> -> memref<1x128xi32, #tpu.memory_space<vmem>>
    %dma_start3A_280 = tpu.memref_squeeze %dma_start3A_279 : memref<1x128xi32, #tpu.memory_space<vmem>> -> memref<128xi32, #tpu.memory_space<vmem>>
    %dma_start3A_281 = arith.constant 0 : i32
    %dma_start3A_282 = arith.constant 0 : i32
    %dma_start3A_283 = tpu.memref_slice %arg3[%dma_start3A_281, %dma_start3A_282] : memref<8192x128xf32, #tpu.memory_space<hbm>> -> memref<8192x128xf32, #tpu.memory_space<hbm>>
    tpu.enqueue_indirect_dma source(%dma_start3A_283 : memref<8192x128xf32, #tpu.memory_space<hbm>>) target(%dma_start3A_277 : memref<128x128xf32, #tpu.memory_space<vmem>>) offsets(%dma_start3A_280 : memref<128xi32, #tpu.memory_space<vmem>>) semaphore(%arg10 : memref<!tpu.dma_semaphore, #tpu.memory_space<semaphore_mem>>)
    %dma_wait3A_284 = arith.constant 5 : i32
    %dma_wait3A_285 = arith.constant 1 : i32
    %dma_wait3A_286 = arith.constant 0 : i32
    %dma_wait3A_287 = arith.constant 0 : i32
    %dma_wait3A_288 = tpu.memref_slice %arg6[%dma_wait3A_285, %dma_wait3A_286, %dma_wait3A_287] : memref<4x128x128xf32, #tpu.memory_space<vmem>> -> memref<1x128x128xf32, #tpu.memory_space<vmem>>
    %dma_wait3A_289 = tpu.memref_squeeze %dma_wait3A_288 : memref<1x128x128xf32, #tpu.memory_space<vmem>> -> memref<128x128xf32, #tpu.memory_space<vmem>>
    %dma_wait3A_290 = arith.constant 0 : i32
    %dma_wait3A_291 = tpu.memref_slice %arg5[%dma_wait3A_284, %dma_wait3A_290] : memref<24x128xi32, #tpu.memory_space<vmem>> -> memref<1x128xi32, #tpu.memory_space<vmem>>
    %dma_wait3A_292 = tpu.memref_squeeze %dma_wait3A_291 : memref<1x128xi32, #tpu.memory_space<vmem>> -> memref<128xi32, #tpu.memory_space<vmem>>
    %dma_wait3A_293 = arith.constant 0 : i32
    %dma_wait3A_294 = arith.constant 0 : i32
    %dma_wait3A_295 = tpu.memref_slice %arg3[%dma_wait3A_293, %dma_wait3A_294] : memref<8192x128xf32, #tpu.memory_space<hbm>> -> memref<8192x128xf32, #tpu.memory_space<hbm>>
    tpu.wait_indirect_dma semaphore(%arg8 : memref<!tpu.dma_semaphore, #tpu.memory_space<semaphore_mem>>) src(%dma_wait3A_295 : memref<8192x128xf32, #tpu.memory_space<hbm>>) dst(%dma_wait3A_289 : memref<128x128xf32, #tpu.memory_space<vmem>>)
    %add3A_296 = arith.constant 640 : i32
    %add3A_297 = arith.addi %mul3A_2, %add3A_296 : i32
    %dma_start3A_298 = arith.constant 1 : i32
    %dma_start3A_299 = arith.constant 0 : i32
    %dma_start3A_300 = arith.constant 0 : i32
    %dma_start3A_301 = tpu.memref_slice %arg6[%dma_start3A_298, %dma_start3A_299, %dma_start3A_300] : memref<4x128x128xf32, #tpu.memory_space<vmem>> -> memref<1x128x128xf32, #tpu.memory_space<vmem>>
    %dma_start3A_302 = tpu.memref_squeeze %dma_start3A_301 : memref<1x128x128xf32, #tpu.memory_space<vmem>> -> memref<128x128xf32, #tpu.memory_space<vmem>>
    %dma_start3A_303 = arith.constant 0 : i32
    %dma_start3A_304 = tpu.memref_slice %arg4[%add3A_297, %dma_start3A_303] : memref<98304x128xf32, #tpu.memory_space<hbm>> -> memref<128x128xf32, #tpu.memory_space<hbm>>
    %dma_start3A_305 = arith.constant 0 : i32
    %dma_start3A_306 = tpu.memref_slice %arg4[%add3A_297, %dma_start3A_305] : memref<98304x128xf32, #tpu.memory_space<hbm>> -> memref<128x128xf32, #tpu.memory_space<hbm>>
    %dma_start3A_307 = arith.constant 0 : i32
    %dma_start3A_308 = arith.constant 0 : i32
    %dma_start3A_309 = tpu.memref_slice %arg6[%dma_start3A_298, %dma_start3A_307, %dma_start3A_308] : memref<4x128x128xf32, #tpu.memory_space<vmem>> -> memref<1x128x128xf32, #tpu.memory_space<vmem>>
    %dma_start3A_310 = tpu.memref_squeeze %dma_start3A_309 : memref<1x128x128xf32, #tpu.memory_space<vmem>> -> memref<128x128xf32, #tpu.memory_space<vmem>>
    tpu.enqueue_dma source(%dma_start3A_310 : memref<128x128xf32, #tpu.memory_space<vmem>>) target(%dma_start3A_306 : memref<128x128xf32, #tpu.memory_space<hbm>>) target_semaphore(%arg12 : memref<!tpu.dma_semaphore, #tpu.memory_space<semaphore_mem>>)
    %dma_wait3A_311 = arith.constant 0 : i32
    %dma_wait3A_312 = arith.constant 0 : i32
    %dma_wait3A_313 = arith.constant 0 : i32
    %dma_wait3A_314 = tpu.memref_slice %arg6[%dma_wait3A_311, %dma_wait3A_312, %dma_wait3A_313] : memref<4x128x128xf32, #tpu.memory_space<vmem>> -> memref<1x128x128xf32, #tpu.memory_space<vmem>>
    %dma_wait3A_315 = tpu.memref_squeeze %dma_wait3A_314 : memref<1x128x128xf32, #tpu.memory_space<vmem>> -> memref<128x128xf32, #tpu.memory_space<vmem>>
    %dma_wait3A_316 = arith.constant 0 : i32
    %dma_wait3A_317 = tpu.memref_slice %arg4[%add3A_245, %dma_wait3A_316] : memref<98304x128xf32, #tpu.memory_space<hbm>> -> memref<128x128xf32, #tpu.memory_space<hbm>>
    %dma_wait3A_318 = arith.constant 0 : i32
    %dma_wait3A_319 = tpu.memref_slice %arg4[%add3A_245, %dma_wait3A_318] : memref<98304x128xf32, #tpu.memory_space<hbm>> -> memref<128x128xf32, #tpu.memory_space<hbm>>
    %dma_wait3A_320 = arith.constant 0 : i32
    %dma_wait3A_321 = arith.constant 0 : i32
    %dma_wait3A_322 = tpu.memref_slice %arg6[%dma_wait3A_311, %dma_wait3A_320, %dma_wait3A_321] : memref<4x128x128xf32, #tpu.memory_space<vmem>> -> memref<1x128x128xf32, #tpu.memory_space<vmem>>
    %dma_wait3A_323 = tpu.memref_squeeze %dma_wait3A_322 : memref<1x128x128xf32, #tpu.memory_space<vmem>> -> memref<128x128xf32, #tpu.memory_space<vmem>>
    tpu.wait_dma2 semaphore(%arg11 : memref<!tpu.dma_semaphore, #tpu.memory_space<semaphore_mem>>) src(%dma_wait3A_323 : memref<128x128xf32, #tpu.memory_space<vmem>>) dst(%dma_wait3A_319 : memref<128x128xf32, #tpu.memory_space<hbm>>)
    %dma_start3A_324 = arith.constant 8 : i32
    %dma_start3A_325 = arith.constant 0 : i32
    %dma_start3A_326 = arith.constant 0 : i32
    %dma_start3A_327 = arith.constant 0 : i32
    %dma_start3A_328 = tpu.memref_slice %arg6[%dma_start3A_325, %dma_start3A_326, %dma_start3A_327] : memref<4x128x128xf32, #tpu.memory_space<vmem>> -> memref<1x128x128xf32, #tpu.memory_space<vmem>>
    %dma_start3A_329 = tpu.memref_squeeze %dma_start3A_328 : memref<1x128x128xf32, #tpu.memory_space<vmem>> -> memref<128x128xf32, #tpu.memory_space<vmem>>
    %dma_start3A_330 = arith.constant 0 : i32
    %dma_start3A_331 = tpu.memref_slice %arg5[%dma_start3A_324, %dma_start3A_330] : memref<24x128xi32, #tpu.memory_space<vmem>> -> memref<1x128xi32, #tpu.memory_space<vmem>>
    %dma_start3A_332 = tpu.memref_squeeze %dma_start3A_331 : memref<1x128xi32, #tpu.memory_space<vmem>> -> memref<128xi32, #tpu.memory_space<vmem>>
    %dma_start3A_333 = arith.constant 0 : i32
    %dma_start3A_334 = arith.constant 0 : i32
    %dma_start3A_335 = tpu.memref_slice %arg3[%dma_start3A_333, %dma_start3A_334] : memref<8192x128xf32, #tpu.memory_space<hbm>> -> memref<8192x128xf32, #tpu.memory_space<hbm>>
    tpu.enqueue_indirect_dma source(%dma_start3A_335 : memref<8192x128xf32, #tpu.memory_space<hbm>>) target(%dma_start3A_329 : memref<128x128xf32, #tpu.memory_space<vmem>>) offsets(%dma_start3A_332 : memref<128xi32, #tpu.memory_space<vmem>>) semaphore(%arg7 : memref<!tpu.dma_semaphore, #tpu.memory_space<semaphore_mem>>)
    %dma_wait3A_336 = arith.constant 6 : i32
    %dma_wait3A_337 = arith.constant 2 : i32
    %dma_wait3A_338 = arith.constant 0 : i32
    %dma_wait3A_339 = arith.constant 0 : i32
    %dma_wait3A_340 = tpu.memref_slice %arg6[%dma_wait3A_337, %dma_wait3A_338, %dma_wait3A_339] : memref<4x128x128xf32, #tpu.memory_space<vmem>> -> memref<1x128x128xf32, #tpu.memory_space<vmem>>
    %dma_wait3A_341 = tpu.memref_squeeze %dma_wait3A_340 : memref<1x128x128xf32, #tpu.memory_space<vmem>> -> memref<128x128xf32, #tpu.memory_space<vmem>>
    %dma_wait3A_342 = arith.constant 0 : i32
    %dma_wait3A_343 = tpu.memref_slice %arg5[%dma_wait3A_336, %dma_wait3A_342] : memref<24x128xi32, #tpu.memory_space<vmem>> -> memref<1x128xi32, #tpu.memory_space<vmem>>
    %dma_wait3A_344 = tpu.memref_squeeze %dma_wait3A_343 : memref<1x128xi32, #tpu.memory_space<vmem>> -> memref<128xi32, #tpu.memory_space<vmem>>
    %dma_wait3A_345 = arith.constant 0 : i32
    %dma_wait3A_346 = arith.constant 0 : i32
    %dma_wait3A_347 = tpu.memref_slice %arg3[%dma_wait3A_345, %dma_wait3A_346] : memref<8192x128xf32, #tpu.memory_space<hbm>> -> memref<8192x128xf32, #tpu.memory_space<hbm>>
    tpu.wait_indirect_dma semaphore(%arg9 : memref<!tpu.dma_semaphore, #tpu.memory_space<semaphore_mem>>) src(%dma_wait3A_347 : memref<8192x128xf32, #tpu.memory_space<hbm>>) dst(%dma_wait3A_341 : memref<128x128xf32, #tpu.memory_space<vmem>>)
    %add3A_348 = arith.constant 768 : i32
    %add3A_349 = arith.addi %mul3A_2, %add3A_348 : i32
    %dma_start3A_350 = arith.constant 2 : i32
    %dma_start3A_351 = arith.constant 0 : i32
    %dma_start3A_352 = arith.constant 0 : i32
    %dma_start3A_353 = tpu.memref_slice %arg6[%dma_start3A_350, %dma_start3A_351, %dma_start3A_352] : memref<4x128x128xf32, #tpu.memory_space<vmem>> -> memref<1x128x128xf32, #tpu.memory_space<vmem>>
    %dma_start3A_354 = tpu.memref_squeeze %dma_start3A_353 : memref<1x128x128xf32, #tpu.memory_space<vmem>> -> memref<128x128xf32, #tpu.memory_space<vmem>>
    %dma_start3A_355 = arith.constant 0 : i32
    %dma_start3A_356 = tpu.memref_slice %arg4[%add3A_349, %dma_start3A_355] : memref<98304x128xf32, #tpu.memory_space<hbm>> -> memref<128x128xf32, #tpu.memory_space<hbm>>
    %dma_start3A_357 = arith.constant 0 : i32
    %dma_start3A_358 = tpu.memref_slice %arg4[%add3A_349, %dma_start3A_357] : memref<98304x128xf32, #tpu.memory_space<hbm>> -> memref<128x128xf32, #tpu.memory_space<hbm>>
    %dma_start3A_359 = arith.constant 0 : i32
    %dma_start3A_360 = arith.constant 0 : i32
    %dma_start3A_361 = tpu.memref_slice %arg6[%dma_start3A_350, %dma_start3A_359, %dma_start3A_360] : memref<4x128x128xf32, #tpu.memory_space<vmem>> -> memref<1x128x128xf32, #tpu.memory_space<vmem>>
    %dma_start3A_362 = tpu.memref_squeeze %dma_start3A_361 : memref<1x128x128xf32, #tpu.memory_space<vmem>> -> memref<128x128xf32, #tpu.memory_space<vmem>>
    tpu.enqueue_dma source(%dma_start3A_362 : memref<128x128xf32, #tpu.memory_space<vmem>>) target(%dma_start3A_358 : memref<128x128xf32, #tpu.memory_space<hbm>>) target_semaphore(%arg13 : memref<!tpu.dma_semaphore, #tpu.memory_space<semaphore_mem>>)
    %dma_wait3A_363 = arith.constant 1 : i32
    %dma_wait3A_364 = arith.constant 0 : i32
    %dma_wait3A_365 = arith.constant 0 : i32
    %dma_wait3A_366 = tpu.memref_slice %arg6[%dma_wait3A_363, %dma_wait3A_364, %dma_wait3A_365] : memref<4x128x128xf32, #tpu.memory_space<vmem>> -> memref<1x128x128xf32, #tpu.memory_space<vmem>>
    %dma_wait3A_367 = tpu.memref_squeeze %dma_wait3A_366 : memref<1x128x128xf32, #tpu.memory_space<vmem>> -> memref<128x128xf32, #tpu.memory_space<vmem>>
    %dma_wait3A_368 = arith.constant 0 : i32
    %dma_wait3A_369 = tpu.memref_slice %arg4[%add3A_297, %dma_wait3A_368] : memref<98304x128xf32, #tpu.memory_space<hbm>> -> memref<128x128xf32, #tpu.memory_space<hbm>>
    %dma_wait3A_370 = arith.constant 0 : i32
    %dma_wait3A_371 = tpu.memref_slice %arg4[%add3A_297, %dma_wait3A_370] : memref<98304x128xf32, #tpu.memory_space<hbm>> -> memref<128x128xf32, #tpu.memory_space<hbm>>
    %dma_wait3A_372 = arith.constant 0 : i32
    %dma_wait3A_373 = arith.constant 0 : i32
    %dma_wait3A_374 = tpu.memref_slice %arg6[%dma_wait3A_363, %dma_wait3A_372, %dma_wait3A_373] : memref<4x128x128xf32, #tpu.memory_space<vmem>> -> memref<1x128x128xf32, #tpu.memory_space<vmem>>
    %dma_wait3A_375 = tpu.memref_squeeze %dma_wait3A_374 : memref<1x128x128xf32, #tpu.memory_space<vmem>> -> memref<128x128xf32, #tpu.memory_space<vmem>>
    tpu.wait_dma2 semaphore(%arg12 : memref<!tpu.dma_semaphore, #tpu.memory_space<semaphore_mem>>) src(%dma_wait3A_375 : memref<128x128xf32, #tpu.memory_space<vmem>>) dst(%dma_wait3A_371 : memref<128x128xf32, #tpu.memory_space<hbm>>)
    %dma_start3A_376 = arith.constant 9 : i32
    %dma_start3A_377 = arith.constant 1 : i32
    %dma_start3A_378 = arith.constant 0 : i32
    %dma_start3A_379 = arith.constant 0 : i32
    %dma_start3A_380 = tpu.memref_slice %arg6[%dma_start3A_377, %dma_start3A_378, %dma_start3A_379] : memref<4x128x128xf32, #tpu.memory_space<vmem>> -> memref<1x128x128xf32, #tpu.memory_space<vmem>>
    %dma_start3A_381 = tpu.memref_squeeze %dma_start3A_380 : memref<1x128x128xf32, #tpu.memory_space<vmem>> -> memref<128x128xf32, #tpu.memory_space<vmem>>
    %dma_start3A_382 = arith.constant 0 : i32
    %dma_start3A_383 = tpu.memref_slice %arg5[%dma_start3A_376, %dma_start3A_382] : memref<24x128xi32, #tpu.memory_space<vmem>> -> memref<1x128xi32, #tpu.memory_space<vmem>>
    %dma_start3A_384 = tpu.memref_squeeze %dma_start3A_383 : memref<1x128xi32, #tpu.memory_space<vmem>> -> memref<128xi32, #tpu.memory_space<vmem>>
    %dma_start3A_385 = arith.constant 0 : i32
    %dma_start3A_386 = arith.constant 0 : i32
    %dma_start3A_387 = tpu.memref_slice %arg3[%dma_start3A_385, %dma_start3A_386] : memref<8192x128xf32, #tpu.memory_space<hbm>> -> memref<8192x128xf32, #tpu.memory_space<hbm>>
    tpu.enqueue_indirect_dma source(%dma_start3A_387 : memref<8192x128xf32, #tpu.memory_space<hbm>>) target(%dma_start3A_381 : memref<128x128xf32, #tpu.memory_space<vmem>>) offsets(%dma_start3A_384 : memref<128xi32, #tpu.memory_space<vmem>>) semaphore(%arg8 : memref<!tpu.dma_semaphore, #tpu.memory_space<semaphore_mem>>)
    %dma_wait3A_388 = arith.constant 7 : i32
    %dma_wait3A_389 = arith.constant 3 : i32
    %dma_wait3A_390 = arith.constant 0 : i32
    %dma_wait3A_391 = arith.constant 0 : i32
    %dma_wait3A_392 = tpu.memref_slice %arg6[%dma_wait3A_389, %dma_wait3A_390, %dma_wait3A_391] : memref<4x128x128xf32, #tpu.memory_space<vmem>> -> memref<1x128x128xf32, #tpu.memory_space<vmem>>
    %dma_wait3A_393 = tpu.memref_squeeze %dma_wait3A_392 : memref<1x128x128xf32, #tpu.memory_space<vmem>> -> memref<128x128xf32, #tpu.memory_space<vmem>>
    %dma_wait3A_394 = arith.constant 0 : i32
    %dma_wait3A_395 = tpu.memref_slice %arg5[%dma_wait3A_388, %dma_wait3A_394] : memref<24x128xi32, #tpu.memory_space<vmem>> -> memref<1x128xi32, #tpu.memory_space<vmem>>
    %dma_wait3A_396 = tpu.memref_squeeze %dma_wait3A_395 : memref<1x128xi32, #tpu.memory_space<vmem>> -> memref<128xi32, #tpu.memory_space<vmem>>
    %dma_wait3A_397 = arith.constant 0 : i32
    %dma_wait3A_398 = arith.constant 0 : i32
    %dma_wait3A_399 = tpu.memref_slice %arg3[%dma_wait3A_397, %dma_wait3A_398] : memref<8192x128xf32, #tpu.memory_space<hbm>> -> memref<8192x128xf32, #tpu.memory_space<hbm>>
    tpu.wait_indirect_dma semaphore(%arg10 : memref<!tpu.dma_semaphore, #tpu.memory_space<semaphore_mem>>) src(%dma_wait3A_399 : memref<8192x128xf32, #tpu.memory_space<hbm>>) dst(%dma_wait3A_393 : memref<128x128xf32, #tpu.memory_space<vmem>>)
    %add3A_400 = arith.constant 896 : i32
    %add3A_401 = arith.addi %mul3A_2, %add3A_400 : i32
    %dma_start3A_402 = arith.constant 3 : i32
    %dma_start3A_403 = arith.constant 0 : i32
    %dma_start3A_404 = arith.constant 0 : i32
    %dma_start3A_405 = tpu.memref_slice %arg6[%dma_start3A_402, %dma_start3A_403, %dma_start3A_404] : memref<4x128x128xf32, #tpu.memory_space<vmem>> -> memref<1x128x128xf32, #tpu.memory_space<vmem>>
    %dma_start3A_406 = tpu.memref_squeeze %dma_start3A_405 : memref<1x128x128xf32, #tpu.memory_space<vmem>> -> memref<128x128xf32, #tpu.memory_space<vmem>>
    %dma_start3A_407 = arith.constant 0 : i32
    %dma_start3A_408 = tpu.memref_slice %arg4[%add3A_401, %dma_start3A_407] : memref<98304x128xf32, #tpu.memory_space<hbm>> -> memref<128x128xf32, #tpu.memory_space<hbm>>
    %dma_start3A_409 = arith.constant 0 : i32
    %dma_start3A_410 = tpu.memref_slice %arg4[%add3A_401, %dma_start3A_409] : memref<98304x128xf32, #tpu.memory_space<hbm>> -> memref<128x128xf32, #tpu.memory_space<hbm>>
    %dma_start3A_411 = arith.constant 0 : i32
    %dma_start3A_412 = arith.constant 0 : i32
    %dma_start3A_413 = tpu.memref_slice %arg6[%dma_start3A_402, %dma_start3A_411, %dma_start3A_412] : memref<4x128x128xf32, #tpu.memory_space<vmem>> -> memref<1x128x128xf32, #tpu.memory_space<vmem>>
    %dma_start3A_414 = tpu.memref_squeeze %dma_start3A_413 : memref<1x128x128xf32, #tpu.memory_space<vmem>> -> memref<128x128xf32, #tpu.memory_space<vmem>>
    tpu.enqueue_dma source(%dma_start3A_414 : memref<128x128xf32, #tpu.memory_space<vmem>>) target(%dma_start3A_410 : memref<128x128xf32, #tpu.memory_space<hbm>>) target_semaphore(%arg14 : memref<!tpu.dma_semaphore, #tpu.memory_space<semaphore_mem>>)
    %dma_wait3A_415 = arith.constant 2 : i32
    %dma_wait3A_416 = arith.constant 0 : i32
    %dma_wait3A_417 = arith.constant 0 : i32
    %dma_wait3A_418 = tpu.memref_slice %arg6[%dma_wait3A_415, %dma_wait3A_416, %dma_wait3A_417] : memref<4x128x128xf32, #tpu.memory_space<vmem>> -> memref<1x128x128xf32, #tpu.memory_space<vmem>>
    %dma_wait3A_419 = tpu.memref_squeeze %dma_wait3A_418 : memref<1x128x128xf32, #tpu.memory_space<vmem>> -> memref<128x128xf32, #tpu.memory_space<vmem>>
    %dma_wait3A_420 = arith.constant 0 : i32
    %dma_wait3A_421 = tpu.memref_slice %arg4[%add3A_349, %dma_wait3A_420] : memref<98304x128xf32, #tpu.memory_space<hbm>> -> memref<128x128xf32, #tpu.memory_space<hbm>>
    %dma_wait3A_422 = arith.constant 0 : i32
    %dma_wait3A_423 = tpu.memref_slice %arg4[%add3A_349, %dma_wait3A_422] : memref<98304x128xf32, #tpu.memory_space<hbm>> -> memref<128x128xf32, #tpu.memory_space<hbm>>
    %dma_wait3A_424 = arith.constant 0 : i32
    %dma_wait3A_425 = arith.constant 0 : i32
    %dma_wait3A_426 = tpu.memref_slice %arg6[%dma_wait3A_415, %dma_wait3A_424, %dma_wait3A_425] : memref<4x128x128xf32, #tpu.memory_space<vmem>> -> memref<1x128x128xf32, #tpu.memory_space<vmem>>
    %dma_wait3A_427 = tpu.memref_squeeze %dma_wait3A_426 : memref<1x128x128xf32, #tpu.memory_space<vmem>> -> memref<128x128xf32, #tpu.memory_space<vmem>>
    tpu.wait_dma2 semaphore(%arg13 : memref<!tpu.dma_semaphore, #tpu.memory_space<semaphore_mem>>) src(%dma_wait3A_427 : memref<128x128xf32, #tpu.memory_space<vmem>>) dst(%dma_wait3A_423 : memref<128x128xf32, #tpu.memory_space<hbm>>)
    %dma_start3A_428 = arith.constant 10 : i32
    %dma_start3A_429 = arith.constant 2 : i32
    %dma_start3A_430 = arith.constant 0 : i32
    %dma_start3A_431 = arith.constant 0 : i32
    %dma_start3A_432 = tpu.memref_slice %arg6[%dma_start3A_429, %dma_start3A_430, %dma_start3A_431] : memref<4x128x128xf32, #tpu.memory_space<vmem>> -> memref<1x128x128xf32, #tpu.memory_space<vmem>>
    %dma_start3A_433 = tpu.memref_squeeze %dma_start3A_432 : memref<1x128x128xf32, #tpu.memory_space<vmem>> -> memref<128x128xf32, #tpu.memory_space<vmem>>
    %dma_start3A_434 = arith.constant 0 : i32
    %dma_start3A_435 = tpu.memref_slice %arg5[%dma_start3A_428, %dma_start3A_434] : memref<24x128xi32, #tpu.memory_space<vmem>> -> memref<1x128xi32, #tpu.memory_space<vmem>>
    %dma_start3A_436 = tpu.memref_squeeze %dma_start3A_435 : memref<1x128xi32, #tpu.memory_space<vmem>> -> memref<128xi32, #tpu.memory_space<vmem>>
    %dma_start3A_437 = arith.constant 0 : i32
    %dma_start3A_438 = arith.constant 0 : i32
    %dma_start3A_439 = tpu.memref_slice %arg3[%dma_start3A_437, %dma_start3A_438] : memref<8192x128xf32, #tpu.memory_space<hbm>> -> memref<8192x128xf32, #tpu.memory_space<hbm>>
    tpu.enqueue_indirect_dma source(%dma_start3A_439 : memref<8192x128xf32, #tpu.memory_space<hbm>>) target(%dma_start3A_433 : memref<128x128xf32, #tpu.memory_space<vmem>>) offsets(%dma_start3A_436 : memref<128xi32, #tpu.memory_space<vmem>>) semaphore(%arg9 : memref<!tpu.dma_semaphore, #tpu.memory_space<semaphore_mem>>)
    %dma_wait3A_440 = arith.constant 8 : i32
    %dma_wait3A_441 = arith.constant 0 : i32
    %dma_wait3A_442 = arith.constant 0 : i32
    %dma_wait3A_443 = arith.constant 0 : i32
    %dma_wait3A_444 = tpu.memref_slice %arg6[%dma_wait3A_441, %dma_wait3A_442, %dma_wait3A_443] : memref<4x128x128xf32, #tpu.memory_space<vmem>> -> memref<1x128x128xf32, #tpu.memory_space<vmem>>
    %dma_wait3A_445 = tpu.memref_squeeze %dma_wait3A_444 : memref<1x128x128xf32, #tpu.memory_space<vmem>> -> memref<128x128xf32, #tpu.memory_space<vmem>>
    %dma_wait3A_446 = arith.constant 0 : i32
    %dma_wait3A_447 = tpu.memref_slice %arg5[%dma_wait3A_440, %dma_wait3A_446] : memref<24x128xi32, #tpu.memory_space<vmem>> -> memref<1x128xi32, #tpu.memory_space<vmem>>
    %dma_wait3A_448 = tpu.memref_squeeze %dma_wait3A_447 : memref<1x128xi32, #tpu.memory_space<vmem>> -> memref<128xi32, #tpu.memory_space<vmem>>
    %dma_wait3A_449 = arith.constant 0 : i32
    %dma_wait3A_450 = arith.constant 0 : i32
    %dma_wait3A_451 = tpu.memref_slice %arg3[%dma_wait3A_449, %dma_wait3A_450] : memref<8192x128xf32, #tpu.memory_space<hbm>> -> memref<8192x128xf32, #tpu.memory_space<hbm>>
    tpu.wait_indirect_dma semaphore(%arg7 : memref<!tpu.dma_semaphore, #tpu.memory_space<semaphore_mem>>) src(%dma_wait3A_451 : memref<8192x128xf32, #tpu.memory_space<hbm>>) dst(%dma_wait3A_445 : memref<128x128xf32, #tpu.memory_space<vmem>>)
    %add3A_452 = arith.constant 1024 : i32
    %add3A_453 = arith.addi %mul3A_2, %add3A_452 : i32
    %dma_start3A_454 = arith.constant 0 : i32
    %dma_start3A_455 = arith.constant 0 : i32
    %dma_start3A_456 = arith.constant 0 : i32
    %dma_start3A_457 = tpu.memref_slice %arg6[%dma_start3A_454, %dma_start3A_455, %dma_start3A_456] : memref<4x128x128xf32, #tpu.memory_space<vmem>> -> memref<1x128x128xf32, #tpu.memory_space<vmem>>
    %dma_start3A_458 = tpu.memref_squeeze %dma_start3A_457 : memref<1x128x128xf32, #tpu.memory_space<vmem>> -> memref<128x128xf32, #tpu.memory_space<vmem>>
    %dma_start3A_459 = arith.constant 0 : i32
    %dma_start3A_460 = tpu.memref_slice %arg4[%add3A_453, %dma_start3A_459] : memref<98304x128xf32, #tpu.memory_space<hbm>> -> memref<128x128xf32, #tpu.memory_space<hbm>>
    %dma_start3A_461 = arith.constant 0 : i32
    %dma_start3A_462 = tpu.memref_slice %arg4[%add3A_453, %dma_start3A_461] : memref<98304x128xf32, #tpu.memory_space<hbm>> -> memref<128x128xf32, #tpu.memory_space<hbm>>
    %dma_start3A_463 = arith.constant 0 : i32
    %dma_start3A_464 = arith.constant 0 : i32
    %dma_start3A_465 = tpu.memref_slice %arg6[%dma_start3A_454, %dma_start3A_463, %dma_start3A_464] : memref<4x128x128xf32, #tpu.memory_space<vmem>> -> memref<1x128x128xf32, #tpu.memory_space<vmem>>
    %dma_start3A_466 = tpu.memref_squeeze %dma_start3A_465 : memref<1x128x128xf32, #tpu.memory_space<vmem>> -> memref<128x128xf32, #tpu.memory_space<vmem>>
    tpu.enqueue_dma source(%dma_start3A_466 : memref<128x128xf32, #tpu.memory_space<vmem>>) target(%dma_start3A_462 : memref<128x128xf32, #tpu.memory_space<hbm>>) target_semaphore(%arg11 : memref<!tpu.dma_semaphore, #tpu.memory_space<semaphore_mem>>)
    %dma_wait3A_467 = arith.constant 3 : i32
    %dma_wait3A_468 = arith.constant 0 : i32
    %dma_wait3A_469 = arith.constant 0 : i32
    %dma_wait3A_470 = tpu.memref_slice %arg6[%dma_wait3A_467, %dma_wait3A_468, %dma_wait3A_469] : memref<4x128x128xf32, #tpu.memory_space<vmem>> -> memref<1x128x128xf32, #tpu.memory_space<vmem>>
    %dma_wait3A_471 = tpu.memref_squeeze %dma_wait3A_470 : memref<1x128x128xf32, #tpu.memory_space<vmem>> -> memref<128x128xf32, #tpu.memory_space<vmem>>
    %dma_wait3A_472 = arith.constant 0 : i32
    %dma_wait3A_473 = tpu.memref_slice %arg4[%add3A_401, %dma_wait3A_472] : memref<98304x128xf32, #tpu.memory_space<hbm>> -> memref<128x128xf32, #tpu.memory_space<hbm>>
    %dma_wait3A_474 = arith.constant 0 : i32
    %dma_wait3A_475 = tpu.memref_slice %arg4[%add3A_401, %dma_wait3A_474] : memref<98304x128xf32, #tpu.memory_space<hbm>> -> memref<128x128xf32, #tpu.memory_space<hbm>>
    %dma_wait3A_476 = arith.constant 0 : i32
    %dma_wait3A_477 = arith.constant 0 : i32
    %dma_wait3A_478 = tpu.memref_slice %arg6[%dma_wait3A_467, %dma_wait3A_476, %dma_wait3A_477] : memref<4x128x128xf32, #tpu.memory_space<vmem>> -> memref<1x128x128xf32, #tpu.memory_space<vmem>>
    %dma_wait3A_479 = tpu.memref_squeeze %dma_wait3A_478 : memref<1x128x128xf32, #tpu.memory_space<vmem>> -> memref<128x128xf32, #tpu.memory_space<vmem>>
    tpu.wait_dma2 semaphore(%arg14 : memref<!tpu.dma_semaphore, #tpu.memory_space<semaphore_mem>>) src(%dma_wait3A_479 : memref<128x128xf32, #tpu.memory_space<vmem>>) dst(%dma_wait3A_475 : memref<128x128xf32, #tpu.memory_space<hbm>>)
    %dma_start3A_480 = arith.constant 11 : i32
    %dma_start3A_481 = arith.constant 3 : i32
    %dma_start3A_482 = arith.constant 0 : i32
    %dma_start3A_483 = arith.constant 0 : i32
    %dma_start3A_484 = tpu.memref_slice %arg6[%dma_start3A_481, %dma_start3A_482, %dma_start3A_483] : memref<4x128x128xf32, #tpu.memory_space<vmem>> -> memref<1x128x128xf32, #tpu.memory_space<vmem>>
    %dma_start3A_485 = tpu.memref_squeeze %dma_start3A_484 : memref<1x128x128xf32, #tpu.memory_space<vmem>> -> memref<128x128xf32, #tpu.memory_space<vmem>>
    %dma_start3A_486 = arith.constant 0 : i32
    %dma_start3A_487 = tpu.memref_slice %arg5[%dma_start3A_480, %dma_start3A_486] : memref<24x128xi32, #tpu.memory_space<vmem>> -> memref<1x128xi32, #tpu.memory_space<vmem>>
    %dma_start3A_488 = tpu.memref_squeeze %dma_start3A_487 : memref<1x128xi32, #tpu.memory_space<vmem>> -> memref<128xi32, #tpu.memory_space<vmem>>
    %dma_start3A_489 = arith.constant 0 : i32
    %dma_start3A_490 = arith.constant 0 : i32
    %dma_start3A_491 = tpu.memref_slice %arg3[%dma_start3A_489, %dma_start3A_490] : memref<8192x128xf32, #tpu.memory_space<hbm>> -> memref<8192x128xf32, #tpu.memory_space<hbm>>
    tpu.enqueue_indirect_dma source(%dma_start3A_491 : memref<8192x128xf32, #tpu.memory_space<hbm>>) target(%dma_start3A_485 : memref<128x128xf32, #tpu.memory_space<vmem>>) offsets(%dma_start3A_488 : memref<128xi32, #tpu.memory_space<vmem>>) semaphore(%arg10 : memref<!tpu.dma_semaphore, #tpu.memory_space<semaphore_mem>>)
    %dma_wait3A_492 = arith.constant 9 : i32
    %dma_wait3A_493 = arith.constant 1 : i32
    %dma_wait3A_494 = arith.constant 0 : i32
    %dma_wait3A_495 = arith.constant 0 : i32
    %dma_wait3A_496 = tpu.memref_slice %arg6[%dma_wait3A_493, %dma_wait3A_494, %dma_wait3A_495] : memref<4x128x128xf32, #tpu.memory_space<vmem>> -> memref<1x128x128xf32, #tpu.memory_space<vmem>>
    %dma_wait3A_497 = tpu.memref_squeeze %dma_wait3A_496 : memref<1x128x128xf32, #tpu.memory_space<vmem>> -> memref<128x128xf32, #tpu.memory_space<vmem>>
    %dma_wait3A_498 = arith.constant 0 : i32
    %dma_wait3A_499 = tpu.memref_slice %arg5[%dma_wait3A_492, %dma_wait3A_498] : memref<24x128xi32, #tpu.memory_space<vmem>> -> memref<1x128xi32, #tpu.memory_space<vmem>>
    %dma_wait3A_500 = tpu.memref_squeeze %dma_wait3A_499 : memref<1x128xi32, #tpu.memory_space<vmem>> -> memref<128xi32, #tpu.memory_space<vmem>>
    %dma_wait3A_501 = arith.constant 0 : i32
    %dma_wait3A_502 = arith.constant 0 : i32
    %dma_wait3A_503 = tpu.memref_slice %arg3[%dma_wait3A_501, %dma_wait3A_502] : memref<8192x128xf32, #tpu.memory_space<hbm>> -> memref<8192x128xf32, #tpu.memory_space<hbm>>
    tpu.wait_indirect_dma semaphore(%arg8 : memref<!tpu.dma_semaphore, #tpu.memory_space<semaphore_mem>>) src(%dma_wait3A_503 : memref<8192x128xf32, #tpu.memory_space<hbm>>) dst(%dma_wait3A_497 : memref<128x128xf32, #tpu.memory_space<vmem>>)
    %add3A_504 = arith.constant 1152 : i32
    %add3A_505 = arith.addi %mul3A_2, %add3A_504 : i32
    %dma_start3A_506 = arith.constant 1 : i32
    %dma_start3A_507 = arith.constant 0 : i32
    %dma_start3A_508 = arith.constant 0 : i32
    %dma_start3A_509 = tpu.memref_slice %arg6[%dma_start3A_506, %dma_start3A_507, %dma_start3A_508] : memref<4x128x128xf32, #tpu.memory_space<vmem>> -> memref<1x128x128xf32, #tpu.memory_space<vmem>>
    %dma_start3A_510 = tpu.memref_squeeze %dma_start3A_509 : memref<1x128x128xf32, #tpu.memory_space<vmem>> -> memref<128x128xf32, #tpu.memory_space<vmem>>
    %dma_start3A_511 = arith.constant 0 : i32
    %dma_start3A_512 = tpu.memref_slice %arg4[%add3A_505, %dma_start3A_511] : memref<98304x128xf32, #tpu.memory_space<hbm>> -> memref<128x128xf32, #tpu.memory_space<hbm>>
    %dma_start3A_513 = arith.constant 0 : i32
    %dma_start3A_514 = tpu.memref_slice %arg4[%add3A_505, %dma_start3A_513] : memref<98304x128xf32, #tpu.memory_space<hbm>> -> memref<128x128xf32, #tpu.memory_space<hbm>>
    %dma_start3A_515 = arith.constant 0 : i32
    %dma_start3A_516 = arith.constant 0 : i32
    %dma_start3A_517 = tpu.memref_slice %arg6[%dma_start3A_506, %dma_start3A_515, %dma_start3A_516] : memref<4x128x128xf32, #tpu.memory_space<vmem>> -> memref<1x128x128xf32, #tpu.memory_space<vmem>>
    %dma_start3A_518 = tpu.memref_squeeze %dma_start3A_517 : memref<1x128x128xf32, #tpu.memory_space<vmem>> -> memref<128x128xf32, #tpu.memory_space<vmem>>
    tpu.enqueue_dma source(%dma_start3A_518 : memref<128x128xf32, #tpu.memory_space<vmem>>) target(%dma_start3A_514 : memref<128x128xf32, #tpu.memory_space<hbm>>) target_semaphore(%arg12 : memref<!tpu.dma_semaphore, #tpu.memory_space<semaphore_mem>>)
    %dma_wait3A_519 = arith.constant 0 : i32
    %dma_wait3A_520 = arith.constant 0 : i32
    %dma_wait3A_521 = arith.constant 0 : i32
    %dma_wait3A_522 = tpu.memref_slice %arg6[%dma_wait3A_519, %dma_wait3A_520, %dma_wait3A_521] : memref<4x128x128xf32, #tpu.memory_space<vmem>> -> memref<1x128x128xf32, #tpu.memory_space<vmem>>
    %dma_wait3A_523 = tpu.memref_squeeze %dma_wait3A_522 : memref<1x128x128xf32, #tpu.memory_space<vmem>> -> memref<128x128xf32, #tpu.memory_space<vmem>>
    %dma_wait3A_524 = arith.constant 0 : i32
    %dma_wait3A_525 = tpu.memref_slice %arg4[%add3A_453, %dma_wait3A_524] : memref<98304x128xf32, #tpu.memory_space<hbm>> -> memref<128x128xf32, #tpu.memory_space<hbm>>
    %dma_wait3A_526 = arith.constant 0 : i32
    %dma_wait3A_527 = tpu.memref_slice %arg4[%add3A_453, %dma_wait3A_526] : memref<98304x128xf32, #tpu.memory_space<hbm>> -> memref<128x128xf32, #tpu.memory_space<hbm>>
    %dma_wait3A_528 = arith.constant 0 : i32
    %dma_wait3A_529 = arith.constant 0 : i32
    %dma_wait3A_530 = tpu.memref_slice %arg6[%dma_wait3A_519, %dma_wait3A_528, %dma_wait3A_529] : memref<4x128x128xf32, #tpu.memory_space<vmem>> -> memref<1x128x128xf32, #tpu.memory_space<vmem>>
    %dma_wait3A_531 = tpu.memref_squeeze %dma_wait3A_530 : memref<1x128x128xf32, #tpu.memory_space<vmem>> -> memref<128x128xf32, #tpu.memory_space<vmem>>
    tpu.wait_dma2 semaphore(%arg11 : memref<!tpu.dma_semaphore, #tpu.memory_space<semaphore_mem>>) src(%dma_wait3A_531 : memref<128x128xf32, #tpu.memory_space<vmem>>) dst(%dma_wait3A_527 : memref<128x128xf32, #tpu.memory_space<hbm>>)
    %dma_start3A_532 = arith.constant 12 : i32
    %dma_start3A_533 = arith.constant 0 : i32
    %dma_start3A_534 = arith.constant 0 : i32
    %dma_start3A_535 = arith.constant 0 : i32
    %dma_start3A_536 = tpu.memref_slice %arg6[%dma_start3A_533, %dma_start3A_534, %dma_start3A_535] : memref<4x128x128xf32, #tpu.memory_space<vmem>> -> memref<1x128x128xf32, #tpu.memory_space<vmem>>
    %dma_start3A_537 = tpu.memref_squeeze %dma_start3A_536 : memref<1x128x128xf32, #tpu.memory_space<vmem>> -> memref<128x128xf32, #tpu.memory_space<vmem>>
    %dma_start3A_538 = arith.constant 0 : i32
    %dma_start3A_539 = tpu.memref_slice %arg5[%dma_start3A_532, %dma_start3A_538] : memref<24x128xi32, #tpu.memory_space<vmem>> -> memref<1x128xi32, #tpu.memory_space<vmem>>
    %dma_start3A_540 = tpu.memref_squeeze %dma_start3A_539 : memref<1x128xi32, #tpu.memory_space<vmem>> -> memref<128xi32, #tpu.memory_space<vmem>>
    %dma_start3A_541 = arith.constant 0 : i32
    %dma_start3A_542 = arith.constant 0 : i32
    %dma_start3A_543 = tpu.memref_slice %arg3[%dma_start3A_541, %dma_start3A_542] : memref<8192x128xf32, #tpu.memory_space<hbm>> -> memref<8192x128xf32, #tpu.memory_space<hbm>>
    tpu.enqueue_indirect_dma source(%dma_start3A_543 : memref<8192x128xf32, #tpu.memory_space<hbm>>) target(%dma_start3A_537 : memref<128x128xf32, #tpu.memory_space<vmem>>) offsets(%dma_start3A_540 : memref<128xi32, #tpu.memory_space<vmem>>) semaphore(%arg7 : memref<!tpu.dma_semaphore, #tpu.memory_space<semaphore_mem>>)
    %dma_wait3A_544 = arith.constant 10 : i32
    %dma_wait3A_545 = arith.constant 2 : i32
    %dma_wait3A_546 = arith.constant 0 : i32
    %dma_wait3A_547 = arith.constant 0 : i32
    %dma_wait3A_548 = tpu.memref_slice %arg6[%dma_wait3A_545, %dma_wait3A_546, %dma_wait3A_547] : memref<4x128x128xf32, #tpu.memory_space<vmem>> -> memref<1x128x128xf32, #tpu.memory_space<vmem>>
    %dma_wait3A_549 = tpu.memref_squeeze %dma_wait3A_548 : memref<1x128x128xf32, #tpu.memory_space<vmem>> -> memref<128x128xf32, #tpu.memory_space<vmem>>
    %dma_wait3A_550 = arith.constant 0 : i32
    %dma_wait3A_551 = tpu.memref_slice %arg5[%dma_wait3A_544, %dma_wait3A_550] : memref<24x128xi32, #tpu.memory_space<vmem>> -> memref<1x128xi32, #tpu.memory_space<vmem>>
    %dma_wait3A_552 = tpu.memref_squeeze %dma_wait3A_551 : memref<1x128xi32, #tpu.memory_space<vmem>> -> memref<128xi32, #tpu.memory_space<vmem>>
    %dma_wait3A_553 = arith.constant 0 : i32
    %dma_wait3A_554 = arith.constant 0 : i32
    %dma_wait3A_555 = tpu.memref_slice %arg3[%dma_wait3A_553, %dma_wait3A_554] : memref<8192x128xf32, #tpu.memory_space<hbm>> -> memref<8192x128xf32, #tpu.memory_space<hbm>>
    tpu.wait_indirect_dma semaphore(%arg9 : memref<!tpu.dma_semaphore, #tpu.memory_space<semaphore_mem>>) src(%dma_wait3A_555 : memref<8192x128xf32, #tpu.memory_space<hbm>>) dst(%dma_wait3A_549 : memref<128x128xf32, #tpu.memory_space<vmem>>)
    %add3A_556 = arith.constant 1280 : i32
    %add3A_557 = arith.addi %mul3A_2, %add3A_556 : i32
    %dma_start3A_558 = arith.constant 2 : i32
    %dma_start3A_559 = arith.constant 0 : i32
    %dma_start3A_560 = arith.constant 0 : i32
    %dma_start3A_561 = tpu.memref_slice %arg6[%dma_start3A_558, %dma_start3A_559, %dma_start3A_560] : memref<4x128x128xf32, #tpu.memory_space<vmem>> -> memref<1x128x128xf32, #tpu.memory_space<vmem>>
    %dma_start3A_562 = tpu.memref_squeeze %dma_start3A_561 : memref<1x128x128xf32, #tpu.memory_space<vmem>> -> memref<128x128xf32, #tpu.memory_space<vmem>>
    %dma_start3A_563 = arith.constant 0 : i32
    %dma_start3A_564 = tpu.memref_slice %arg4[%add3A_557, %dma_start3A_563] : memref<98304x128xf32, #tpu.memory_space<hbm>> -> memref<128x128xf32, #tpu.memory_space<hbm>>
    %dma_start3A_565 = arith.constant 0 : i32
    %dma_start3A_566 = tpu.memref_slice %arg4[%add3A_557, %dma_start3A_565] : memref<98304x128xf32, #tpu.memory_space<hbm>> -> memref<128x128xf32, #tpu.memory_space<hbm>>
    %dma_start3A_567 = arith.constant 0 : i32
    %dma_start3A_568 = arith.constant 0 : i32
    %dma_start3A_569 = tpu.memref_slice %arg6[%dma_start3A_558, %dma_start3A_567, %dma_start3A_568] : memref<4x128x128xf32, #tpu.memory_space<vmem>> -> memref<1x128x128xf32, #tpu.memory_space<vmem>>
    %dma_start3A_570 = tpu.memref_squeeze %dma_start3A_569 : memref<1x128x128xf32, #tpu.memory_space<vmem>> -> memref<128x128xf32, #tpu.memory_space<vmem>>
    tpu.enqueue_dma source(%dma_start3A_570 : memref<128x128xf32, #tpu.memory_space<vmem>>) target(%dma_start3A_566 : memref<128x128xf32, #tpu.memory_space<hbm>>) target_semaphore(%arg13 : memref<!tpu.dma_semaphore, #tpu.memory_space<semaphore_mem>>)
    %dma_wait3A_571 = arith.constant 1 : i32
    %dma_wait3A_572 = arith.constant 0 : i32
    %dma_wait3A_573 = arith.constant 0 : i32
    %dma_wait3A_574 = tpu.memref_slice %arg6[%dma_wait3A_571, %dma_wait3A_572, %dma_wait3A_573] : memref<4x128x128xf32, #tpu.memory_space<vmem>> -> memref<1x128x128xf32, #tpu.memory_space<vmem>>
    %dma_wait3A_575 = tpu.memref_squeeze %dma_wait3A_574 : memref<1x128x128xf32, #tpu.memory_space<vmem>> -> memref<128x128xf32, #tpu.memory_space<vmem>>
    %dma_wait3A_576 = arith.constant 0 : i32
    %dma_wait3A_577 = tpu.memref_slice %arg4[%add3A_505, %dma_wait3A_576] : memref<98304x128xf32, #tpu.memory_space<hbm>> -> memref<128x128xf32, #tpu.memory_space<hbm>>
    %dma_wait3A_578 = arith.constant 0 : i32
    %dma_wait3A_579 = tpu.memref_slice %arg4[%add3A_505, %dma_wait3A_578] : memref<98304x128xf32, #tpu.memory_space<hbm>> -> memref<128x128xf32, #tpu.memory_space<hbm>>
    %dma_wait3A_580 = arith.constant 0 : i32
    %dma_wait3A_581 = arith.constant 0 : i32
    %dma_wait3A_582 = tpu.memref_slice %arg6[%dma_wait3A_571, %dma_wait3A_580, %dma_wait3A_581] : memref<4x128x128xf32, #tpu.memory_space<vmem>> -> memref<1x128x128xf32, #tpu.memory_space<vmem>>
    %dma_wait3A_583 = tpu.memref_squeeze %dma_wait3A_582 : memref<1x128x128xf32, #tpu.memory_space<vmem>> -> memref<128x128xf32, #tpu.memory_space<vmem>>
    tpu.wait_dma2 semaphore(%arg12 : memref<!tpu.dma_semaphore, #tpu.memory_space<semaphore_mem>>) src(%dma_wait3A_583 : memref<128x128xf32, #tpu.memory_space<vmem>>) dst(%dma_wait3A_579 : memref<128x128xf32, #tpu.memory_space<hbm>>)
    %dma_start3A_584 = arith.constant 13 : i32
    %dma_start3A_585 = arith.constant 1 : i32
    %dma_start3A_586 = arith.constant 0 : i32
    %dma_start3A_587 = arith.constant 0 : i32
    %dma_start3A_588 = tpu.memref_slice %arg6[%dma_start3A_585, %dma_start3A_586, %dma_start3A_587] : memref<4x128x128xf32, #tpu.memory_space<vmem>> -> memref<1x128x128xf32, #tpu.memory_space<vmem>>
    %dma_start3A_589 = tpu.memref_squeeze %dma_start3A_588 : memref<1x128x128xf32, #tpu.memory_space<vmem>> -> memref<128x128xf32, #tpu.memory_space<vmem>>
    %dma_start3A_590 = arith.constant 0 : i32
    %dma_start3A_591 = tpu.memref_slice %arg5[%dma_start3A_584, %dma_start3A_590] : memref<24x128xi32, #tpu.memory_space<vmem>> -> memref<1x128xi32, #tpu.memory_space<vmem>>
    %dma_start3A_592 = tpu.memref_squeeze %dma_start3A_591 : memref<1x128xi32, #tpu.memory_space<vmem>> -> memref<128xi32, #tpu.memory_space<vmem>>
    %dma_start3A_593 = arith.constant 0 : i32
    %dma_start3A_594 = arith.constant 0 : i32
    %dma_start3A_595 = tpu.memref_slice %arg3[%dma_start3A_593, %dma_start3A_594] : memref<8192x128xf32, #tpu.memory_space<hbm>> -> memref<8192x128xf32, #tpu.memory_space<hbm>>
    tpu.enqueue_indirect_dma source(%dma_start3A_595 : memref<8192x128xf32, #tpu.memory_space<hbm>>) target(%dma_start3A_589 : memref<128x128xf32, #tpu.memory_space<vmem>>) offsets(%dma_start3A_592 : memref<128xi32, #tpu.memory_space<vmem>>) semaphore(%arg8 : memref<!tpu.dma_semaphore, #tpu.memory_space<semaphore_mem>>)
    %dma_wait3A_596 = arith.constant 11 : i32
    %dma_wait3A_597 = arith.constant 3 : i32
    %dma_wait3A_598 = arith.constant 0 : i32
    %dma_wait3A_599 = arith.constant 0 : i32
    %dma_wait3A_600 = tpu.memref_slice %arg6[%dma_wait3A_597, %dma_wait3A_598, %dma_wait3A_599] : memref<4x128x128xf32, #tpu.memory_space<vmem>> -> memref<1x128x128xf32, #tpu.memory_space<vmem>>
    %dma_wait3A_601 = tpu.memref_squeeze %dma_wait3A_600 : memref<1x128x128xf32, #tpu.memory_space<vmem>> -> memref<128x128xf32, #tpu.memory_space<vmem>>
    %dma_wait3A_602 = arith.constant 0 : i32
    %dma_wait3A_603 = tpu.memref_slice %arg5[%dma_wait3A_596, %dma_wait3A_602] : memref<24x128xi32, #tpu.memory_space<vmem>> -> memref<1x128xi32, #tpu.memory_space<vmem>>
    %dma_wait3A_604 = tpu.memref_squeeze %dma_wait3A_603 : memref<1x128xi32, #tpu.memory_space<vmem>> -> memref<128xi32, #tpu.memory_space<vmem>>
    %dma_wait3A_605 = arith.constant 0 : i32
    %dma_wait3A_606 = arith.constant 0 : i32
    %dma_wait3A_607 = tpu.memref_slice %arg3[%dma_wait3A_605, %dma_wait3A_606] : memref<8192x128xf32, #tpu.memory_space<hbm>> -> memref<8192x128xf32, #tpu.memory_space<hbm>>
    tpu.wait_indirect_dma semaphore(%arg10 : memref<!tpu.dma_semaphore, #tpu.memory_space<semaphore_mem>>) src(%dma_wait3A_607 : memref<8192x128xf32, #tpu.memory_space<hbm>>) dst(%dma_wait3A_601 : memref<128x128xf32, #tpu.memory_space<vmem>>)
    %add3A_608 = arith.constant 1408 : i32
    %add3A_609 = arith.addi %mul3A_2, %add3A_608 : i32
    %dma_start3A_610 = arith.constant 3 : i32
    %dma_start3A_611 = arith.constant 0 : i32
    %dma_start3A_612 = arith.constant 0 : i32
    %dma_start3A_613 = tpu.memref_slice %arg6[%dma_start3A_610, %dma_start3A_611, %dma_start3A_612] : memref<4x128x128xf32, #tpu.memory_space<vmem>> -> memref<1x128x128xf32, #tpu.memory_space<vmem>>
    %dma_start3A_614 = tpu.memref_squeeze %dma_start3A_613 : memref<1x128x128xf32, #tpu.memory_space<vmem>> -> memref<128x128xf32, #tpu.memory_space<vmem>>
    %dma_start3A_615 = arith.constant 0 : i32
    %dma_start3A_616 = tpu.memref_slice %arg4[%add3A_609, %dma_start3A_615] : memref<98304x128xf32, #tpu.memory_space<hbm>> -> memref<128x128xf32, #tpu.memory_space<hbm>>
    %dma_start3A_617 = arith.constant 0 : i32
    %dma_start3A_618 = tpu.memref_slice %arg4[%add3A_609, %dma_start3A_617] : memref<98304x128xf32, #tpu.memory_space<hbm>> -> memref<128x128xf32, #tpu.memory_space<hbm>>
    %dma_start3A_619 = arith.constant 0 : i32
    %dma_start3A_620 = arith.constant 0 : i32
    %dma_start3A_621 = tpu.memref_slice %arg6[%dma_start3A_610, %dma_start3A_619, %dma_start3A_620] : memref<4x128x128xf32, #tpu.memory_space<vmem>> -> memref<1x128x128xf32, #tpu.memory_space<vmem>>
    %dma_start3A_622 = tpu.memref_squeeze %dma_start3A_621 : memref<1x128x128xf32, #tpu.memory_space<vmem>> -> memref<128x128xf32, #tpu.memory_space<vmem>>
    tpu.enqueue_dma source(%dma_start3A_622 : memref<128x128xf32, #tpu.memory_space<vmem>>) target(%dma_start3A_618 : memref<128x128xf32, #tpu.memory_space<hbm>>) target_semaphore(%arg14 : memref<!tpu.dma_semaphore, #tpu.memory_space<semaphore_mem>>)
    %dma_wait3A_623 = arith.constant 2 : i32
    %dma_wait3A_624 = arith.constant 0 : i32
    %dma_wait3A_625 = arith.constant 0 : i32
    %dma_wait3A_626 = tpu.memref_slice %arg6[%dma_wait3A_623, %dma_wait3A_624, %dma_wait3A_625] : memref<4x128x128xf32, #tpu.memory_space<vmem>> -> memref<1x128x128xf32, #tpu.memory_space<vmem>>
    %dma_wait3A_627 = tpu.memref_squeeze %dma_wait3A_626 : memref<1x128x128xf32, #tpu.memory_space<vmem>> -> memref<128x128xf32, #tpu.memory_space<vmem>>
    %dma_wait3A_628 = arith.constant 0 : i32
    %dma_wait3A_629 = tpu.memref_slice %arg4[%add3A_557, %dma_wait3A_628] : memref<98304x128xf32, #tpu.memory_space<hbm>> -> memref<128x128xf32, #tpu.memory_space<hbm>>
    %dma_wait3A_630 = arith.constant 0 : i32
    %dma_wait3A_631 = tpu.memref_slice %arg4[%add3A_557, %dma_wait3A_630] : memref<98304x128xf32, #tpu.memory_space<hbm>> -> memref<128x128xf32, #tpu.memory_space<hbm>>
    %dma_wait3A_632 = arith.constant 0 : i32
    %dma_wait3A_633 = arith.constant 0 : i32
    %dma_wait3A_634 = tpu.memref_slice %arg6[%dma_wait3A_623, %dma_wait3A_632, %dma_wait3A_633] : memref<4x128x128xf32, #tpu.memory_space<vmem>> -> memref<1x128x128xf32, #tpu.memory_space<vmem>>
    %dma_wait3A_635 = tpu.memref_squeeze %dma_wait3A_634 : memref<1x128x128xf32, #tpu.memory_space<vmem>> -> memref<128x128xf32, #tpu.memory_space<vmem>>
    tpu.wait_dma2 semaphore(%arg13 : memref<!tpu.dma_semaphore, #tpu.memory_space<semaphore_mem>>) src(%dma_wait3A_635 : memref<128x128xf32, #tpu.memory_space<vmem>>) dst(%dma_wait3A_631 : memref<128x128xf32, #tpu.memory_space<hbm>>)
    %dma_start3A_636 = arith.constant 14 : i32
    %dma_start3A_637 = arith.constant 2 : i32
    %dma_start3A_638 = arith.constant 0 : i32
    %dma_start3A_639 = arith.constant 0 : i32
    %dma_start3A_640 = tpu.memref_slice %arg6[%dma_start3A_637, %dma_start3A_638, %dma_start3A_639] : memref<4x128x128xf32, #tpu.memory_space<vmem>> -> memref<1x128x128xf32, #tpu.memory_space<vmem>>
    %dma_start3A_641 = tpu.memref_squeeze %dma_start3A_640 : memref<1x128x128xf32, #tpu.memory_space<vmem>> -> memref<128x128xf32, #tpu.memory_space<vmem>>
    %dma_start3A_642 = arith.constant 0 : i32
    %dma_start3A_643 = tpu.memref_slice %arg5[%dma_start3A_636, %dma_start3A_642] : memref<24x128xi32, #tpu.memory_space<vmem>> -> memref<1x128xi32, #tpu.memory_space<vmem>>
    %dma_start3A_644 = tpu.memref_squeeze %dma_start3A_643 : memref<1x128xi32, #tpu.memory_space<vmem>> -> memref<128xi32, #tpu.memory_space<vmem>>
    %dma_start3A_645 = arith.constant 0 : i32
    %dma_start3A_646 = arith.constant 0 : i32
    %dma_start3A_647 = tpu.memref_slice %arg3[%dma_start3A_645, %dma_start3A_646] : memref<8192x128xf32, #tpu.memory_space<hbm>> -> memref<8192x128xf32, #tpu.memory_space<hbm>>
    tpu.enqueue_indirect_dma source(%dma_start3A_647 : memref<8192x128xf32, #tpu.memory_space<hbm>>) target(%dma_start3A_641 : memref<128x128xf32, #tpu.memory_space<vmem>>) offsets(%dma_start3A_644 : memref<128xi32, #tpu.memory_space<vmem>>) semaphore(%arg9 : memref<!tpu.dma_semaphore, #tpu.memory_space<semaphore_mem>>)
    %dma_wait3A_648 = arith.constant 12 : i32
    %dma_wait3A_649 = arith.constant 0 : i32
    %dma_wait3A_650 = arith.constant 0 : i32
    %dma_wait3A_651 = arith.constant 0 : i32
    %dma_wait3A_652 = tpu.memref_slice %arg6[%dma_wait3A_649, %dma_wait3A_650, %dma_wait3A_651] : memref<4x128x128xf32, #tpu.memory_space<vmem>> -> memref<1x128x128xf32, #tpu.memory_space<vmem>>
    %dma_wait3A_653 = tpu.memref_squeeze %dma_wait3A_652 : memref<1x128x128xf32, #tpu.memory_space<vmem>> -> memref<128x128xf32, #tpu.memory_space<vmem>>
    %dma_wait3A_654 = arith.constant 0 : i32
    %dma_wait3A_655 = tpu.memref_slice %arg5[%dma_wait3A_648, %dma_wait3A_654] : memref<24x128xi32, #tpu.memory_space<vmem>> -> memref<1x128xi32, #tpu.memory_space<vmem>>
    %dma_wait3A_656 = tpu.memref_squeeze %dma_wait3A_655 : memref<1x128xi32, #tpu.memory_space<vmem>> -> memref<128xi32, #tpu.memory_space<vmem>>
    %dma_wait3A_657 = arith.constant 0 : i32
    %dma_wait3A_658 = arith.constant 0 : i32
    %dma_wait3A_659 = tpu.memref_slice %arg3[%dma_wait3A_657, %dma_wait3A_658] : memref<8192x128xf32, #tpu.memory_space<hbm>> -> memref<8192x128xf32, #tpu.memory_space<hbm>>
    tpu.wait_indirect_dma semaphore(%arg7 : memref<!tpu.dma_semaphore, #tpu.memory_space<semaphore_mem>>) src(%dma_wait3A_659 : memref<8192x128xf32, #tpu.memory_space<hbm>>) dst(%dma_wait3A_653 : memref<128x128xf32, #tpu.memory_space<vmem>>)
    %add3A_660 = arith.constant 1536 : i32
    %add3A_661 = arith.addi %mul3A_2, %add3A_660 : i32
    %dma_start3A_662 = arith.constant 0 : i32
    %dma_start3A_663 = arith.constant 0 : i32
    %dma_start3A_664 = arith.constant 0 : i32
    %dma_start3A_665 = tpu.memref_slice %arg6[%dma_start3A_662, %dma_start3A_663, %dma_start3A_664] : memref<4x128x128xf32, #tpu.memory_space<vmem>> -> memref<1x128x128xf32, #tpu.memory_space<vmem>>
    %dma_start3A_666 = tpu.memref_squeeze %dma_start3A_665 : memref<1x128x128xf32, #tpu.memory_space<vmem>> -> memref<128x128xf32, #tpu.memory_space<vmem>>
    %dma_start3A_667 = arith.constant 0 : i32
    %dma_start3A_668 = tpu.memref_slice %arg4[%add3A_661, %dma_start3A_667] : memref<98304x128xf32, #tpu.memory_space<hbm>> -> memref<128x128xf32, #tpu.memory_space<hbm>>
    %dma_start3A_669 = arith.constant 0 : i32
    %dma_start3A_670 = tpu.memref_slice %arg4[%add3A_661, %dma_start3A_669] : memref<98304x128xf32, #tpu.memory_space<hbm>> -> memref<128x128xf32, #tpu.memory_space<hbm>>
    %dma_start3A_671 = arith.constant 0 : i32
    %dma_start3A_672 = arith.constant 0 : i32
    %dma_start3A_673 = tpu.memref_slice %arg6[%dma_start3A_662, %dma_start3A_671, %dma_start3A_672] : memref<4x128x128xf32, #tpu.memory_space<vmem>> -> memref<1x128x128xf32, #tpu.memory_space<vmem>>
    %dma_start3A_674 = tpu.memref_squeeze %dma_start3A_673 : memref<1x128x128xf32, #tpu.memory_space<vmem>> -> memref<128x128xf32, #tpu.memory_space<vmem>>
    tpu.enqueue_dma source(%dma_start3A_674 : memref<128x128xf32, #tpu.memory_space<vmem>>) target(%dma_start3A_670 : memref<128x128xf32, #tpu.memory_space<hbm>>) target_semaphore(%arg11 : memref<!tpu.dma_semaphore, #tpu.memory_space<semaphore_mem>>)
    %dma_wait3A_675 = arith.constant 3 : i32
    %dma_wait3A_676 = arith.constant 0 : i32
    %dma_wait3A_677 = arith.constant 0 : i32
    %dma_wait3A_678 = tpu.memref_slice %arg6[%dma_wait3A_675, %dma_wait3A_676, %dma_wait3A_677] : memref<4x128x128xf32, #tpu.memory_space<vmem>> -> memref<1x128x128xf32, #tpu.memory_space<vmem>>
    %dma_wait3A_679 = tpu.memref_squeeze %dma_wait3A_678 : memref<1x128x128xf32, #tpu.memory_space<vmem>> -> memref<128x128xf32, #tpu.memory_space<vmem>>
    %dma_wait3A_680 = arith.constant 0 : i32
    %dma_wait3A_681 = tpu.memref_slice %arg4[%add3A_609, %dma_wait3A_680] : memref<98304x128xf32, #tpu.memory_space<hbm>> -> memref<128x128xf32, #tpu.memory_space<hbm>>
    %dma_wait3A_682 = arith.constant 0 : i32
    %dma_wait3A_683 = tpu.memref_slice %arg4[%add3A_609, %dma_wait3A_682] : memref<98304x128xf32, #tpu.memory_space<hbm>> -> memref<128x128xf32, #tpu.memory_space<hbm>>
    %dma_wait3A_684 = arith.constant 0 : i32
    %dma_wait3A_685 = arith.constant 0 : i32
    %dma_wait3A_686 = tpu.memref_slice %arg6[%dma_wait3A_675, %dma_wait3A_684, %dma_wait3A_685] : memref<4x128x128xf32, #tpu.memory_space<vmem>> -> memref<1x128x128xf32, #tpu.memory_space<vmem>>
    %dma_wait3A_687 = tpu.memref_squeeze %dma_wait3A_686 : memref<1x128x128xf32, #tpu.memory_space<vmem>> -> memref<128x128xf32, #tpu.memory_space<vmem>>
    tpu.wait_dma2 semaphore(%arg14 : memref<!tpu.dma_semaphore, #tpu.memory_space<semaphore_mem>>) src(%dma_wait3A_687 : memref<128x128xf32, #tpu.memory_space<vmem>>) dst(%dma_wait3A_683 : memref<128x128xf32, #tpu.memory_space<hbm>>)
    %dma_start3A_688 = arith.constant 15 : i32
    %dma_start3A_689 = arith.constant 3 : i32
    %dma_start3A_690 = arith.constant 0 : i32
    %dma_start3A_691 = arith.constant 0 : i32
    %dma_start3A_692 = tpu.memref_slice %arg6[%dma_start3A_689, %dma_start3A_690, %dma_start3A_691] : memref<4x128x128xf32, #tpu.memory_space<vmem>> -> memref<1x128x128xf32, #tpu.memory_space<vmem>>
    %dma_start3A_693 = tpu.memref_squeeze %dma_start3A_692 : memref<1x128x128xf32, #tpu.memory_space<vmem>> -> memref<128x128xf32, #tpu.memory_space<vmem>>
    %dma_start3A_694 = arith.constant 0 : i32
    %dma_start3A_695 = tpu.memref_slice %arg5[%dma_start3A_688, %dma_start3A_694] : memref<24x128xi32, #tpu.memory_space<vmem>> -> memref<1x128xi32, #tpu.memory_space<vmem>>
    %dma_start3A_696 = tpu.memref_squeeze %dma_start3A_695 : memref<1x128xi32, #tpu.memory_space<vmem>> -> memref<128xi32, #tpu.memory_space<vmem>>
    %dma_start3A_697 = arith.constant 0 : i32
    %dma_start3A_698 = arith.constant 0 : i32
    %dma_start3A_699 = tpu.memref_slice %arg3[%dma_start3A_697, %dma_start3A_698] : memref<8192x128xf32, #tpu.memory_space<hbm>> -> memref<8192x128xf32, #tpu.memory_space<hbm>>
    tpu.enqueue_indirect_dma source(%dma_start3A_699 : memref<8192x128xf32, #tpu.memory_space<hbm>>) target(%dma_start3A_693 : memref<128x128xf32, #tpu.memory_space<vmem>>) offsets(%dma_start3A_696 : memref<128xi32, #tpu.memory_space<vmem>>) semaphore(%arg10 : memref<!tpu.dma_semaphore, #tpu.memory_space<semaphore_mem>>)
    %dma_wait3A_700 = arith.constant 13 : i32
    %dma_wait3A_701 = arith.constant 1 : i32
    %dma_wait3A_702 = arith.constant 0 : i32
    %dma_wait3A_703 = arith.constant 0 : i32
    %dma_wait3A_704 = tpu.memref_slice %arg6[%dma_wait3A_701, %dma_wait3A_702, %dma_wait3A_703] : memref<4x128x128xf32, #tpu.memory_space<vmem>> -> memref<1x128x128xf32, #tpu.memory_space<vmem>>
    %dma_wait3A_705 = tpu.memref_squeeze %dma_wait3A_704 : memref<1x128x128xf32, #tpu.memory_space<vmem>> -> memref<128x128xf32, #tpu.memory_space<vmem>>
    %dma_wait3A_706 = arith.constant 0 : i32
    %dma_wait3A_707 = tpu.memref_slice %arg5[%dma_wait3A_700, %dma_wait3A_706] : memref<24x128xi32, #tpu.memory_space<vmem>> -> memref<1x128xi32, #tpu.memory_space<vmem>>
    %dma_wait3A_708 = tpu.memref_squeeze %dma_wait3A_707 : memref<1x128xi32, #tpu.memory_space<vmem>> -> memref<128xi32, #tpu.memory_space<vmem>>
    %dma_wait3A_709 = arith.constant 0 : i32
    %dma_wait3A_710 = arith.constant 0 : i32
    %dma_wait3A_711 = tpu.memref_slice %arg3[%dma_wait3A_709, %dma_wait3A_710] : memref<8192x128xf32, #tpu.memory_space<hbm>> -> memref<8192x128xf32, #tpu.memory_space<hbm>>
    tpu.wait_indirect_dma semaphore(%arg8 : memref<!tpu.dma_semaphore, #tpu.memory_space<semaphore_mem>>) src(%dma_wait3A_711 : memref<8192x128xf32, #tpu.memory_space<hbm>>) dst(%dma_wait3A_705 : memref<128x128xf32, #tpu.memory_space<vmem>>)
    %add3A_712 = arith.constant 1664 : i32
    %add3A_713 = arith.addi %mul3A_2, %add3A_712 : i32
    %dma_start3A_714 = arith.constant 1 : i32
    %dma_start3A_715 = arith.constant 0 : i32
    %dma_start3A_716 = arith.constant 0 : i32
    %dma_start3A_717 = tpu.memref_slice %arg6[%dma_start3A_714, %dma_start3A_715, %dma_start3A_716] : memref<4x128x128xf32, #tpu.memory_space<vmem>> -> memref<1x128x128xf32, #tpu.memory_space<vmem>>
    %dma_start3A_718 = tpu.memref_squeeze %dma_start3A_717 : memref<1x128x128xf32, #tpu.memory_space<vmem>> -> memref<128x128xf32, #tpu.memory_space<vmem>>
    %dma_start3A_719 = arith.constant 0 : i32
    %dma_start3A_720 = tpu.memref_slice %arg4[%add3A_713, %dma_start3A_719] : memref<98304x128xf32, #tpu.memory_space<hbm>> -> memref<128x128xf32, #tpu.memory_space<hbm>>
    %dma_start3A_721 = arith.constant 0 : i32
    %dma_start3A_722 = tpu.memref_slice %arg4[%add3A_713, %dma_start3A_721] : memref<98304x128xf32, #tpu.memory_space<hbm>> -> memref<128x128xf32, #tpu.memory_space<hbm>>
    %dma_start3A_723 = arith.constant 0 : i32
    %dma_start3A_724 = arith.constant 0 : i32
    %dma_start3A_725 = tpu.memref_slice %arg6[%dma_start3A_714, %dma_start3A_723, %dma_start3A_724] : memref<4x128x128xf32, #tpu.memory_space<vmem>> -> memref<1x128x128xf32, #tpu.memory_space<vmem>>
    %dma_start3A_726 = tpu.memref_squeeze %dma_start3A_725 : memref<1x128x128xf32, #tpu.memory_space<vmem>> -> memref<128x128xf32, #tpu.memory_space<vmem>>
    tpu.enqueue_dma source(%dma_start3A_726 : memref<128x128xf32, #tpu.memory_space<vmem>>) target(%dma_start3A_722 : memref<128x128xf32, #tpu.memory_space<hbm>>) target_semaphore(%arg12 : memref<!tpu.dma_semaphore, #tpu.memory_space<semaphore_mem>>)
    %dma_wait3A_727 = arith.constant 0 : i32
    %dma_wait3A_728 = arith.constant 0 : i32
    %dma_wait3A_729 = arith.constant 0 : i32
    %dma_wait3A_730 = tpu.memref_slice %arg6[%dma_wait3A_727, %dma_wait3A_728, %dma_wait3A_729] : memref<4x128x128xf32, #tpu.memory_space<vmem>> -> memref<1x128x128xf32, #tpu.memory_space<vmem>>
    %dma_wait3A_731 = tpu.memref_squeeze %dma_wait3A_730 : memref<1x128x128xf32, #tpu.memory_space<vmem>> -> memref<128x128xf32, #tpu.memory_space<vmem>>
    %dma_wait3A_732 = arith.constant 0 : i32
    %dma_wait3A_733 = tpu.memref_slice %arg4[%add3A_661, %dma_wait3A_732] : memref<98304x128xf32, #tpu.memory_space<hbm>> -> memref<128x128xf32, #tpu.memory_space<hbm>>
    %dma_wait3A_734 = arith.constant 0 : i32
    %dma_wait3A_735 = tpu.memref_slice %arg4[%add3A_661, %dma_wait3A_734] : memref<98304x128xf32, #tpu.memory_space<hbm>> -> memref<128x128xf32, #tpu.memory_space<hbm>>
    %dma_wait3A_736 = arith.constant 0 : i32
    %dma_wait3A_737 = arith.constant 0 : i32
    %dma_wait3A_738 = tpu.memref_slice %arg6[%dma_wait3A_727, %dma_wait3A_736, %dma_wait3A_737] : memref<4x128x128xf32, #tpu.memory_space<vmem>> -> memref<1x128x128xf32, #tpu.memory_space<vmem>>
    %dma_wait3A_739 = tpu.memref_squeeze %dma_wait3A_738 : memref<1x128x128xf32, #tpu.memory_space<vmem>> -> memref<128x128xf32, #tpu.memory_space<vmem>>
    tpu.wait_dma2 semaphore(%arg11 : memref<!tpu.dma_semaphore, #tpu.memory_space<semaphore_mem>>) src(%dma_wait3A_739 : memref<128x128xf32, #tpu.memory_space<vmem>>) dst(%dma_wait3A_735 : memref<128x128xf32, #tpu.memory_space<hbm>>)
    %dma_start3A_740 = arith.constant 16 : i32
    %dma_start3A_741 = arith.constant 0 : i32
    %dma_start3A_742 = arith.constant 0 : i32
    %dma_start3A_743 = arith.constant 0 : i32
    %dma_start3A_744 = tpu.memref_slice %arg6[%dma_start3A_741, %dma_start3A_742, %dma_start3A_743] : memref<4x128x128xf32, #tpu.memory_space<vmem>> -> memref<1x128x128xf32, #tpu.memory_space<vmem>>
    %dma_start3A_745 = tpu.memref_squeeze %dma_start3A_744 : memref<1x128x128xf32, #tpu.memory_space<vmem>> -> memref<128x128xf32, #tpu.memory_space<vmem>>
    %dma_start3A_746 = arith.constant 0 : i32
    %dma_start3A_747 = tpu.memref_slice %arg5[%dma_start3A_740, %dma_start3A_746] : memref<24x128xi32, #tpu.memory_space<vmem>> -> memref<1x128xi32, #tpu.memory_space<vmem>>
    %dma_start3A_748 = tpu.memref_squeeze %dma_start3A_747 : memref<1x128xi32, #tpu.memory_space<vmem>> -> memref<128xi32, #tpu.memory_space<vmem>>
    %dma_start3A_749 = arith.constant 0 : i32
    %dma_start3A_750 = arith.constant 0 : i32
    %dma_start3A_751 = tpu.memref_slice %arg3[%dma_start3A_749, %dma_start3A_750] : memref<8192x128xf32, #tpu.memory_space<hbm>> -> memref<8192x128xf32, #tpu.memory_space<hbm>>
    tpu.enqueue_indirect_dma source(%dma_start3A_751 : memref<8192x128xf32, #tpu.memory_space<hbm>>) target(%dma_start3A_745 : memref<128x128xf32, #tpu.memory_space<vmem>>) offsets(%dma_start3A_748 : memref<128xi32, #tpu.memory_space<vmem>>) semaphore(%arg7 : memref<!tpu.dma_semaphore, #tpu.memory_space<semaphore_mem>>)
    %dma_wait3A_752 = arith.constant 14 : i32
    %dma_wait3A_753 = arith.constant 2 : i32
    %dma_wait3A_754 = arith.constant 0 : i32
    %dma_wait3A_755 = arith.constant 0 : i32
    %dma_wait3A_756 = tpu.memref_slice %arg6[%dma_wait3A_753, %dma_wait3A_754, %dma_wait3A_755] : memref<4x128x128xf32, #tpu.memory_space<vmem>> -> memref<1x128x128xf32, #tpu.memory_space<vmem>>
    %dma_wait3A_757 = tpu.memref_squeeze %dma_wait3A_756 : memref<1x128x128xf32, #tpu.memory_space<vmem>> -> memref<128x128xf32, #tpu.memory_space<vmem>>
    %dma_wait3A_758 = arith.constant 0 : i32
    %dma_wait3A_759 = tpu.memref_slice %arg5[%dma_wait3A_752, %dma_wait3A_758] : memref<24x128xi32, #tpu.memory_space<vmem>> -> memref<1x128xi32, #tpu.memory_space<vmem>>
    %dma_wait3A_760 = tpu.memref_squeeze %dma_wait3A_759 : memref<1x128xi32, #tpu.memory_space<vmem>> -> memref<128xi32, #tpu.memory_space<vmem>>
    %dma_wait3A_761 = arith.constant 0 : i32
    %dma_wait3A_762 = arith.constant 0 : i32
    %dma_wait3A_763 = tpu.memref_slice %arg3[%dma_wait3A_761, %dma_wait3A_762] : memref<8192x128xf32, #tpu.memory_space<hbm>> -> memref<8192x128xf32, #tpu.memory_space<hbm>>
    tpu.wait_indirect_dma semaphore(%arg9 : memref<!tpu.dma_semaphore, #tpu.memory_space<semaphore_mem>>) src(%dma_wait3A_763 : memref<8192x128xf32, #tpu.memory_space<hbm>>) dst(%dma_wait3A_757 : memref<128x128xf32, #tpu.memory_space<vmem>>)
    %add3A_764 = arith.constant 1792 : i32
    %add3A_765 = arith.addi %mul3A_2, %add3A_764 : i32
    %dma_start3A_766 = arith.constant 2 : i32
    %dma_start3A_767 = arith.constant 0 : i32
    %dma_start3A_768 = arith.constant 0 : i32
    %dma_start3A_769 = tpu.memref_slice %arg6[%dma_start3A_766, %dma_start3A_767, %dma_start3A_768] : memref<4x128x128xf32, #tpu.memory_space<vmem>> -> memref<1x128x128xf32, #tpu.memory_space<vmem>>
    %dma_start3A_770 = tpu.memref_squeeze %dma_start3A_769 : memref<1x128x128xf32, #tpu.memory_space<vmem>> -> memref<128x128xf32, #tpu.memory_space<vmem>>
    %dma_start3A_771 = arith.constant 0 : i32
    %dma_start3A_772 = tpu.memref_slice %arg4[%add3A_765, %dma_start3A_771] : memref<98304x128xf32, #tpu.memory_space<hbm>> -> memref<128x128xf32, #tpu.memory_space<hbm>>
    %dma_start3A_773 = arith.constant 0 : i32
    %dma_start3A_774 = tpu.memref_slice %arg4[%add3A_765, %dma_start3A_773] : memref<98304x128xf32, #tpu.memory_space<hbm>> -> memref<128x128xf32, #tpu.memory_space<hbm>>
    %dma_start3A_775 = arith.constant 0 : i32
    %dma_start3A_776 = arith.constant 0 : i32
    %dma_start3A_777 = tpu.memref_slice %arg6[%dma_start3A_766, %dma_start3A_775, %dma_start3A_776] : memref<4x128x128xf32, #tpu.memory_space<vmem>> -> memref<1x128x128xf32, #tpu.memory_space<vmem>>
    %dma_start3A_778 = tpu.memref_squeeze %dma_start3A_777 : memref<1x128x128xf32, #tpu.memory_space<vmem>> -> memref<128x128xf32, #tpu.memory_space<vmem>>
    tpu.enqueue_dma source(%dma_start3A_778 : memref<128x128xf32, #tpu.memory_space<vmem>>) target(%dma_start3A_774 : memref<128x128xf32, #tpu.memory_space<hbm>>) target_semaphore(%arg13 : memref<!tpu.dma_semaphore, #tpu.memory_space<semaphore_mem>>)
    %dma_wait3A_779 = arith.constant 1 : i32
    %dma_wait3A_780 = arith.constant 0 : i32
    %dma_wait3A_781 = arith.constant 0 : i32
    %dma_wait3A_782 = tpu.memref_slice %arg6[%dma_wait3A_779, %dma_wait3A_780, %dma_wait3A_781] : memref<4x128x128xf32, #tpu.memory_space<vmem>> -> memref<1x128x128xf32, #tpu.memory_space<vmem>>
    %dma_wait3A_783 = tpu.memref_squeeze %dma_wait3A_782 : memref<1x128x128xf32, #tpu.memory_space<vmem>> -> memref<128x128xf32, #tpu.memory_space<vmem>>
    %dma_wait3A_784 = arith.constant 0 : i32
    %dma_wait3A_785 = tpu.memref_slice %arg4[%add3A_713, %dma_wait3A_784] : memref<98304x128xf32, #tpu.memory_space<hbm>> -> memref<128x128xf32, #tpu.memory_space<hbm>>
    %dma_wait3A_786 = arith.constant 0 : i32
    %dma_wait3A_787 = tpu.memref_slice %arg4[%add3A_713, %dma_wait3A_786] : memref<98304x128xf32, #tpu.memory_space<hbm>> -> memref<128x128xf32, #tpu.memory_space<hbm>>
    %dma_wait3A_788 = arith.constant 0 : i32
    %dma_wait3A_789 = arith.constant 0 : i32
    %dma_wait3A_790 = tpu.memref_slice %arg6[%dma_wait3A_779, %dma_wait3A_788, %dma_wait3A_789] : memref<4x128x128xf32, #tpu.memory_space<vmem>> -> memref<1x128x128xf32, #tpu.memory_space<vmem>>
    %dma_wait3A_791 = tpu.memref_squeeze %dma_wait3A_790 : memref<1x128x128xf32, #tpu.memory_space<vmem>> -> memref<128x128xf32, #tpu.memory_space<vmem>>
    tpu.wait_dma2 semaphore(%arg12 : memref<!tpu.dma_semaphore, #tpu.memory_space<semaphore_mem>>) src(%dma_wait3A_791 : memref<128x128xf32, #tpu.memory_space<vmem>>) dst(%dma_wait3A_787 : memref<128x128xf32, #tpu.memory_space<hbm>>)
    %dma_start3A_792 = arith.constant 17 : i32
    %dma_start3A_793 = arith.constant 1 : i32
    %dma_start3A_794 = arith.constant 0 : i32
    %dma_start3A_795 = arith.constant 0 : i32
    %dma_start3A_796 = tpu.memref_slice %arg6[%dma_start3A_793, %dma_start3A_794, %dma_start3A_795] : memref<4x128x128xf32, #tpu.memory_space<vmem>> -> memref<1x128x128xf32, #tpu.memory_space<vmem>>
    %dma_start3A_797 = tpu.memref_squeeze %dma_start3A_796 : memref<1x128x128xf32, #tpu.memory_space<vmem>> -> memref<128x128xf32, #tpu.memory_space<vmem>>
    %dma_start3A_798 = arith.constant 0 : i32
    %dma_start3A_799 = tpu.memref_slice %arg5[%dma_start3A_792, %dma_start3A_798] : memref<24x128xi32, #tpu.memory_space<vmem>> -> memref<1x128xi32, #tpu.memory_space<vmem>>
    %dma_start3A_800 = tpu.memref_squeeze %dma_start3A_799 : memref<1x128xi32, #tpu.memory_space<vmem>> -> memref<128xi32, #tpu.memory_space<vmem>>
    %dma_start3A_801 = arith.constant 0 : i32
    %dma_start3A_802 = arith.constant 0 : i32
    %dma_start3A_803 = tpu.memref_slice %arg3[%dma_start3A_801, %dma_start3A_802] : memref<8192x128xf32, #tpu.memory_space<hbm>> -> memref<8192x128xf32, #tpu.memory_space<hbm>>
    tpu.enqueue_indirect_dma source(%dma_start3A_803 : memref<8192x128xf32, #tpu.memory_space<hbm>>) target(%dma_start3A_797 : memref<128x128xf32, #tpu.memory_space<vmem>>) offsets(%dma_start3A_800 : memref<128xi32, #tpu.memory_space<vmem>>) semaphore(%arg8 : memref<!tpu.dma_semaphore, #tpu.memory_space<semaphore_mem>>)
    %dma_wait3A_804 = arith.constant 15 : i32
    %dma_wait3A_805 = arith.constant 3 : i32
    %dma_wait3A_806 = arith.constant 0 : i32
    %dma_wait3A_807 = arith.constant 0 : i32
    %dma_wait3A_808 = tpu.memref_slice %arg6[%dma_wait3A_805, %dma_wait3A_806, %dma_wait3A_807] : memref<4x128x128xf32, #tpu.memory_space<vmem>> -> memref<1x128x128xf32, #tpu.memory_space<vmem>>
    %dma_wait3A_809 = tpu.memref_squeeze %dma_wait3A_808 : memref<1x128x128xf32, #tpu.memory_space<vmem>> -> memref<128x128xf32, #tpu.memory_space<vmem>>
    %dma_wait3A_810 = arith.constant 0 : i32
    %dma_wait3A_811 = tpu.memref_slice %arg5[%dma_wait3A_804, %dma_wait3A_810] : memref<24x128xi32, #tpu.memory_space<vmem>> -> memref<1x128xi32, #tpu.memory_space<vmem>>
    %dma_wait3A_812 = tpu.memref_squeeze %dma_wait3A_811 : memref<1x128xi32, #tpu.memory_space<vmem>> -> memref<128xi32, #tpu.memory_space<vmem>>
    %dma_wait3A_813 = arith.constant 0 : i32
    %dma_wait3A_814 = arith.constant 0 : i32
    %dma_wait3A_815 = tpu.memref_slice %arg3[%dma_wait3A_813, %dma_wait3A_814] : memref<8192x128xf32, #tpu.memory_space<hbm>> -> memref<8192x128xf32, #tpu.memory_space<hbm>>
    tpu.wait_indirect_dma semaphore(%arg10 : memref<!tpu.dma_semaphore, #tpu.memory_space<semaphore_mem>>) src(%dma_wait3A_815 : memref<8192x128xf32, #tpu.memory_space<hbm>>) dst(%dma_wait3A_809 : memref<128x128xf32, #tpu.memory_space<vmem>>)
    %add3A_816 = arith.constant 1920 : i32
    %add3A_817 = arith.addi %mul3A_2, %add3A_816 : i32
    %dma_start3A_818 = arith.constant 3 : i32
    %dma_start3A_819 = arith.constant 0 : i32
    %dma_start3A_820 = arith.constant 0 : i32
    %dma_start3A_821 = tpu.memref_slice %arg6[%dma_start3A_818, %dma_start3A_819, %dma_start3A_820] : memref<4x128x128xf32, #tpu.memory_space<vmem>> -> memref<1x128x128xf32, #tpu.memory_space<vmem>>
    %dma_start3A_822 = tpu.memref_squeeze %dma_start3A_821 : memref<1x128x128xf32, #tpu.memory_space<vmem>> -> memref<128x128xf32, #tpu.memory_space<vmem>>
    %dma_start3A_823 = arith.constant 0 : i32
    %dma_start3A_824 = tpu.memref_slice %arg4[%add3A_817, %dma_start3A_823] : memref<98304x128xf32, #tpu.memory_space<hbm>> -> memref<128x128xf32, #tpu.memory_space<hbm>>
    %dma_start3A_825 = arith.constant 0 : i32
    %dma_start3A_826 = tpu.memref_slice %arg4[%add3A_817, %dma_start3A_825] : memref<98304x128xf32, #tpu.memory_space<hbm>> -> memref<128x128xf32, #tpu.memory_space<hbm>>
    %dma_start3A_827 = arith.constant 0 : i32
    %dma_start3A_828 = arith.constant 0 : i32
    %dma_start3A_829 = tpu.memref_slice %arg6[%dma_start3A_818, %dma_start3A_827, %dma_start3A_828] : memref<4x128x128xf32, #tpu.memory_space<vmem>> -> memref<1x128x128xf32, #tpu.memory_space<vmem>>
    %dma_start3A_830 = tpu.memref_squeeze %dma_start3A_829 : memref<1x128x128xf32, #tpu.memory_space<vmem>> -> memref<128x128xf32, #tpu.memory_space<vmem>>
    tpu.enqueue_dma source(%dma_start3A_830 : memref<128x128xf32, #tpu.memory_space<vmem>>) target(%dma_start3A_826 : memref<128x128xf32, #tpu.memory_space<hbm>>) target_semaphore(%arg14 : memref<!tpu.dma_semaphore, #tpu.memory_space<semaphore_mem>>)
    %dma_wait3A_831 = arith.constant 2 : i32
    %dma_wait3A_832 = arith.constant 0 : i32
    %dma_wait3A_833 = arith.constant 0 : i32
    %dma_wait3A_834 = tpu.memref_slice %arg6[%dma_wait3A_831, %dma_wait3A_832, %dma_wait3A_833] : memref<4x128x128xf32, #tpu.memory_space<vmem>> -> memref<1x128x128xf32, #tpu.memory_space<vmem>>
    %dma_wait3A_835 = tpu.memref_squeeze %dma_wait3A_834 : memref<1x128x128xf32, #tpu.memory_space<vmem>> -> memref<128x128xf32, #tpu.memory_space<vmem>>
    %dma_wait3A_836 = arith.constant 0 : i32
    %dma_wait3A_837 = tpu.memref_slice %arg4[%add3A_765, %dma_wait3A_836] : memref<98304x128xf32, #tpu.memory_space<hbm>> -> memref<128x128xf32, #tpu.memory_space<hbm>>
    %dma_wait3A_838 = arith.constant 0 : i32
    %dma_wait3A_839 = tpu.memref_slice %arg4[%add3A_765, %dma_wait3A_838] : memref<98304x128xf32, #tpu.memory_space<hbm>> -> memref<128x128xf32, #tpu.memory_space<hbm>>
    %dma_wait3A_840 = arith.constant 0 : i32
    %dma_wait3A_841 = arith.constant 0 : i32
    %dma_wait3A_842 = tpu.memref_slice %arg6[%dma_wait3A_831, %dma_wait3A_840, %dma_wait3A_841] : memref<4x128x128xf32, #tpu.memory_space<vmem>> -> memref<1x128x128xf32, #tpu.memory_space<vmem>>
    %dma_wait3A_843 = tpu.memref_squeeze %dma_wait3A_842 : memref<1x128x128xf32, #tpu.memory_space<vmem>> -> memref<128x128xf32, #tpu.memory_space<vmem>>
    tpu.wait_dma2 semaphore(%arg13 : memref<!tpu.dma_semaphore, #tpu.memory_space<semaphore_mem>>) src(%dma_wait3A_843 : memref<128x128xf32, #tpu.memory_space<vmem>>) dst(%dma_wait3A_839 : memref<128x128xf32, #tpu.memory_space<hbm>>)
    %dma_start3A_844 = arith.constant 18 : i32
    %dma_start3A_845 = arith.constant 2 : i32
    %dma_start3A_846 = arith.constant 0 : i32
    %dma_start3A_847 = arith.constant 0 : i32
    %dma_start3A_848 = tpu.memref_slice %arg6[%dma_start3A_845, %dma_start3A_846, %dma_start3A_847] : memref<4x128x128xf32, #tpu.memory_space<vmem>> -> memref<1x128x128xf32, #tpu.memory_space<vmem>>
    %dma_start3A_849 = tpu.memref_squeeze %dma_start3A_848 : memref<1x128x128xf32, #tpu.memory_space<vmem>> -> memref<128x128xf32, #tpu.memory_space<vmem>>
    %dma_start3A_850 = arith.constant 0 : i32
    %dma_start3A_851 = tpu.memref_slice %arg5[%dma_start3A_844, %dma_start3A_850] : memref<24x128xi32, #tpu.memory_space<vmem>> -> memref<1x128xi32, #tpu.memory_space<vmem>>
    %dma_start3A_852 = tpu.memref_squeeze %dma_start3A_851 : memref<1x128xi32, #tpu.memory_space<vmem>> -> memref<128xi32, #tpu.memory_space<vmem>>
    %dma_start3A_853 = arith.constant 0 : i32
    %dma_start3A_854 = arith.constant 0 : i32
    %dma_start3A_855 = tpu.memref_slice %arg3[%dma_start3A_853, %dma_start3A_854] : memref<8192x128xf32, #tpu.memory_space<hbm>> -> memref<8192x128xf32, #tpu.memory_space<hbm>>
    tpu.enqueue_indirect_dma source(%dma_start3A_855 : memref<8192x128xf32, #tpu.memory_space<hbm>>) target(%dma_start3A_849 : memref<128x128xf32, #tpu.memory_space<vmem>>) offsets(%dma_start3A_852 : memref<128xi32, #tpu.memory_space<vmem>>) semaphore(%arg9 : memref<!tpu.dma_semaphore, #tpu.memory_space<semaphore_mem>>)
    %dma_wait3A_856 = arith.constant 16 : i32
    %dma_wait3A_857 = arith.constant 0 : i32
    %dma_wait3A_858 = arith.constant 0 : i32
    %dma_wait3A_859 = arith.constant 0 : i32
    %dma_wait3A_860 = tpu.memref_slice %arg6[%dma_wait3A_857, %dma_wait3A_858, %dma_wait3A_859] : memref<4x128x128xf32, #tpu.memory_space<vmem>> -> memref<1x128x128xf32, #tpu.memory_space<vmem>>
    %dma_wait3A_861 = tpu.memref_squeeze %dma_wait3A_860 : memref<1x128x128xf32, #tpu.memory_space<vmem>> -> memref<128x128xf32, #tpu.memory_space<vmem>>
    %dma_wait3A_862 = arith.constant 0 : i32
    %dma_wait3A_863 = tpu.memref_slice %arg5[%dma_wait3A_856, %dma_wait3A_862] : memref<24x128xi32, #tpu.memory_space<vmem>> -> memref<1x128xi32, #tpu.memory_space<vmem>>
    %dma_wait3A_864 = tpu.memref_squeeze %dma_wait3A_863 : memref<1x128xi32, #tpu.memory_space<vmem>> -> memref<128xi32, #tpu.memory_space<vmem>>
    %dma_wait3A_865 = arith.constant 0 : i32
    %dma_wait3A_866 = arith.constant 0 : i32
    %dma_wait3A_867 = tpu.memref_slice %arg3[%dma_wait3A_865, %dma_wait3A_866] : memref<8192x128xf32, #tpu.memory_space<hbm>> -> memref<8192x128xf32, #tpu.memory_space<hbm>>
    tpu.wait_indirect_dma semaphore(%arg7 : memref<!tpu.dma_semaphore, #tpu.memory_space<semaphore_mem>>) src(%dma_wait3A_867 : memref<8192x128xf32, #tpu.memory_space<hbm>>) dst(%dma_wait3A_861 : memref<128x128xf32, #tpu.memory_space<vmem>>)
    %add3A_868 = arith.constant 2048 : i32
    %add3A_869 = arith.addi %mul3A_2, %add3A_868 : i32
    %dma_start3A_870 = arith.constant 0 : i32
    %dma_start3A_871 = arith.constant 0 : i32
    %dma_start3A_872 = arith.constant 0 : i32
    %dma_start3A_873 = tpu.memref_slice %arg6[%dma_start3A_870, %dma_start3A_871, %dma_start3A_872] : memref<4x128x128xf32, #tpu.memory_space<vmem>> -> memref<1x128x128xf32, #tpu.memory_space<vmem>>
    %dma_start3A_874 = tpu.memref_squeeze %dma_start3A_873 : memref<1x128x128xf32, #tpu.memory_space<vmem>> -> memref<128x128xf32, #tpu.memory_space<vmem>>
    %dma_start3A_875 = arith.constant 0 : i32
    %dma_start3A_876 = tpu.memref_slice %arg4[%add3A_869, %dma_start3A_875] : memref<98304x128xf32, #tpu.memory_space<hbm>> -> memref<128x128xf32, #tpu.memory_space<hbm>>
    %dma_start3A_877 = arith.constant 0 : i32
    %dma_start3A_878 = tpu.memref_slice %arg4[%add3A_869, %dma_start3A_877] : memref<98304x128xf32, #tpu.memory_space<hbm>> -> memref<128x128xf32, #tpu.memory_space<hbm>>
    %dma_start3A_879 = arith.constant 0 : i32
    %dma_start3A_880 = arith.constant 0 : i32
    %dma_start3A_881 = tpu.memref_slice %arg6[%dma_start3A_870, %dma_start3A_879, %dma_start3A_880] : memref<4x128x128xf32, #tpu.memory_space<vmem>> -> memref<1x128x128xf32, #tpu.memory_space<vmem>>
    %dma_start3A_882 = tpu.memref_squeeze %dma_start3A_881 : memref<1x128x128xf32, #tpu.memory_space<vmem>> -> memref<128x128xf32, #tpu.memory_space<vmem>>
    tpu.enqueue_dma source(%dma_start3A_882 : memref<128x128xf32, #tpu.memory_space<vmem>>) target(%dma_start3A_878 : memref<128x128xf32, #tpu.memory_space<hbm>>) target_semaphore(%arg11 : memref<!tpu.dma_semaphore, #tpu.memory_space<semaphore_mem>>)
    %dma_wait3A_883 = arith.constant 3 : i32
    %dma_wait3A_884 = arith.constant 0 : i32
    %dma_wait3A_885 = arith.constant 0 : i32
    %dma_wait3A_886 = tpu.memref_slice %arg6[%dma_wait3A_883, %dma_wait3A_884, %dma_wait3A_885] : memref<4x128x128xf32, #tpu.memory_space<vmem>> -> memref<1x128x128xf32, #tpu.memory_space<vmem>>
    %dma_wait3A_887 = tpu.memref_squeeze %dma_wait3A_886 : memref<1x128x128xf32, #tpu.memory_space<vmem>> -> memref<128x128xf32, #tpu.memory_space<vmem>>
    %dma_wait3A_888 = arith.constant 0 : i32
    %dma_wait3A_889 = tpu.memref_slice %arg4[%add3A_817, %dma_wait3A_888] : memref<98304x128xf32, #tpu.memory_space<hbm>> -> memref<128x128xf32, #tpu.memory_space<hbm>>
    %dma_wait3A_890 = arith.constant 0 : i32
    %dma_wait3A_891 = tpu.memref_slice %arg4[%add3A_817, %dma_wait3A_890] : memref<98304x128xf32, #tpu.memory_space<hbm>> -> memref<128x128xf32, #tpu.memory_space<hbm>>
    %dma_wait3A_892 = arith.constant 0 : i32
    %dma_wait3A_893 = arith.constant 0 : i32
    %dma_wait3A_894 = tpu.memref_slice %arg6[%dma_wait3A_883, %dma_wait3A_892, %dma_wait3A_893] : memref<4x128x128xf32, #tpu.memory_space<vmem>> -> memref<1x128x128xf32, #tpu.memory_space<vmem>>
    %dma_wait3A_895 = tpu.memref_squeeze %dma_wait3A_894 : memref<1x128x128xf32, #tpu.memory_space<vmem>> -> memref<128x128xf32, #tpu.memory_space<vmem>>
    tpu.wait_dma2 semaphore(%arg14 : memref<!tpu.dma_semaphore, #tpu.memory_space<semaphore_mem>>) src(%dma_wait3A_895 : memref<128x128xf32, #tpu.memory_space<vmem>>) dst(%dma_wait3A_891 : memref<128x128xf32, #tpu.memory_space<hbm>>)
    %dma_start3A_896 = arith.constant 19 : i32
    %dma_start3A_897 = arith.constant 3 : i32
    %dma_start3A_898 = arith.constant 0 : i32
    %dma_start3A_899 = arith.constant 0 : i32
    %dma_start3A_900 = tpu.memref_slice %arg6[%dma_start3A_897, %dma_start3A_898, %dma_start3A_899] : memref<4x128x128xf32, #tpu.memory_space<vmem>> -> memref<1x128x128xf32, #tpu.memory_space<vmem>>
    %dma_start3A_901 = tpu.memref_squeeze %dma_start3A_900 : memref<1x128x128xf32, #tpu.memory_space<vmem>> -> memref<128x128xf32, #tpu.memory_space<vmem>>
    %dma_start3A_902 = arith.constant 0 : i32
    %dma_start3A_903 = tpu.memref_slice %arg5[%dma_start3A_896, %dma_start3A_902] : memref<24x128xi32, #tpu.memory_space<vmem>> -> memref<1x128xi32, #tpu.memory_space<vmem>>
    %dma_start3A_904 = tpu.memref_squeeze %dma_start3A_903 : memref<1x128xi32, #tpu.memory_space<vmem>> -> memref<128xi32, #tpu.memory_space<vmem>>
    %dma_start3A_905 = arith.constant 0 : i32
    %dma_start3A_906 = arith.constant 0 : i32
    %dma_start3A_907 = tpu.memref_slice %arg3[%dma_start3A_905, %dma_start3A_906] : memref<8192x128xf32, #tpu.memory_space<hbm>> -> memref<8192x128xf32, #tpu.memory_space<hbm>>
    tpu.enqueue_indirect_dma source(%dma_start3A_907 : memref<8192x128xf32, #tpu.memory_space<hbm>>) target(%dma_start3A_901 : memref<128x128xf32, #tpu.memory_space<vmem>>) offsets(%dma_start3A_904 : memref<128xi32, #tpu.memory_space<vmem>>) semaphore(%arg10 : memref<!tpu.dma_semaphore, #tpu.memory_space<semaphore_mem>>)
    %dma_wait3A_908 = arith.constant 17 : i32
    %dma_wait3A_909 = arith.constant 1 : i32
    %dma_wait3A_910 = arith.constant 0 : i32
    %dma_wait3A_911 = arith.constant 0 : i32
    %dma_wait3A_912 = tpu.memref_slice %arg6[%dma_wait3A_909, %dma_wait3A_910, %dma_wait3A_911] : memref<4x128x128xf32, #tpu.memory_space<vmem>> -> memref<1x128x128xf32, #tpu.memory_space<vmem>>
    %dma_wait3A_913 = tpu.memref_squeeze %dma_wait3A_912 : memref<1x128x128xf32, #tpu.memory_space<vmem>> -> memref<128x128xf32, #tpu.memory_space<vmem>>
    %dma_wait3A_914 = arith.constant 0 : i32
    %dma_wait3A_915 = tpu.memref_slice %arg5[%dma_wait3A_908, %dma_wait3A_914] : memref<24x128xi32, #tpu.memory_space<vmem>> -> memref<1x128xi32, #tpu.memory_space<vmem>>
    %dma_wait3A_916 = tpu.memref_squeeze %dma_wait3A_915 : memref<1x128xi32, #tpu.memory_space<vmem>> -> memref<128xi32, #tpu.memory_space<vmem>>
    %dma_wait3A_917 = arith.constant 0 : i32
    %dma_wait3A_918 = arith.constant 0 : i32
    %dma_wait3A_919 = tpu.memref_slice %arg3[%dma_wait3A_917, %dma_wait3A_918] : memref<8192x128xf32, #tpu.memory_space<hbm>> -> memref<8192x128xf32, #tpu.memory_space<hbm>>
    tpu.wait_indirect_dma semaphore(%arg8 : memref<!tpu.dma_semaphore, #tpu.memory_space<semaphore_mem>>) src(%dma_wait3A_919 : memref<8192x128xf32, #tpu.memory_space<hbm>>) dst(%dma_wait3A_913 : memref<128x128xf32, #tpu.memory_space<vmem>>)
    %add3A_920 = arith.constant 2176 : i32
    %add3A_921 = arith.addi %mul3A_2, %add3A_920 : i32
    %dma_start3A_922 = arith.constant 1 : i32
    %dma_start3A_923 = arith.constant 0 : i32
    %dma_start3A_924 = arith.constant 0 : i32
    %dma_start3A_925 = tpu.memref_slice %arg6[%dma_start3A_922, %dma_start3A_923, %dma_start3A_924] : memref<4x128x128xf32, #tpu.memory_space<vmem>> -> memref<1x128x128xf32, #tpu.memory_space<vmem>>
    %dma_start3A_926 = tpu.memref_squeeze %dma_start3A_925 : memref<1x128x128xf32, #tpu.memory_space<vmem>> -> memref<128x128xf32, #tpu.memory_space<vmem>>
    %dma_start3A_927 = arith.constant 0 : i32
    %dma_start3A_928 = tpu.memref_slice %arg4[%add3A_921, %dma_start3A_927] : memref<98304x128xf32, #tpu.memory_space<hbm>> -> memref<128x128xf32, #tpu.memory_space<hbm>>
    %dma_start3A_929 = arith.constant 0 : i32
    %dma_start3A_930 = tpu.memref_slice %arg4[%add3A_921, %dma_start3A_929] : memref<98304x128xf32, #tpu.memory_space<hbm>> -> memref<128x128xf32, #tpu.memory_space<hbm>>
    %dma_start3A_931 = arith.constant 0 : i32
    %dma_start3A_932 = arith.constant 0 : i32
    %dma_start3A_933 = tpu.memref_slice %arg6[%dma_start3A_922, %dma_start3A_931, %dma_start3A_932] : memref<4x128x128xf32, #tpu.memory_space<vmem>> -> memref<1x128x128xf32, #tpu.memory_space<vmem>>
    %dma_start3A_934 = tpu.memref_squeeze %dma_start3A_933 : memref<1x128x128xf32, #tpu.memory_space<vmem>> -> memref<128x128xf32, #tpu.memory_space<vmem>>
    tpu.enqueue_dma source(%dma_start3A_934 : memref<128x128xf32, #tpu.memory_space<vmem>>) target(%dma_start3A_930 : memref<128x128xf32, #tpu.memory_space<hbm>>) target_semaphore(%arg12 : memref<!tpu.dma_semaphore, #tpu.memory_space<semaphore_mem>>)
    %dma_wait3A_935 = arith.constant 0 : i32
    %dma_wait3A_936 = arith.constant 0 : i32
    %dma_wait3A_937 = arith.constant 0 : i32
    %dma_wait3A_938 = tpu.memref_slice %arg6[%dma_wait3A_935, %dma_wait3A_936, %dma_wait3A_937] : memref<4x128x128xf32, #tpu.memory_space<vmem>> -> memref<1x128x128xf32, #tpu.memory_space<vmem>>
    %dma_wait3A_939 = tpu.memref_squeeze %dma_wait3A_938 : memref<1x128x128xf32, #tpu.memory_space<vmem>> -> memref<128x128xf32, #tpu.memory_space<vmem>>
    %dma_wait3A_940 = arith.constant 0 : i32
    %dma_wait3A_941 = tpu.memref_slice %arg4[%add3A_869, %dma_wait3A_940] : memref<98304x128xf32, #tpu.memory_space<hbm>> -> memref<128x128xf32, #tpu.memory_space<hbm>>
    %dma_wait3A_942 = arith.constant 0 : i32
    %dma_wait3A_943 = tpu.memref_slice %arg4[%add3A_869, %dma_wait3A_942] : memref<98304x128xf32, #tpu.memory_space<hbm>> -> memref<128x128xf32, #tpu.memory_space<hbm>>
    %dma_wait3A_944 = arith.constant 0 : i32
    %dma_wait3A_945 = arith.constant 0 : i32
    %dma_wait3A_946 = tpu.memref_slice %arg6[%dma_wait3A_935, %dma_wait3A_944, %dma_wait3A_945] : memref<4x128x128xf32, #tpu.memory_space<vmem>> -> memref<1x128x128xf32, #tpu.memory_space<vmem>>
    %dma_wait3A_947 = tpu.memref_squeeze %dma_wait3A_946 : memref<1x128x128xf32, #tpu.memory_space<vmem>> -> memref<128x128xf32, #tpu.memory_space<vmem>>
    tpu.wait_dma2 semaphore(%arg11 : memref<!tpu.dma_semaphore, #tpu.memory_space<semaphore_mem>>) src(%dma_wait3A_947 : memref<128x128xf32, #tpu.memory_space<vmem>>) dst(%dma_wait3A_943 : memref<128x128xf32, #tpu.memory_space<hbm>>)
    %dma_start3A_948 = arith.constant 20 : i32
    %dma_start3A_949 = arith.constant 0 : i32
    %dma_start3A_950 = arith.constant 0 : i32
    %dma_start3A_951 = arith.constant 0 : i32
    %dma_start3A_952 = tpu.memref_slice %arg6[%dma_start3A_949, %dma_start3A_950, %dma_start3A_951] : memref<4x128x128xf32, #tpu.memory_space<vmem>> -> memref<1x128x128xf32, #tpu.memory_space<vmem>>
    %dma_start3A_953 = tpu.memref_squeeze %dma_start3A_952 : memref<1x128x128xf32, #tpu.memory_space<vmem>> -> memref<128x128xf32, #tpu.memory_space<vmem>>
    %dma_start3A_954 = arith.constant 0 : i32
    %dma_start3A_955 = tpu.memref_slice %arg5[%dma_start3A_948, %dma_start3A_954] : memref<24x128xi32, #tpu.memory_space<vmem>> -> memref<1x128xi32, #tpu.memory_space<vmem>>
    %dma_start3A_956 = tpu.memref_squeeze %dma_start3A_955 : memref<1x128xi32, #tpu.memory_space<vmem>> -> memref<128xi32, #tpu.memory_space<vmem>>
    %dma_start3A_957 = arith.constant 0 : i32
    %dma_start3A_958 = arith.constant 0 : i32
    %dma_start3A_959 = tpu.memref_slice %arg3[%dma_start3A_957, %dma_start3A_958] : memref<8192x128xf32, #tpu.memory_space<hbm>> -> memref<8192x128xf32, #tpu.memory_space<hbm>>
    tpu.enqueue_indirect_dma source(%dma_start3A_959 : memref<8192x128xf32, #tpu.memory_space<hbm>>) target(%dma_start3A_953 : memref<128x128xf32, #tpu.memory_space<vmem>>) offsets(%dma_start3A_956 : memref<128xi32, #tpu.memory_space<vmem>>) semaphore(%arg7 : memref<!tpu.dma_semaphore, #tpu.memory_space<semaphore_mem>>)
    %dma_wait3A_960 = arith.constant 18 : i32
    %dma_wait3A_961 = arith.constant 2 : i32
    %dma_wait3A_962 = arith.constant 0 : i32
    %dma_wait3A_963 = arith.constant 0 : i32
    %dma_wait3A_964 = tpu.memref_slice %arg6[%dma_wait3A_961, %dma_wait3A_962, %dma_wait3A_963] : memref<4x128x128xf32, #tpu.memory_space<vmem>> -> memref<1x128x128xf32, #tpu.memory_space<vmem>>
    %dma_wait3A_965 = tpu.memref_squeeze %dma_wait3A_964 : memref<1x128x128xf32, #tpu.memory_space<vmem>> -> memref<128x128xf32, #tpu.memory_space<vmem>>
    %dma_wait3A_966 = arith.constant 0 : i32
    %dma_wait3A_967 = tpu.memref_slice %arg5[%dma_wait3A_960, %dma_wait3A_966] : memref<24x128xi32, #tpu.memory_space<vmem>> -> memref<1x128xi32, #tpu.memory_space<vmem>>
    %dma_wait3A_968 = tpu.memref_squeeze %dma_wait3A_967 : memref<1x128xi32, #tpu.memory_space<vmem>> -> memref<128xi32, #tpu.memory_space<vmem>>
    %dma_wait3A_969 = arith.constant 0 : i32
    %dma_wait3A_970 = arith.constant 0 : i32
    %dma_wait3A_971 = tpu.memref_slice %arg3[%dma_wait3A_969, %dma_wait3A_970] : memref<8192x128xf32, #tpu.memory_space<hbm>> -> memref<8192x128xf32, #tpu.memory_space<hbm>>
    tpu.wait_indirect_dma semaphore(%arg9 : memref<!tpu.dma_semaphore, #tpu.memory_space<semaphore_mem>>) src(%dma_wait3A_971 : memref<8192x128xf32, #tpu.memory_space<hbm>>) dst(%dma_wait3A_965 : memref<128x128xf32, #tpu.memory_space<vmem>>)
    %add3A_972 = arith.constant 2304 : i32
    %add3A_973 = arith.addi %mul3A_2, %add3A_972 : i32
    %dma_start3A_974 = arith.constant 2 : i32
    %dma_start3A_975 = arith.constant 0 : i32
    %dma_start3A_976 = arith.constant 0 : i32
    %dma_start3A_977 = tpu.memref_slice %arg6[%dma_start3A_974, %dma_start3A_975, %dma_start3A_976] : memref<4x128x128xf32, #tpu.memory_space<vmem>> -> memref<1x128x128xf32, #tpu.memory_space<vmem>>
    %dma_start3A_978 = tpu.memref_squeeze %dma_start3A_977 : memref<1x128x128xf32, #tpu.memory_space<vmem>> -> memref<128x128xf32, #tpu.memory_space<vmem>>
    %dma_start3A_979 = arith.constant 0 : i32
    %dma_start3A_980 = tpu.memref_slice %arg4[%add3A_973, %dma_start3A_979] : memref<98304x128xf32, #tpu.memory_space<hbm>> -> memref<128x128xf32, #tpu.memory_space<hbm>>
    %dma_start3A_981 = arith.constant 0 : i32
    %dma_start3A_982 = tpu.memref_slice %arg4[%add3A_973, %dma_start3A_981] : memref<98304x128xf32, #tpu.memory_space<hbm>> -> memref<128x128xf32, #tpu.memory_space<hbm>>
    %dma_start3A_983 = arith.constant 0 : i32
    %dma_start3A_984 = arith.constant 0 : i32
    %dma_start3A_985 = tpu.memref_slice %arg6[%dma_start3A_974, %dma_start3A_983, %dma_start3A_984] : memref<4x128x128xf32, #tpu.memory_space<vmem>> -> memref<1x128x128xf32, #tpu.memory_space<vmem>>
    %dma_start3A_986 = tpu.memref_squeeze %dma_start3A_985 : memref<1x128x128xf32, #tpu.memory_space<vmem>> -> memref<128x128xf32, #tpu.memory_space<vmem>>
    tpu.enqueue_dma source(%dma_start3A_986 : memref<128x128xf32, #tpu.memory_space<vmem>>) target(%dma_start3A_982 : memref<128x128xf32, #tpu.memory_space<hbm>>) target_semaphore(%arg13 : memref<!tpu.dma_semaphore, #tpu.memory_space<semaphore_mem>>)
    %dma_wait3A_987 = arith.constant 1 : i32
    %dma_wait3A_988 = arith.constant 0 : i32
    %dma_wait3A_989 = arith.constant 0 : i32
    %dma_wait3A_990 = tpu.memref_slice %arg6[%dma_wait3A_987, %dma_wait3A_988, %dma_wait3A_989] : memref<4x128x128xf32, #tpu.memory_space<vmem>> -> memref<1x128x128xf32, #tpu.memory_space<vmem>>
    %dma_wait3A_991 = tpu.memref_squeeze %dma_wait3A_990 : memref<1x128x128xf32, #tpu.memory_space<vmem>> -> memref<128x128xf32, #tpu.memory_space<vmem>>
    %dma_wait3A_992 = arith.constant 0 : i32
    %dma_wait3A_993 = tpu.memref_slice %arg4[%add3A_921, %dma_wait3A_992] : memref<98304x128xf32, #tpu.memory_space<hbm>> -> memref<128x128xf32, #tpu.memory_space<hbm>>
    %dma_wait3A_994 = arith.constant 0 : i32
    %dma_wait3A_995 = tpu.memref_slice %arg4[%add3A_921, %dma_wait3A_994] : memref<98304x128xf32, #tpu.memory_space<hbm>> -> memref<128x128xf32, #tpu.memory_space<hbm>>
    %dma_wait3A_996 = arith.constant 0 : i32
    %dma_wait3A_997 = arith.constant 0 : i32
    %dma_wait3A_998 = tpu.memref_slice %arg6[%dma_wait3A_987, %dma_wait3A_996, %dma_wait3A_997] : memref<4x128x128xf32, #tpu.memory_space<vmem>> -> memref<1x128x128xf32, #tpu.memory_space<vmem>>
    %dma_wait3A_999 = tpu.memref_squeeze %dma_wait3A_998 : memref<1x128x128xf32, #tpu.memory_space<vmem>> -> memref<128x128xf32, #tpu.memory_space<vmem>>
    tpu.wait_dma2 semaphore(%arg12 : memref<!tpu.dma_semaphore, #tpu.memory_space<semaphore_mem>>) src(%dma_wait3A_999 : memref<128x128xf32, #tpu.memory_space<vmem>>) dst(%dma_wait3A_995 : memref<128x128xf32, #tpu.memory_space<hbm>>)
    %dma_start3A_1000 = arith.constant 21 : i32
    %dma_start3A_1001 = arith.constant 1 : i32
    %dma_start3A_1002 = arith.constant 0 : i32
    %dma_start3A_1003 = arith.constant 0 : i32
    %dma_start3A_1004 = tpu.memref_slice %arg6[%dma_start3A_1001, %dma_start3A_1002, %dma_start3A_1003] : memref<4x128x128xf32, #tpu.memory_space<vmem>> -> memref<1x128x128xf32, #tpu.memory_space<vmem>>
    %dma_start3A_1005 = tpu.memref_squeeze %dma_start3A_1004 : memref<1x128x128xf32, #tpu.memory_space<vmem>> -> memref<128x128xf32, #tpu.memory_space<vmem>>
    %dma_start3A_1006 = arith.constant 0 : i32
    %dma_start3A_1007 = tpu.memref_slice %arg5[%dma_start3A_1000, %dma_start3A_1006] : memref<24x128xi32, #tpu.memory_space<vmem>> -> memref<1x128xi32, #tpu.memory_space<vmem>>
    %dma_start3A_1008 = tpu.memref_squeeze %dma_start3A_1007 : memref<1x128xi32, #tpu.memory_space<vmem>> -> memref<128xi32, #tpu.memory_space<vmem>>
    %dma_start3A_1009 = arith.constant 0 : i32
    %dma_start3A_1010 = arith.constant 0 : i32
    %dma_start3A_1011 = tpu.memref_slice %arg3[%dma_start3A_1009, %dma_start3A_1010] : memref<8192x128xf32, #tpu.memory_space<hbm>> -> memref<8192x128xf32, #tpu.memory_space<hbm>>
    tpu.enqueue_indirect_dma source(%dma_start3A_1011 : memref<8192x128xf32, #tpu.memory_space<hbm>>) target(%dma_start3A_1005 : memref<128x128xf32, #tpu.memory_space<vmem>>) offsets(%dma_start3A_1008 : memref<128xi32, #tpu.memory_space<vmem>>) semaphore(%arg8 : memref<!tpu.dma_semaphore, #tpu.memory_space<semaphore_mem>>)
    %dma_wait3A_1012 = arith.constant 19 : i32
    %dma_wait3A_1013 = arith.constant 3 : i32
    %dma_wait3A_1014 = arith.constant 0 : i32
    %dma_wait3A_1015 = arith.constant 0 : i32
    %dma_wait3A_1016 = tpu.memref_slice %arg6[%dma_wait3A_1013, %dma_wait3A_1014, %dma_wait3A_1015] : memref<4x128x128xf32, #tpu.memory_space<vmem>> -> memref<1x128x128xf32, #tpu.memory_space<vmem>>
    %dma_wait3A_1017 = tpu.memref_squeeze %dma_wait3A_1016 : memref<1x128x128xf32, #tpu.memory_space<vmem>> -> memref<128x128xf32, #tpu.memory_space<vmem>>
    %dma_wait3A_1018 = arith.constant 0 : i32
    %dma_wait3A_1019 = tpu.memref_slice %arg5[%dma_wait3A_1012, %dma_wait3A_1018] : memref<24x128xi32, #tpu.memory_space<vmem>> -> memref<1x128xi32, #tpu.memory_space<vmem>>
    %dma_wait3A_1020 = tpu.memref_squeeze %dma_wait3A_1019 : memref<1x128xi32, #tpu.memory_space<vmem>> -> memref<128xi32, #tpu.memory_space<vmem>>
    %dma_wait3A_1021 = arith.constant 0 : i32
    %dma_wait3A_1022 = arith.constant 0 : i32
    %dma_wait3A_1023 = tpu.memref_slice %arg3[%dma_wait3A_1021, %dma_wait3A_1022] : memref<8192x128xf32, #tpu.memory_space<hbm>> -> memref<8192x128xf32, #tpu.memory_space<hbm>>
    tpu.wait_indirect_dma semaphore(%arg10 : memref<!tpu.dma_semaphore, #tpu.memory_space<semaphore_mem>>) src(%dma_wait3A_1023 : memref<8192x128xf32, #tpu.memory_space<hbm>>) dst(%dma_wait3A_1017 : memref<128x128xf32, #tpu.memory_space<vmem>>)
    %add3A_1024 = arith.constant 2432 : i32
    %add3A_1025 = arith.addi %mul3A_2, %add3A_1024 : i32
    %dma_start3A_1026 = arith.constant 3 : i32
    %dma_start3A_1027 = arith.constant 0 : i32
    %dma_start3A_1028 = arith.constant 0 : i32
    %dma_start3A_1029 = tpu.memref_slice %arg6[%dma_start3A_1026, %dma_start3A_1027, %dma_start3A_1028] : memref<4x128x128xf32, #tpu.memory_space<vmem>> -> memref<1x128x128xf32, #tpu.memory_space<vmem>>
    %dma_start3A_1030 = tpu.memref_squeeze %dma_start3A_1029 : memref<1x128x128xf32, #tpu.memory_space<vmem>> -> memref<128x128xf32, #tpu.memory_space<vmem>>
    %dma_start3A_1031 = arith.constant 0 : i32
    %dma_start3A_1032 = tpu.memref_slice %arg4[%add3A_1025, %dma_start3A_1031] : memref<98304x128xf32, #tpu.memory_space<hbm>> -> memref<128x128xf32, #tpu.memory_space<hbm>>
    %dma_start3A_1033 = arith.constant 0 : i32
    %dma_start3A_1034 = tpu.memref_slice %arg4[%add3A_1025, %dma_start3A_1033] : memref<98304x128xf32, #tpu.memory_space<hbm>> -> memref<128x128xf32, #tpu.memory_space<hbm>>
    %dma_start3A_1035 = arith.constant 0 : i32
    %dma_start3A_1036 = arith.constant 0 : i32
    %dma_start3A_1037 = tpu.memref_slice %arg6[%dma_start3A_1026, %dma_start3A_1035, %dma_start3A_1036] : memref<4x128x128xf32, #tpu.memory_space<vmem>> -> memref<1x128x128xf32, #tpu.memory_space<vmem>>
    %dma_start3A_1038 = tpu.memref_squeeze %dma_start3A_1037 : memref<1x128x128xf32, #tpu.memory_space<vmem>> -> memref<128x128xf32, #tpu.memory_space<vmem>>
    tpu.enqueue_dma source(%dma_start3A_1038 : memref<128x128xf32, #tpu.memory_space<vmem>>) target(%dma_start3A_1034 : memref<128x128xf32, #tpu.memory_space<hbm>>) target_semaphore(%arg14 : memref<!tpu.dma_semaphore, #tpu.memory_space<semaphore_mem>>)
    %dma_wait3A_1039 = arith.constant 2 : i32
    %dma_wait3A_1040 = arith.constant 0 : i32
    %dma_wait3A_1041 = arith.constant 0 : i32
    %dma_wait3A_1042 = tpu.memref_slice %arg6[%dma_wait3A_1039, %dma_wait3A_1040, %dma_wait3A_1041] : memref<4x128x128xf32, #tpu.memory_space<vmem>> -> memref<1x128x128xf32, #tpu.memory_space<vmem>>
    %dma_wait3A_1043 = tpu.memref_squeeze %dma_wait3A_1042 : memref<1x128x128xf32, #tpu.memory_space<vmem>> -> memref<128x128xf32, #tpu.memory_space<vmem>>
    %dma_wait3A_1044 = arith.constant 0 : i32
    %dma_wait3A_1045 = tpu.memref_slice %arg4[%add3A_973, %dma_wait3A_1044] : memref<98304x128xf32, #tpu.memory_space<hbm>> -> memref<128x128xf32, #tpu.memory_space<hbm>>
    %dma_wait3A_1046 = arith.constant 0 : i32
    %dma_wait3A_1047 = tpu.memref_slice %arg4[%add3A_973, %dma_wait3A_1046] : memref<98304x128xf32, #tpu.memory_space<hbm>> -> memref<128x128xf32, #tpu.memory_space<hbm>>
    %dma_wait3A_1048 = arith.constant 0 : i32
    %dma_wait3A_1049 = arith.constant 0 : i32
    %dma_wait3A_1050 = tpu.memref_slice %arg6[%dma_wait3A_1039, %dma_wait3A_1048, %dma_wait3A_1049] : memref<4x128x128xf32, #tpu.memory_space<vmem>> -> memref<1x128x128xf32, #tpu.memory_space<vmem>>
    %dma_wait3A_1051 = tpu.memref_squeeze %dma_wait3A_1050 : memref<1x128x128xf32, #tpu.memory_space<vmem>> -> memref<128x128xf32, #tpu.memory_space<vmem>>
    tpu.wait_dma2 semaphore(%arg13 : memref<!tpu.dma_semaphore, #tpu.memory_space<semaphore_mem>>) src(%dma_wait3A_1051 : memref<128x128xf32, #tpu.memory_space<vmem>>) dst(%dma_wait3A_1047 : memref<128x128xf32, #tpu.memory_space<hbm>>)
    %dma_start3A_1052 = arith.constant 22 : i32
    %dma_start3A_1053 = arith.constant 2 : i32
    %dma_start3A_1054 = arith.constant 0 : i32
    %dma_start3A_1055 = arith.constant 0 : i32
    %dma_start3A_1056 = tpu.memref_slice %arg6[%dma_start3A_1053, %dma_start3A_1054, %dma_start3A_1055] : memref<4x128x128xf32, #tpu.memory_space<vmem>> -> memref<1x128x128xf32, #tpu.memory_space<vmem>>
    %dma_start3A_1057 = tpu.memref_squeeze %dma_start3A_1056 : memref<1x128x128xf32, #tpu.memory_space<vmem>> -> memref<128x128xf32, #tpu.memory_space<vmem>>
    %dma_start3A_1058 = arith.constant 0 : i32
    %dma_start3A_1059 = tpu.memref_slice %arg5[%dma_start3A_1052, %dma_start3A_1058] : memref<24x128xi32, #tpu.memory_space<vmem>> -> memref<1x128xi32, #tpu.memory_space<vmem>>
    %dma_start3A_1060 = tpu.memref_squeeze %dma_start3A_1059 : memref<1x128xi32, #tpu.memory_space<vmem>> -> memref<128xi32, #tpu.memory_space<vmem>>
    %dma_start3A_1061 = arith.constant 0 : i32
    %dma_start3A_1062 = arith.constant 0 : i32
    %dma_start3A_1063 = tpu.memref_slice %arg3[%dma_start3A_1061, %dma_start3A_1062] : memref<8192x128xf32, #tpu.memory_space<hbm>> -> memref<8192x128xf32, #tpu.memory_space<hbm>>
    tpu.enqueue_indirect_dma source(%dma_start3A_1063 : memref<8192x128xf32, #tpu.memory_space<hbm>>) target(%dma_start3A_1057 : memref<128x128xf32, #tpu.memory_space<vmem>>) offsets(%dma_start3A_1060 : memref<128xi32, #tpu.memory_space<vmem>>) semaphore(%arg9 : memref<!tpu.dma_semaphore, #tpu.memory_space<semaphore_mem>>)
    %dma_wait3A_1064 = arith.constant 20 : i32
    %dma_wait3A_1065 = arith.constant 0 : i32
    %dma_wait3A_1066 = arith.constant 0 : i32
    %dma_wait3A_1067 = arith.constant 0 : i32
    %dma_wait3A_1068 = tpu.memref_slice %arg6[%dma_wait3A_1065, %dma_wait3A_1066, %dma_wait3A_1067] : memref<4x128x128xf32, #tpu.memory_space<vmem>> -> memref<1x128x128xf32, #tpu.memory_space<vmem>>
    %dma_wait3A_1069 = tpu.memref_squeeze %dma_wait3A_1068 : memref<1x128x128xf32, #tpu.memory_space<vmem>> -> memref<128x128xf32, #tpu.memory_space<vmem>>
    %dma_wait3A_1070 = arith.constant 0 : i32
    %dma_wait3A_1071 = tpu.memref_slice %arg5[%dma_wait3A_1064, %dma_wait3A_1070] : memref<24x128xi32, #tpu.memory_space<vmem>> -> memref<1x128xi32, #tpu.memory_space<vmem>>
    %dma_wait3A_1072 = tpu.memref_squeeze %dma_wait3A_1071 : memref<1x128xi32, #tpu.memory_space<vmem>> -> memref<128xi32, #tpu.memory_space<vmem>>
    %dma_wait3A_1073 = arith.constant 0 : i32
    %dma_wait3A_1074 = arith.constant 0 : i32
    %dma_wait3A_1075 = tpu.memref_slice %arg3[%dma_wait3A_1073, %dma_wait3A_1074] : memref<8192x128xf32, #tpu.memory_space<hbm>> -> memref<8192x128xf32, #tpu.memory_space<hbm>>
    tpu.wait_indirect_dma semaphore(%arg7 : memref<!tpu.dma_semaphore, #tpu.memory_space<semaphore_mem>>) src(%dma_wait3A_1075 : memref<8192x128xf32, #tpu.memory_space<hbm>>) dst(%dma_wait3A_1069 : memref<128x128xf32, #tpu.memory_space<vmem>>)
    %add3A_1076 = arith.constant 2560 : i32
    %add3A_1077 = arith.addi %mul3A_2, %add3A_1076 : i32
    %dma_start3A_1078 = arith.constant 0 : i32
    %dma_start3A_1079 = arith.constant 0 : i32
    %dma_start3A_1080 = arith.constant 0 : i32
    %dma_start3A_1081 = tpu.memref_slice %arg6[%dma_start3A_1078, %dma_start3A_1079, %dma_start3A_1080] : memref<4x128x128xf32, #tpu.memory_space<vmem>> -> memref<1x128x128xf32, #tpu.memory_space<vmem>>
    %dma_start3A_1082 = tpu.memref_squeeze %dma_start3A_1081 : memref<1x128x128xf32, #tpu.memory_space<vmem>> -> memref<128x128xf32, #tpu.memory_space<vmem>>
    %dma_start3A_1083 = arith.constant 0 : i32
    %dma_start3A_1084 = tpu.memref_slice %arg4[%add3A_1077, %dma_start3A_1083] : memref<98304x128xf32, #tpu.memory_space<hbm>> -> memref<128x128xf32, #tpu.memory_space<hbm>>
    %dma_start3A_1085 = arith.constant 0 : i32
    %dma_start3A_1086 = tpu.memref_slice %arg4[%add3A_1077, %dma_start3A_1085] : memref<98304x128xf32, #tpu.memory_space<hbm>> -> memref<128x128xf32, #tpu.memory_space<hbm>>
    %dma_start3A_1087 = arith.constant 0 : i32
    %dma_start3A_1088 = arith.constant 0 : i32
    %dma_start3A_1089 = tpu.memref_slice %arg6[%dma_start3A_1078, %dma_start3A_1087, %dma_start3A_1088] : memref<4x128x128xf32, #tpu.memory_space<vmem>> -> memref<1x128x128xf32, #tpu.memory_space<vmem>>
    %dma_start3A_1090 = tpu.memref_squeeze %dma_start3A_1089 : memref<1x128x128xf32, #tpu.memory_space<vmem>> -> memref<128x128xf32, #tpu.memory_space<vmem>>
    tpu.enqueue_dma source(%dma_start3A_1090 : memref<128x128xf32, #tpu.memory_space<vmem>>) target(%dma_start3A_1086 : memref<128x128xf32, #tpu.memory_space<hbm>>) target_semaphore(%arg11 : memref<!tpu.dma_semaphore, #tpu.memory_space<semaphore_mem>>)
    %dma_wait3A_1091 = arith.constant 3 : i32
    %dma_wait3A_1092 = arith.constant 0 : i32
    %dma_wait3A_1093 = arith.constant 0 : i32
    %dma_wait3A_1094 = tpu.memref_slice %arg6[%dma_wait3A_1091, %dma_wait3A_1092, %dma_wait3A_1093] : memref<4x128x128xf32, #tpu.memory_space<vmem>> -> memref<1x128x128xf32, #tpu.memory_space<vmem>>
    %dma_wait3A_1095 = tpu.memref_squeeze %dma_wait3A_1094 : memref<1x128x128xf32, #tpu.memory_space<vmem>> -> memref<128x128xf32, #tpu.memory_space<vmem>>
    %dma_wait3A_1096 = arith.constant 0 : i32
    %dma_wait3A_1097 = tpu.memref_slice %arg4[%add3A_1025, %dma_wait3A_1096] : memref<98304x128xf32, #tpu.memory_space<hbm>> -> memref<128x128xf32, #tpu.memory_space<hbm>>
    %dma_wait3A_1098 = arith.constant 0 : i32
    %dma_wait3A_1099 = tpu.memref_slice %arg4[%add3A_1025, %dma_wait3A_1098] : memref<98304x128xf32, #tpu.memory_space<hbm>> -> memref<128x128xf32, #tpu.memory_space<hbm>>
    %dma_wait3A_1100 = arith.constant 0 : i32
    %dma_wait3A_1101 = arith.constant 0 : i32
    %dma_wait3A_1102 = tpu.memref_slice %arg6[%dma_wait3A_1091, %dma_wait3A_1100, %dma_wait3A_1101] : memref<4x128x128xf32, #tpu.memory_space<vmem>> -> memref<1x128x128xf32, #tpu.memory_space<vmem>>
    %dma_wait3A_1103 = tpu.memref_squeeze %dma_wait3A_1102 : memref<1x128x128xf32, #tpu.memory_space<vmem>> -> memref<128x128xf32, #tpu.memory_space<vmem>>
    tpu.wait_dma2 semaphore(%arg14 : memref<!tpu.dma_semaphore, #tpu.memory_space<semaphore_mem>>) src(%dma_wait3A_1103 : memref<128x128xf32, #tpu.memory_space<vmem>>) dst(%dma_wait3A_1099 : memref<128x128xf32, #tpu.memory_space<hbm>>)
    %dma_start3A_1104 = arith.constant 23 : i32
    %dma_start3A_1105 = arith.constant 3 : i32
    %dma_start3A_1106 = arith.constant 0 : i32
    %dma_start3A_1107 = arith.constant 0 : i32
    %dma_start3A_1108 = tpu.memref_slice %arg6[%dma_start3A_1105, %dma_start3A_1106, %dma_start3A_1107] : memref<4x128x128xf32, #tpu.memory_space<vmem>> -> memref<1x128x128xf32, #tpu.memory_space<vmem>>
    %dma_start3A_1109 = tpu.memref_squeeze %dma_start3A_1108 : memref<1x128x128xf32, #tpu.memory_space<vmem>> -> memref<128x128xf32, #tpu.memory_space<vmem>>
    %dma_start3A_1110 = arith.constant 0 : i32
    %dma_start3A_1111 = tpu.memref_slice %arg5[%dma_start3A_1104, %dma_start3A_1110] : memref<24x128xi32, #tpu.memory_space<vmem>> -> memref<1x128xi32, #tpu.memory_space<vmem>>
    %dma_start3A_1112 = tpu.memref_squeeze %dma_start3A_1111 : memref<1x128xi32, #tpu.memory_space<vmem>> -> memref<128xi32, #tpu.memory_space<vmem>>
    %dma_start3A_1113 = arith.constant 0 : i32
    %dma_start3A_1114 = arith.constant 0 : i32
    %dma_start3A_1115 = tpu.memref_slice %arg3[%dma_start3A_1113, %dma_start3A_1114] : memref<8192x128xf32, #tpu.memory_space<hbm>> -> memref<8192x128xf32, #tpu.memory_space<hbm>>
    tpu.enqueue_indirect_dma source(%dma_start3A_1115 : memref<8192x128xf32, #tpu.memory_space<hbm>>) target(%dma_start3A_1109 : memref<128x128xf32, #tpu.memory_space<vmem>>) offsets(%dma_start3A_1112 : memref<128xi32, #tpu.memory_space<vmem>>) semaphore(%arg10 : memref<!tpu.dma_semaphore, #tpu.memory_space<semaphore_mem>>)
    %dma_wait3A_1116 = arith.constant 21 : i32
    %dma_wait3A_1117 = arith.constant 1 : i32
    %dma_wait3A_1118 = arith.constant 0 : i32
    %dma_wait3A_1119 = arith.constant 0 : i32
    %dma_wait3A_1120 = tpu.memref_slice %arg6[%dma_wait3A_1117, %dma_wait3A_1118, %dma_wait3A_1119] : memref<4x128x128xf32, #tpu.memory_space<vmem>> -> memref<1x128x128xf32, #tpu.memory_space<vmem>>
    %dma_wait3A_1121 = tpu.memref_squeeze %dma_wait3A_1120 : memref<1x128x128xf32, #tpu.memory_space<vmem>> -> memref<128x128xf32, #tpu.memory_space<vmem>>
    %dma_wait3A_1122 = arith.constant 0 : i32
    %dma_wait3A_1123 = tpu.memref_slice %arg5[%dma_wait3A_1116, %dma_wait3A_1122] : memref<24x128xi32, #tpu.memory_space<vmem>> -> memref<1x128xi32, #tpu.memory_space<vmem>>
    %dma_wait3A_1124 = tpu.memref_squeeze %dma_wait3A_1123 : memref<1x128xi32, #tpu.memory_space<vmem>> -> memref<128xi32, #tpu.memory_space<vmem>>
    %dma_wait3A_1125 = arith.constant 0 : i32
    %dma_wait3A_1126 = arith.constant 0 : i32
    %dma_wait3A_1127 = tpu.memref_slice %arg3[%dma_wait3A_1125, %dma_wait3A_1126] : memref<8192x128xf32, #tpu.memory_space<hbm>> -> memref<8192x128xf32, #tpu.memory_space<hbm>>
    tpu.wait_indirect_dma semaphore(%arg8 : memref<!tpu.dma_semaphore, #tpu.memory_space<semaphore_mem>>) src(%dma_wait3A_1127 : memref<8192x128xf32, #tpu.memory_space<hbm>>) dst(%dma_wait3A_1121 : memref<128x128xf32, #tpu.memory_space<vmem>>)
    %add3A_1128 = arith.constant 2688 : i32
    %add3A_1129 = arith.addi %mul3A_2, %add3A_1128 : i32
    %dma_start3A_1130 = arith.constant 1 : i32
    %dma_start3A_1131 = arith.constant 0 : i32
    %dma_start3A_1132 = arith.constant 0 : i32
    %dma_start3A_1133 = tpu.memref_slice %arg6[%dma_start3A_1130, %dma_start3A_1131, %dma_start3A_1132] : memref<4x128x128xf32, #tpu.memory_space<vmem>> -> memref<1x128x128xf32, #tpu.memory_space<vmem>>
    %dma_start3A_1134 = tpu.memref_squeeze %dma_start3A_1133 : memref<1x128x128xf32, #tpu.memory_space<vmem>> -> memref<128x128xf32, #tpu.memory_space<vmem>>
    %dma_start3A_1135 = arith.constant 0 : i32
    %dma_start3A_1136 = tpu.memref_slice %arg4[%add3A_1129, %dma_start3A_1135] : memref<98304x128xf32, #tpu.memory_space<hbm>> -> memref<128x128xf32, #tpu.memory_space<hbm>>
    %dma_start3A_1137 = arith.constant 0 : i32
    %dma_start3A_1138 = tpu.memref_slice %arg4[%add3A_1129, %dma_start3A_1137] : memref<98304x128xf32, #tpu.memory_space<hbm>> -> memref<128x128xf32, #tpu.memory_space<hbm>>
    %dma_start3A_1139 = arith.constant 0 : i32
    %dma_start3A_1140 = arith.constant 0 : i32
    %dma_start3A_1141 = tpu.memref_slice %arg6[%dma_start3A_1130, %dma_start3A_1139, %dma_start3A_1140] : memref<4x128x128xf32, #tpu.memory_space<vmem>> -> memref<1x128x128xf32, #tpu.memory_space<vmem>>
    %dma_start3A_1142 = tpu.memref_squeeze %dma_start3A_1141 : memref<1x128x128xf32, #tpu.memory_space<vmem>> -> memref<128x128xf32, #tpu.memory_space<vmem>>
    tpu.enqueue_dma source(%dma_start3A_1142 : memref<128x128xf32, #tpu.memory_space<vmem>>) target(%dma_start3A_1138 : memref<128x128xf32, #tpu.memory_space<hbm>>) target_semaphore(%arg12 : memref<!tpu.dma_semaphore, #tpu.memory_space<semaphore_mem>>)
    %dma_wait3A_1143 = arith.constant 22 : i32
    %dma_wait3A_1144 = arith.constant 2 : i32
    %dma_wait3A_1145 = arith.constant 0 : i32
    %dma_wait3A_1146 = arith.constant 0 : i32
    %dma_wait3A_1147 = tpu.memref_slice %arg6[%dma_wait3A_1144, %dma_wait3A_1145, %dma_wait3A_1146] : memref<4x128x128xf32, #tpu.memory_space<vmem>> -> memref<1x128x128xf32, #tpu.memory_space<vmem>>
    %dma_wait3A_1148 = tpu.memref_squeeze %dma_wait3A_1147 : memref<1x128x128xf32, #tpu.memory_space<vmem>> -> memref<128x128xf32, #tpu.memory_space<vmem>>
    %dma_wait3A_1149 = arith.constant 0 : i32
    %dma_wait3A_1150 = tpu.memref_slice %arg5[%dma_wait3A_1143, %dma_wait3A_1149] : memref<24x128xi32, #tpu.memory_space<vmem>> -> memref<1x128xi32, #tpu.memory_space<vmem>>
    %dma_wait3A_1151 = tpu.memref_squeeze %dma_wait3A_1150 : memref<1x128xi32, #tpu.memory_space<vmem>> -> memref<128xi32, #tpu.memory_space<vmem>>
    %dma_wait3A_1152 = arith.constant 0 : i32
    %dma_wait3A_1153 = arith.constant 0 : i32
    %dma_wait3A_1154 = tpu.memref_slice %arg3[%dma_wait3A_1152, %dma_wait3A_1153] : memref<8192x128xf32, #tpu.memory_space<hbm>> -> memref<8192x128xf32, #tpu.memory_space<hbm>>
    tpu.wait_indirect_dma semaphore(%arg9 : memref<!tpu.dma_semaphore, #tpu.memory_space<semaphore_mem>>) src(%dma_wait3A_1154 : memref<8192x128xf32, #tpu.memory_space<hbm>>) dst(%dma_wait3A_1148 : memref<128x128xf32, #tpu.memory_space<vmem>>)
    %add3A_1155 = arith.constant 2816 : i32
    %add3A_1156 = arith.addi %mul3A_2, %add3A_1155 : i32
    %dma_start3A_1157 = arith.constant 2 : i32
    %dma_start3A_1158 = arith.constant 0 : i32
    %dma_start3A_1159 = arith.constant 0 : i32
    %dma_start3A_1160 = tpu.memref_slice %arg6[%dma_start3A_1157, %dma_start3A_1158, %dma_start3A_1159] : memref<4x128x128xf32, #tpu.memory_space<vmem>> -> memref<1x128x128xf32, #tpu.memory_space<vmem>>
    %dma_start3A_1161 = tpu.memref_squeeze %dma_start3A_1160 : memref<1x128x128xf32, #tpu.memory_space<vmem>> -> memref<128x128xf32, #tpu.memory_space<vmem>>
    %dma_start3A_1162 = arith.constant 0 : i32
    %dma_start3A_1163 = tpu.memref_slice %arg4[%add3A_1156, %dma_start3A_1162] : memref<98304x128xf32, #tpu.memory_space<hbm>> -> memref<128x128xf32, #tpu.memory_space<hbm>>
    %dma_start3A_1164 = arith.constant 0 : i32
    %dma_start3A_1165 = tpu.memref_slice %arg4[%add3A_1156, %dma_start3A_1164] : memref<98304x128xf32, #tpu.memory_space<hbm>> -> memref<128x128xf32, #tpu.memory_space<hbm>>
    %dma_start3A_1166 = arith.constant 0 : i32
    %dma_start3A_1167 = arith.constant 0 : i32
    %dma_start3A_1168 = tpu.memref_slice %arg6[%dma_start3A_1157, %dma_start3A_1166, %dma_start3A_1167] : memref<4x128x128xf32, #tpu.memory_space<vmem>> -> memref<1x128x128xf32, #tpu.memory_space<vmem>>
    %dma_start3A_1169 = tpu.memref_squeeze %dma_start3A_1168 : memref<1x128x128xf32, #tpu.memory_space<vmem>> -> memref<128x128xf32, #tpu.memory_space<vmem>>
    tpu.enqueue_dma source(%dma_start3A_1169 : memref<128x128xf32, #tpu.memory_space<vmem>>) target(%dma_start3A_1165 : memref<128x128xf32, #tpu.memory_space<hbm>>) target_semaphore(%arg13 : memref<!tpu.dma_semaphore, #tpu.memory_space<semaphore_mem>>)
    %dma_wait3A_1170 = arith.constant 23 : i32
    %dma_wait3A_1171 = arith.constant 3 : i32
    %dma_wait3A_1172 = arith.constant 0 : i32
    %dma_wait3A_1173 = arith.constant 0 : i32
    %dma_wait3A_1174 = tpu.memref_slice %arg6[%dma_wait3A_1171, %dma_wait3A_1172, %dma_wait3A_1173] : memref<4x128x128xf32, #tpu.memory_space<vmem>> -> memref<1x128x128xf32, #tpu.memory_space<vmem>>
    %dma_wait3A_1175 = tpu.memref_squeeze %dma_wait3A_1174 : memref<1x128x128xf32, #tpu.memory_space<vmem>> -> memref<128x128xf32, #tpu.memory_space<vmem>>
    %dma_wait3A_1176 = arith.constant 0 : i32
    %dma_wait3A_1177 = tpu.memref_slice %arg5[%dma_wait3A_1170, %dma_wait3A_1176] : memref<24x128xi32, #tpu.memory_space<vmem>> -> memref<1x128xi32, #tpu.memory_space<vmem>>
    %dma_wait3A_1178 = tpu.memref_squeeze %dma_wait3A_1177 : memref<1x128xi32, #tpu.memory_space<vmem>> -> memref<128xi32, #tpu.memory_space<vmem>>
    %dma_wait3A_1179 = arith.constant 0 : i32
    %dma_wait3A_1180 = arith.constant 0 : i32
    %dma_wait3A_1181 = tpu.memref_slice %arg3[%dma_wait3A_1179, %dma_wait3A_1180] : memref<8192x128xf32, #tpu.memory_space<hbm>> -> memref<8192x128xf32, #tpu.memory_space<hbm>>
    tpu.wait_indirect_dma semaphore(%arg10 : memref<!tpu.dma_semaphore, #tpu.memory_space<semaphore_mem>>) src(%dma_wait3A_1181 : memref<8192x128xf32, #tpu.memory_space<hbm>>) dst(%dma_wait3A_1175 : memref<128x128xf32, #tpu.memory_space<vmem>>)
    %add3A_1182 = arith.constant 2944 : i32
    %add3A_1183 = arith.addi %mul3A_2, %add3A_1182 : i32
    %dma_start3A_1184 = arith.constant 3 : i32
    %dma_start3A_1185 = arith.constant 0 : i32
    %dma_start3A_1186 = arith.constant 0 : i32
    %dma_start3A_1187 = tpu.memref_slice %arg6[%dma_start3A_1184, %dma_start3A_1185, %dma_start3A_1186] : memref<4x128x128xf32, #tpu.memory_space<vmem>> -> memref<1x128x128xf32, #tpu.memory_space<vmem>>
    %dma_start3A_1188 = tpu.memref_squeeze %dma_start3A_1187 : memref<1x128x128xf32, #tpu.memory_space<vmem>> -> memref<128x128xf32, #tpu.memory_space<vmem>>
    %dma_start3A_1189 = arith.constant 0 : i32
    %dma_start3A_1190 = tpu.memref_slice %arg4[%add3A_1183, %dma_start3A_1189] : memref<98304x128xf32, #tpu.memory_space<hbm>> -> memref<128x128xf32, #tpu.memory_space<hbm>>
    %dma_start3A_1191 = arith.constant 0 : i32
    %dma_start3A_1192 = tpu.memref_slice %arg4[%add3A_1183, %dma_start3A_1191] : memref<98304x128xf32, #tpu.memory_space<hbm>> -> memref<128x128xf32, #tpu.memory_space<hbm>>
    %dma_start3A_1193 = arith.constant 0 : i32
    %dma_start3A_1194 = arith.constant 0 : i32
    %dma_start3A_1195 = tpu.memref_slice %arg6[%dma_start3A_1184, %dma_start3A_1193, %dma_start3A_1194] : memref<4x128x128xf32, #tpu.memory_space<vmem>> -> memref<1x128x128xf32, #tpu.memory_space<vmem>>
    %dma_start3A_1196 = tpu.memref_squeeze %dma_start3A_1195 : memref<1x128x128xf32, #tpu.memory_space<vmem>> -> memref<128x128xf32, #tpu.memory_space<vmem>>
    tpu.enqueue_dma source(%dma_start3A_1196 : memref<128x128xf32, #tpu.memory_space<vmem>>) target(%dma_start3A_1192 : memref<128x128xf32, #tpu.memory_space<hbm>>) target_semaphore(%arg14 : memref<!tpu.dma_semaphore, #tpu.memory_space<semaphore_mem>>)
    %dma_wait3A_1197 = arith.constant 0 : i32
    %dma_wait3A_1198 = arith.constant 0 : i32
    %dma_wait3A_1199 = arith.constant 0 : i32
    %dma_wait3A_1200 = tpu.memref_slice %arg6[%dma_wait3A_1197, %dma_wait3A_1198, %dma_wait3A_1199] : memref<4x128x128xf32, #tpu.memory_space<vmem>> -> memref<1x128x128xf32, #tpu.memory_space<vmem>>
    %dma_wait3A_1201 = tpu.memref_squeeze %dma_wait3A_1200 : memref<1x128x128xf32, #tpu.memory_space<vmem>> -> memref<128x128xf32, #tpu.memory_space<vmem>>
    %dma_wait3A_1202 = arith.constant 0 : i32
    %dma_wait3A_1203 = tpu.memref_slice %arg4[%add3A_1077, %dma_wait3A_1202] : memref<98304x128xf32, #tpu.memory_space<hbm>> -> memref<128x128xf32, #tpu.memory_space<hbm>>
    %dma_wait3A_1204 = arith.constant 0 : i32
    %dma_wait3A_1205 = tpu.memref_slice %arg4[%add3A_1077, %dma_wait3A_1204] : memref<98304x128xf32, #tpu.memory_space<hbm>> -> memref<128x128xf32, #tpu.memory_space<hbm>>
    %dma_wait3A_1206 = arith.constant 0 : i32
    %dma_wait3A_1207 = arith.constant 0 : i32
    %dma_wait3A_1208 = tpu.memref_slice %arg6[%dma_wait3A_1197, %dma_wait3A_1206, %dma_wait3A_1207] : memref<4x128x128xf32, #tpu.memory_space<vmem>> -> memref<1x128x128xf32, #tpu.memory_space<vmem>>
    %dma_wait3A_1209 = tpu.memref_squeeze %dma_wait3A_1208 : memref<1x128x128xf32, #tpu.memory_space<vmem>> -> memref<128x128xf32, #tpu.memory_space<vmem>>
    tpu.wait_dma2 semaphore(%arg11 : memref<!tpu.dma_semaphore, #tpu.memory_space<semaphore_mem>>) src(%dma_wait3A_1209 : memref<128x128xf32, #tpu.memory_space<vmem>>) dst(%dma_wait3A_1205 : memref<128x128xf32, #tpu.memory_space<hbm>>)
    %dma_wait3A_1210 = arith.constant 1 : i32
    %dma_wait3A_1211 = arith.constant 0 : i32
    %dma_wait3A_1212 = arith.constant 0 : i32
    %dma_wait3A_1213 = tpu.memref_slice %arg6[%dma_wait3A_1210, %dma_wait3A_1211, %dma_wait3A_1212] : memref<4x128x128xf32, #tpu.memory_space<vmem>> -> memref<1x128x128xf32, #tpu.memory_space<vmem>>
    %dma_wait3A_1214 = tpu.memref_squeeze %dma_wait3A_1213 : memref<1x128x128xf32, #tpu.memory_space<vmem>> -> memref<128x128xf32, #tpu.memory_space<vmem>>
    %dma_wait3A_1215 = arith.constant 0 : i32
    %dma_wait3A_1216 = tpu.memref_slice %arg4[%add3A_1129, %dma_wait3A_1215] : memref<98304x128xf32, #tpu.memory_space<hbm>> -> memref<128x128xf32, #tpu.memory_space<hbm>>
    %dma_wait3A_1217 = arith.constant 0 : i32
    %dma_wait3A_1218 = tpu.memref_slice %arg4[%add3A_1129, %dma_wait3A_1217] : memref<98304x128xf32, #tpu.memory_space<hbm>> -> memref<128x128xf32, #tpu.memory_space<hbm>>
    %dma_wait3A_1219 = arith.constant 0 : i32
    %dma_wait3A_1220 = arith.constant 0 : i32
    %dma_wait3A_1221 = tpu.memref_slice %arg6[%dma_wait3A_1210, %dma_wait3A_1219, %dma_wait3A_1220] : memref<4x128x128xf32, #tpu.memory_space<vmem>> -> memref<1x128x128xf32, #tpu.memory_space<vmem>>
    %dma_wait3A_1222 = tpu.memref_squeeze %dma_wait3A_1221 : memref<1x128x128xf32, #tpu.memory_space<vmem>> -> memref<128x128xf32, #tpu.memory_space<vmem>>
    tpu.wait_dma2 semaphore(%arg12 : memref<!tpu.dma_semaphore, #tpu.memory_space<semaphore_mem>>) src(%dma_wait3A_1222 : memref<128x128xf32, #tpu.memory_space<vmem>>) dst(%dma_wait3A_1218 : memref<128x128xf32, #tpu.memory_space<hbm>>)
    %dma_wait3A_1223 = arith.constant 2 : i32
    %dma_wait3A_1224 = arith.constant 0 : i32
    %dma_wait3A_1225 = arith.constant 0 : i32
    %dma_wait3A_1226 = tpu.memref_slice %arg6[%dma_wait3A_1223, %dma_wait3A_1224, %dma_wait3A_1225] : memref<4x128x128xf32, #tpu.memory_space<vmem>> -> memref<1x128x128xf32, #tpu.memory_space<vmem>>
    %dma_wait3A_1227 = tpu.memref_squeeze %dma_wait3A_1226 : memref<1x128x128xf32, #tpu.memory_space<vmem>> -> memref<128x128xf32, #tpu.memory_space<vmem>>
    %dma_wait3A_1228 = arith.constant 0 : i32
    %dma_wait3A_1229 = tpu.memref_slice %arg4[%add3A_1156, %dma_wait3A_1228] : memref<98304x128xf32, #tpu.memory_space<hbm>> -> memref<128x128xf32, #tpu.memory_space<hbm>>
    %dma_wait3A_1230 = arith.constant 0 : i32
    %dma_wait3A_1231 = tpu.memref_slice %arg4[%add3A_1156, %dma_wait3A_1230] : memref<98304x128xf32, #tpu.memory_space<hbm>> -> memref<128x128xf32, #tpu.memory_space<hbm>>
    %dma_wait3A_1232 = arith.constant 0 : i32
    %dma_wait3A_1233 = arith.constant 0 : i32
    %dma_wait3A_1234 = tpu.memref_slice %arg6[%dma_wait3A_1223, %dma_wait3A_1232, %dma_wait3A_1233] : memref<4x128x128xf32, #tpu.memory_space<vmem>> -> memref<1x128x128xf32, #tpu.memory_space<vmem>>
    %dma_wait3A_1235 = tpu.memref_squeeze %dma_wait3A_1234 : memref<1x128x128xf32, #tpu.memory_space<vmem>> -> memref<128x128xf32, #tpu.memory_space<vmem>>
    tpu.wait_dma2 semaphore(%arg13 : memref<!tpu.dma_semaphore, #tpu.memory_space<semaphore_mem>>) src(%dma_wait3A_1235 : memref<128x128xf32, #tpu.memory_space<vmem>>) dst(%dma_wait3A_1231 : memref<128x128xf32, #tpu.memory_space<hbm>>)
    %dma_wait3A_1236 = arith.constant 3 : i32
    %dma_wait3A_1237 = arith.constant 0 : i32
    %dma_wait3A_1238 = arith.constant 0 : i32
    %dma_wait3A_1239 = tpu.memref_slice %arg6[%dma_wait3A_1236, %dma_wait3A_1237, %dma_wait3A_1238] : memref<4x128x128xf32, #tpu.memory_space<vmem>> -> memref<1x128x128xf32, #tpu.memory_space<vmem>>
    %dma_wait3A_1240 = tpu.memref_squeeze %dma_wait3A_1239 : memref<1x128x128xf32, #tpu.memory_space<vmem>> -> memref<128x128xf32, #tpu.memory_space<vmem>>
    %dma_wait3A_1241 = arith.constant 0 : i32
    %dma_wait3A_1242 = tpu.memref_slice %arg4[%add3A_1183, %dma_wait3A_1241] : memref<98304x128xf32, #tpu.memory_space<hbm>> -> memref<128x128xf32, #tpu.memory_space<hbm>>
    %dma_wait3A_1243 = arith.constant 0 : i32
    %dma_wait3A_1244 = tpu.memref_slice %arg4[%add3A_1183, %dma_wait3A_1243] : memref<98304x128xf32, #tpu.memory_space<hbm>> -> memref<128x128xf32, #tpu.memory_space<hbm>>
    %dma_wait3A_1245 = arith.constant 0 : i32
    %dma_wait3A_1246 = arith.constant 0 : i32
    %dma_wait3A_1247 = tpu.memref_slice %arg6[%dma_wait3A_1236, %dma_wait3A_1245, %dma_wait3A_1246] : memref<4x128x128xf32, #tpu.memory_space<vmem>> -> memref<1x128x128xf32, #tpu.memory_space<vmem>>
    %dma_wait3A_1248 = tpu.memref_squeeze %dma_wait3A_1247 : memref<1x128x128xf32, #tpu.memory_space<vmem>> -> memref<128x128xf32, #tpu.memory_space<vmem>>
    tpu.wait_dma2 semaphore(%arg14 : memref<!tpu.dma_semaphore, #tpu.memory_space<semaphore_mem>>) src(%dma_wait3A_1248 : memref<128x128xf32, #tpu.memory_space<vmem>>) dst(%dma_wait3A_1244 : memref<128x128xf32, #tpu.memory_space<hbm>>)
    return
  }
}

module attributes {stable_mosaic.version = 14 : i64} {
  func.func @_knn_body(%arg0: i32, %arg1: i32, %arg2: memref<1x2048x3xf32, #tpu.memory_space<vmem>>, %arg3: memref<1x8x2048xf32, #tpu.memory_space<vmem>>, %arg4: memref<1x2048x3xi32, #tpu.memory_space<vmem>>, %arg5: memref<1x2048x3xf32, #tpu.memory_space<vmem>>) attributes {dimension_semantics = [#tpu.dimension_semantics<arbitrary>, #tpu.dimension_semantics<arbitrary>], iteration_bounds = array<i64: 4, 4>, scalar_prefetch = 0 : i64, scratch_operands = 0 : i64, tpu.core_type = #tpu.core_type<tc>, window_params = [{transform_indices = @transform_0, window_bounds = array<i64: 1, 2048, 3>}, {transform_indices = @transform_1, window_bounds = array<i64: 1, 8, 2048>}, {transform_indices = @transform_2, window_bounds = array<i64: 1, 2048, 3>}, {transform_indices = @transform_3, window_bounds = array<i64: 1, 2048, 3>}]} {
    %add3A = arith.constant 0 : i32
    %add3A_0 = arith.addi %arg0, %add3A : i32
    %get3A = arith.constant 0 : index
    %get3A_1 = arith.constant 0 : index
    %get3A_2 = arith.constant 0 : index
    %get3A_3 = vector.load %arg2[%get3A, %get3A_1, %get3A_2] : memref<1x2048x3xf32, #tpu.memory_space<vmem>>, vector<1x2048x3xf32>
    %get3A_4 = vector.shape_cast %get3A_3 : vector<1x2048x3xf32> to vector<2048x3xf32>
    %get3A_5 = arith.constant 0 : index
    %get3A_6 = arith.constant 0 : index
    %get3A_7 = arith.constant 0 : index
    %get3A_8 = vector.load %arg3[%get3A_5, %get3A_6, %get3A_7] : memref<1x8x2048xf32, #tpu.memory_space<vmem>>, vector<1x8x2048xf32>
    %get3A_9 = vector.shape_cast %get3A_8 : vector<1x8x2048xf32> to vector<8x2048xf32>
    %slice3A = vector.extract_strided_slice %get3A_4 {offsets = [0, 0], sizes = [2048, 1], strides = [1, 1]} : vector<2048x3xf32> to vector<2048x1xf32>
    %slice3A_10 = vector.extract_strided_slice %get3A_4 {offsets = [0, 1], sizes = [2048, 1], strides = [1, 1]} : vector<2048x3xf32> to vector<2048x1xf32>
    %slice3A_11 = vector.extract_strided_slice %get3A_4 {offsets = [0, 2], sizes = [2048, 1], strides = [1, 1]} : vector<2048x3xf32> to vector<2048x1xf32>
    %broadcast_in_dim3A = arith.constant 0x7F800000 : f32
    %broadcast_in_dim3A_12 = vector.broadcast %broadcast_in_dim3A : f32 to vector<2048x128xf32>
    %slice3A_13 = vector.extract_strided_slice %get3A_9 {offsets = [0, 0], sizes = [1, 128], strides = [1, 1]} : vector<8x2048xf32> to vector<1x128xf32>
    %sub3A = vector.broadcast %slice3A : vector<2048x1xf32> to vector<2048x128xf32>
    %sub3A_14 = vector.broadcast %slice3A_13 : vector<1x128xf32> to vector<2048x128xf32>
    %sub3A_15 = arith.subf %sub3A, %sub3A_14 : vector<2048x128xf32>
    %slice3A_16 = vector.extract_strided_slice %get3A_9 {offsets = [1, 0], sizes = [1, 128], strides = [1, 1]} : vector<8x2048xf32> to vector<1x128xf32>
    %sub3A_17 = vector.broadcast %slice3A_10 : vector<2048x1xf32> to vector<2048x128xf32>
    %sub3A_18 = vector.broadcast %slice3A_16 : vector<1x128xf32> to vector<2048x128xf32>
    %sub3A_19 = arith.subf %sub3A_17, %sub3A_18 : vector<2048x128xf32>
    %slice3A_20 = vector.extract_strided_slice %get3A_9 {offsets = [2, 0], sizes = [1, 128], strides = [1, 1]} : vector<8x2048xf32> to vector<1x128xf32>
    %sub3A_21 = vector.broadcast %slice3A_11 : vector<2048x1xf32> to vector<2048x128xf32>
    %sub3A_22 = vector.broadcast %slice3A_20 : vector<1x128xf32> to vector<2048x128xf32>
    %sub3A_23 = arith.subf %sub3A_21, %sub3A_22 : vector<2048x128xf32>
    %mul3A = arith.mulf %sub3A_15, %sub3A_15 : vector<2048x128xf32>
    %mul3A_24 = arith.mulf %sub3A_19, %sub3A_19 : vector<2048x128xf32>
    %add3A_25 = arith.addf %mul3A, %mul3A_24 : vector<2048x128xf32>
    %mul3A_26 = arith.mulf %sub3A_23, %sub3A_23 : vector<2048x128xf32>
    %add3A_27 = arith.addf %add3A_25, %mul3A_26 : vector<2048x128xf32>
    %bitcast_convert_type3A = tpu.bitcast %add3A_27 : vector<2048x128xf32> -> vector<2048x128xi32>
    %and3A = arith.constant -16 : i32
    %and3A_28 = vector.broadcast %and3A : i32 to vector<2048x128xi32>
    %and3A_29 = arith.andi %bitcast_convert_type3A, %and3A_28 : vector<2048x128xi32>
    %or3A = arith.constant 0 : i32
    %or3A_30 = vector.broadcast %or3A : i32 to vector<2048x128xi32>
    %or3A_31 = arith.ori %and3A_29, %or3A_30 : vector<2048x128xi32>
    %bitcast_convert_type3A_32 = tpu.bitcast %or3A_31 : vector<2048x128xi32> -> vector<2048x128xf32>
    %min3A = arith.minimumf %broadcast_in_dim3A_12, %bitcast_convert_type3A_32 : vector<2048x128xf32>
    %max3A = arith.maximumf %broadcast_in_dim3A_12, %bitcast_convert_type3A_32 : vector<2048x128xf32>
    %min3A_33 = arith.minimumf %broadcast_in_dim3A_12, %max3A : vector<2048x128xf32>
    %max3A_34 = arith.maximumf %broadcast_in_dim3A_12, %max3A : vector<2048x128xf32>
    %min3A_35 = arith.minimumf %broadcast_in_dim3A_12, %max3A_34 : vector<2048x128xf32>
    %slice3A_36 = vector.extract_strided_slice %get3A_9 {offsets = [0, 128], sizes = [1, 128], strides = [1, 1]} : vector<8x2048xf32> to vector<1x128xf32>
    %sub3A_37 = vector.broadcast %slice3A : vector<2048x1xf32> to vector<2048x128xf32>
    %sub3A_38 = vector.broadcast %slice3A_36 : vector<1x128xf32> to vector<2048x128xf32>
    %sub3A_39 = arith.subf %sub3A_37, %sub3A_38 : vector<2048x128xf32>
    %slice3A_40 = vector.extract_strided_slice %get3A_9 {offsets = [1, 128], sizes = [1, 128], strides = [1, 1]} : vector<8x2048xf32> to vector<1x128xf32>
    %sub3A_41 = vector.broadcast %slice3A_10 : vector<2048x1xf32> to vector<2048x128xf32>
    %sub3A_42 = vector.broadcast %slice3A_40 : vector<1x128xf32> to vector<2048x128xf32>
    %sub3A_43 = arith.subf %sub3A_41, %sub3A_42 : vector<2048x128xf32>
    %slice3A_44 = vector.extract_strided_slice %get3A_9 {offsets = [2, 128], sizes = [1, 128], strides = [1, 1]} : vector<8x2048xf32> to vector<1x128xf32>
    %sub3A_45 = vector.broadcast %slice3A_11 : vector<2048x1xf32> to vector<2048x128xf32>
    %sub3A_46 = vector.broadcast %slice3A_44 : vector<1x128xf32> to vector<2048x128xf32>
    %sub3A_47 = arith.subf %sub3A_45, %sub3A_46 : vector<2048x128xf32>
    %mul3A_48 = arith.mulf %sub3A_39, %sub3A_39 : vector<2048x128xf32>
    %mul3A_49 = arith.mulf %sub3A_43, %sub3A_43 : vector<2048x128xf32>
    %add3A_50 = arith.addf %mul3A_48, %mul3A_49 : vector<2048x128xf32>
    %mul3A_51 = arith.mulf %sub3A_47, %sub3A_47 : vector<2048x128xf32>
    %add3A_52 = arith.addf %add3A_50, %mul3A_51 : vector<2048x128xf32>
    %bitcast_convert_type3A_53 = tpu.bitcast %add3A_52 : vector<2048x128xf32> -> vector<2048x128xi32>
    %and3A_54 = arith.constant -16 : i32
    %and3A_55 = vector.broadcast %and3A_54 : i32 to vector<2048x128xi32>
    %and3A_56 = arith.andi %bitcast_convert_type3A_53, %and3A_55 : vector<2048x128xi32>
    %or3A_57 = arith.constant 1 : i32
    %or3A_58 = vector.broadcast %or3A_57 : i32 to vector<2048x128xi32>
    %or3A_59 = arith.ori %and3A_56, %or3A_58 : vector<2048x128xi32>
    %bitcast_convert_type3A_60 = tpu.bitcast %or3A_59 : vector<2048x128xi32> -> vector<2048x128xf32>
    %min3A_61 = arith.minimumf %min3A, %bitcast_convert_type3A_60 : vector<2048x128xf32>
    %max3A_62 = arith.maximumf %min3A, %bitcast_convert_type3A_60 : vector<2048x128xf32>
    %min3A_63 = arith.minimumf %min3A_33, %max3A_62 : vector<2048x128xf32>
    %max3A_64 = arith.maximumf %min3A_33, %max3A_62 : vector<2048x128xf32>
    %min3A_65 = arith.minimumf %min3A_35, %max3A_64 : vector<2048x128xf32>
    %slice3A_66 = vector.extract_strided_slice %get3A_9 {offsets = [0, 256], sizes = [1, 128], strides = [1, 1]} : vector<8x2048xf32> to vector<1x128xf32>
    %sub3A_67 = vector.broadcast %slice3A : vector<2048x1xf32> to vector<2048x128xf32>
    %sub3A_68 = vector.broadcast %slice3A_66 : vector<1x128xf32> to vector<2048x128xf32>
    %sub3A_69 = arith.subf %sub3A_67, %sub3A_68 : vector<2048x128xf32>
    %slice3A_70 = vector.extract_strided_slice %get3A_9 {offsets = [1, 256], sizes = [1, 128], strides = [1, 1]} : vector<8x2048xf32> to vector<1x128xf32>
    %sub3A_71 = vector.broadcast %slice3A_10 : vector<2048x1xf32> to vector<2048x128xf32>
    %sub3A_72 = vector.broadcast %slice3A_70 : vector<1x128xf32> to vector<2048x128xf32>
    %sub3A_73 = arith.subf %sub3A_71, %sub3A_72 : vector<2048x128xf32>
    %slice3A_74 = vector.extract_strided_slice %get3A_9 {offsets = [2, 256], sizes = [1, 128], strides = [1, 1]} : vector<8x2048xf32> to vector<1x128xf32>
    %sub3A_75 = vector.broadcast %slice3A_11 : vector<2048x1xf32> to vector<2048x128xf32>
    %sub3A_76 = vector.broadcast %slice3A_74 : vector<1x128xf32> to vector<2048x128xf32>
    %sub3A_77 = arith.subf %sub3A_75, %sub3A_76 : vector<2048x128xf32>
    %mul3A_78 = arith.mulf %sub3A_69, %sub3A_69 : vector<2048x128xf32>
    %mul3A_79 = arith.mulf %sub3A_73, %sub3A_73 : vector<2048x128xf32>
    %add3A_80 = arith.addf %mul3A_78, %mul3A_79 : vector<2048x128xf32>
    %mul3A_81 = arith.mulf %sub3A_77, %sub3A_77 : vector<2048x128xf32>
    %add3A_82 = arith.addf %add3A_80, %mul3A_81 : vector<2048x128xf32>
    %bitcast_convert_type3A_83 = tpu.bitcast %add3A_82 : vector<2048x128xf32> -> vector<2048x128xi32>
    %and3A_84 = arith.constant -16 : i32
    %and3A_85 = vector.broadcast %and3A_84 : i32 to vector<2048x128xi32>
    %and3A_86 = arith.andi %bitcast_convert_type3A_83, %and3A_85 : vector<2048x128xi32>
    %or3A_87 = arith.constant 2 : i32
    %or3A_88 = vector.broadcast %or3A_87 : i32 to vector<2048x128xi32>
    %or3A_89 = arith.ori %and3A_86, %or3A_88 : vector<2048x128xi32>
    %bitcast_convert_type3A_90 = tpu.bitcast %or3A_89 : vector<2048x128xi32> -> vector<2048x128xf32>
    %min3A_91 = arith.minimumf %min3A_61, %bitcast_convert_type3A_90 : vector<2048x128xf32>
    %max3A_92 = arith.maximumf %min3A_61, %bitcast_convert_type3A_90 : vector<2048x128xf32>
    %min3A_93 = arith.minimumf %min3A_63, %max3A_92 : vector<2048x128xf32>
    %max3A_94 = arith.maximumf %min3A_63, %max3A_92 : vector<2048x128xf32>
    %min3A_95 = arith.minimumf %min3A_65, %max3A_94 : vector<2048x128xf32>
    %slice3A_96 = vector.extract_strided_slice %get3A_9 {offsets = [0, 384], sizes = [1, 128], strides = [1, 1]} : vector<8x2048xf32> to vector<1x128xf32>
    %sub3A_97 = vector.broadcast %slice3A : vector<2048x1xf32> to vector<2048x128xf32>
    %sub3A_98 = vector.broadcast %slice3A_96 : vector<1x128xf32> to vector<2048x128xf32>
    %sub3A_99 = arith.subf %sub3A_97, %sub3A_98 : vector<2048x128xf32>
    %slice3A_100 = vector.extract_strided_slice %get3A_9 {offsets = [1, 384], sizes = [1, 128], strides = [1, 1]} : vector<8x2048xf32> to vector<1x128xf32>
    %sub3A_101 = vector.broadcast %slice3A_10 : vector<2048x1xf32> to vector<2048x128xf32>
    %sub3A_102 = vector.broadcast %slice3A_100 : vector<1x128xf32> to vector<2048x128xf32>
    %sub3A_103 = arith.subf %sub3A_101, %sub3A_102 : vector<2048x128xf32>
    %slice3A_104 = vector.extract_strided_slice %get3A_9 {offsets = [2, 384], sizes = [1, 128], strides = [1, 1]} : vector<8x2048xf32> to vector<1x128xf32>
    %sub3A_105 = vector.broadcast %slice3A_11 : vector<2048x1xf32> to vector<2048x128xf32>
    %sub3A_106 = vector.broadcast %slice3A_104 : vector<1x128xf32> to vector<2048x128xf32>
    %sub3A_107 = arith.subf %sub3A_105, %sub3A_106 : vector<2048x128xf32>
    %mul3A_108 = arith.mulf %sub3A_99, %sub3A_99 : vector<2048x128xf32>
    %mul3A_109 = arith.mulf %sub3A_103, %sub3A_103 : vector<2048x128xf32>
    %add3A_110 = arith.addf %mul3A_108, %mul3A_109 : vector<2048x128xf32>
    %mul3A_111 = arith.mulf %sub3A_107, %sub3A_107 : vector<2048x128xf32>
    %add3A_112 = arith.addf %add3A_110, %mul3A_111 : vector<2048x128xf32>
    %bitcast_convert_type3A_113 = tpu.bitcast %add3A_112 : vector<2048x128xf32> -> vector<2048x128xi32>
    %and3A_114 = arith.constant -16 : i32
    %and3A_115 = vector.broadcast %and3A_114 : i32 to vector<2048x128xi32>
    %and3A_116 = arith.andi %bitcast_convert_type3A_113, %and3A_115 : vector<2048x128xi32>
    %or3A_117 = arith.constant 3 : i32
    %or3A_118 = vector.broadcast %or3A_117 : i32 to vector<2048x128xi32>
    %or3A_119 = arith.ori %and3A_116, %or3A_118 : vector<2048x128xi32>
    %bitcast_convert_type3A_120 = tpu.bitcast %or3A_119 : vector<2048x128xi32> -> vector<2048x128xf32>
    %min3A_121 = arith.minimumf %min3A_91, %bitcast_convert_type3A_120 : vector<2048x128xf32>
    %max3A_122 = arith.maximumf %min3A_91, %bitcast_convert_type3A_120 : vector<2048x128xf32>
    %min3A_123 = arith.minimumf %min3A_93, %max3A_122 : vector<2048x128xf32>
    %max3A_124 = arith.maximumf %min3A_93, %max3A_122 : vector<2048x128xf32>
    %min3A_125 = arith.minimumf %min3A_95, %max3A_124 : vector<2048x128xf32>
    %slice3A_126 = vector.extract_strided_slice %get3A_9 {offsets = [0, 512], sizes = [1, 128], strides = [1, 1]} : vector<8x2048xf32> to vector<1x128xf32>
    %sub3A_127 = vector.broadcast %slice3A : vector<2048x1xf32> to vector<2048x128xf32>
    %sub3A_128 = vector.broadcast %slice3A_126 : vector<1x128xf32> to vector<2048x128xf32>
    %sub3A_129 = arith.subf %sub3A_127, %sub3A_128 : vector<2048x128xf32>
    %slice3A_130 = vector.extract_strided_slice %get3A_9 {offsets = [1, 512], sizes = [1, 128], strides = [1, 1]} : vector<8x2048xf32> to vector<1x128xf32>
    %sub3A_131 = vector.broadcast %slice3A_10 : vector<2048x1xf32> to vector<2048x128xf32>
    %sub3A_132 = vector.broadcast %slice3A_130 : vector<1x128xf32> to vector<2048x128xf32>
    %sub3A_133 = arith.subf %sub3A_131, %sub3A_132 : vector<2048x128xf32>
    %slice3A_134 = vector.extract_strided_slice %get3A_9 {offsets = [2, 512], sizes = [1, 128], strides = [1, 1]} : vector<8x2048xf32> to vector<1x128xf32>
    %sub3A_135 = vector.broadcast %slice3A_11 : vector<2048x1xf32> to vector<2048x128xf32>
    %sub3A_136 = vector.broadcast %slice3A_134 : vector<1x128xf32> to vector<2048x128xf32>
    %sub3A_137 = arith.subf %sub3A_135, %sub3A_136 : vector<2048x128xf32>
    %mul3A_138 = arith.mulf %sub3A_129, %sub3A_129 : vector<2048x128xf32>
    %mul3A_139 = arith.mulf %sub3A_133, %sub3A_133 : vector<2048x128xf32>
    %add3A_140 = arith.addf %mul3A_138, %mul3A_139 : vector<2048x128xf32>
    %mul3A_141 = arith.mulf %sub3A_137, %sub3A_137 : vector<2048x128xf32>
    %add3A_142 = arith.addf %add3A_140, %mul3A_141 : vector<2048x128xf32>
    %bitcast_convert_type3A_143 = tpu.bitcast %add3A_142 : vector<2048x128xf32> -> vector<2048x128xi32>
    %and3A_144 = arith.constant -16 : i32
    %and3A_145 = vector.broadcast %and3A_144 : i32 to vector<2048x128xi32>
    %and3A_146 = arith.andi %bitcast_convert_type3A_143, %and3A_145 : vector<2048x128xi32>
    %or3A_147 = arith.constant 4 : i32
    %or3A_148 = vector.broadcast %or3A_147 : i32 to vector<2048x128xi32>
    %or3A_149 = arith.ori %and3A_146, %or3A_148 : vector<2048x128xi32>
    %bitcast_convert_type3A_150 = tpu.bitcast %or3A_149 : vector<2048x128xi32> -> vector<2048x128xf32>
    %min3A_151 = arith.minimumf %min3A_121, %bitcast_convert_type3A_150 : vector<2048x128xf32>
    %max3A_152 = arith.maximumf %min3A_121, %bitcast_convert_type3A_150 : vector<2048x128xf32>
    %min3A_153 = arith.minimumf %min3A_123, %max3A_152 : vector<2048x128xf32>
    %max3A_154 = arith.maximumf %min3A_123, %max3A_152 : vector<2048x128xf32>
    %min3A_155 = arith.minimumf %min3A_125, %max3A_154 : vector<2048x128xf32>
    %slice3A_156 = vector.extract_strided_slice %get3A_9 {offsets = [0, 640], sizes = [1, 128], strides = [1, 1]} : vector<8x2048xf32> to vector<1x128xf32>
    %sub3A_157 = vector.broadcast %slice3A : vector<2048x1xf32> to vector<2048x128xf32>
    %sub3A_158 = vector.broadcast %slice3A_156 : vector<1x128xf32> to vector<2048x128xf32>
    %sub3A_159 = arith.subf %sub3A_157, %sub3A_158 : vector<2048x128xf32>
    %slice3A_160 = vector.extract_strided_slice %get3A_9 {offsets = [1, 640], sizes = [1, 128], strides = [1, 1]} : vector<8x2048xf32> to vector<1x128xf32>
    %sub3A_161 = vector.broadcast %slice3A_10 : vector<2048x1xf32> to vector<2048x128xf32>
    %sub3A_162 = vector.broadcast %slice3A_160 : vector<1x128xf32> to vector<2048x128xf32>
    %sub3A_163 = arith.subf %sub3A_161, %sub3A_162 : vector<2048x128xf32>
    %slice3A_164 = vector.extract_strided_slice %get3A_9 {offsets = [2, 640], sizes = [1, 128], strides = [1, 1]} : vector<8x2048xf32> to vector<1x128xf32>
    %sub3A_165 = vector.broadcast %slice3A_11 : vector<2048x1xf32> to vector<2048x128xf32>
    %sub3A_166 = vector.broadcast %slice3A_164 : vector<1x128xf32> to vector<2048x128xf32>
    %sub3A_167 = arith.subf %sub3A_165, %sub3A_166 : vector<2048x128xf32>
    %mul3A_168 = arith.mulf %sub3A_159, %sub3A_159 : vector<2048x128xf32>
    %mul3A_169 = arith.mulf %sub3A_163, %sub3A_163 : vector<2048x128xf32>
    %add3A_170 = arith.addf %mul3A_168, %mul3A_169 : vector<2048x128xf32>
    %mul3A_171 = arith.mulf %sub3A_167, %sub3A_167 : vector<2048x128xf32>
    %add3A_172 = arith.addf %add3A_170, %mul3A_171 : vector<2048x128xf32>
    %bitcast_convert_type3A_173 = tpu.bitcast %add3A_172 : vector<2048x128xf32> -> vector<2048x128xi32>
    %and3A_174 = arith.constant -16 : i32
    %and3A_175 = vector.broadcast %and3A_174 : i32 to vector<2048x128xi32>
    %and3A_176 = arith.andi %bitcast_convert_type3A_173, %and3A_175 : vector<2048x128xi32>
    %or3A_177 = arith.constant 5 : i32
    %or3A_178 = vector.broadcast %or3A_177 : i32 to vector<2048x128xi32>
    %or3A_179 = arith.ori %and3A_176, %or3A_178 : vector<2048x128xi32>
    %bitcast_convert_type3A_180 = tpu.bitcast %or3A_179 : vector<2048x128xi32> -> vector<2048x128xf32>
    %min3A_181 = arith.minimumf %min3A_151, %bitcast_convert_type3A_180 : vector<2048x128xf32>
    %max3A_182 = arith.maximumf %min3A_151, %bitcast_convert_type3A_180 : vector<2048x128xf32>
    %min3A_183 = arith.minimumf %min3A_153, %max3A_182 : vector<2048x128xf32>
    %max3A_184 = arith.maximumf %min3A_153, %max3A_182 : vector<2048x128xf32>
    %min3A_185 = arith.minimumf %min3A_155, %max3A_184 : vector<2048x128xf32>
    %slice3A_186 = vector.extract_strided_slice %get3A_9 {offsets = [0, 768], sizes = [1, 128], strides = [1, 1]} : vector<8x2048xf32> to vector<1x128xf32>
    %sub3A_187 = vector.broadcast %slice3A : vector<2048x1xf32> to vector<2048x128xf32>
    %sub3A_188 = vector.broadcast %slice3A_186 : vector<1x128xf32> to vector<2048x128xf32>
    %sub3A_189 = arith.subf %sub3A_187, %sub3A_188 : vector<2048x128xf32>
    %slice3A_190 = vector.extract_strided_slice %get3A_9 {offsets = [1, 768], sizes = [1, 128], strides = [1, 1]} : vector<8x2048xf32> to vector<1x128xf32>
    %sub3A_191 = vector.broadcast %slice3A_10 : vector<2048x1xf32> to vector<2048x128xf32>
    %sub3A_192 = vector.broadcast %slice3A_190 : vector<1x128xf32> to vector<2048x128xf32>
    %sub3A_193 = arith.subf %sub3A_191, %sub3A_192 : vector<2048x128xf32>
    %slice3A_194 = vector.extract_strided_slice %get3A_9 {offsets = [2, 768], sizes = [1, 128], strides = [1, 1]} : vector<8x2048xf32> to vector<1x128xf32>
    %sub3A_195 = vector.broadcast %slice3A_11 : vector<2048x1xf32> to vector<2048x128xf32>
    %sub3A_196 = vector.broadcast %slice3A_194 : vector<1x128xf32> to vector<2048x128xf32>
    %sub3A_197 = arith.subf %sub3A_195, %sub3A_196 : vector<2048x128xf32>
    %mul3A_198 = arith.mulf %sub3A_189, %sub3A_189 : vector<2048x128xf32>
    %mul3A_199 = arith.mulf %sub3A_193, %sub3A_193 : vector<2048x128xf32>
    %add3A_200 = arith.addf %mul3A_198, %mul3A_199 : vector<2048x128xf32>
    %mul3A_201 = arith.mulf %sub3A_197, %sub3A_197 : vector<2048x128xf32>
    %add3A_202 = arith.addf %add3A_200, %mul3A_201 : vector<2048x128xf32>
    %bitcast_convert_type3A_203 = tpu.bitcast %add3A_202 : vector<2048x128xf32> -> vector<2048x128xi32>
    %and3A_204 = arith.constant -16 : i32
    %and3A_205 = vector.broadcast %and3A_204 : i32 to vector<2048x128xi32>
    %and3A_206 = arith.andi %bitcast_convert_type3A_203, %and3A_205 : vector<2048x128xi32>
    %or3A_207 = arith.constant 6 : i32
    %or3A_208 = vector.broadcast %or3A_207 : i32 to vector<2048x128xi32>
    %or3A_209 = arith.ori %and3A_206, %or3A_208 : vector<2048x128xi32>
    %bitcast_convert_type3A_210 = tpu.bitcast %or3A_209 : vector<2048x128xi32> -> vector<2048x128xf32>
    %min3A_211 = arith.minimumf %min3A_181, %bitcast_convert_type3A_210 : vector<2048x128xf32>
    %max3A_212 = arith.maximumf %min3A_181, %bitcast_convert_type3A_210 : vector<2048x128xf32>
    %min3A_213 = arith.minimumf %min3A_183, %max3A_212 : vector<2048x128xf32>
    %max3A_214 = arith.maximumf %min3A_183, %max3A_212 : vector<2048x128xf32>
    %min3A_215 = arith.minimumf %min3A_185, %max3A_214 : vector<2048x128xf32>
    %slice3A_216 = vector.extract_strided_slice %get3A_9 {offsets = [0, 896], sizes = [1, 128], strides = [1, 1]} : vector<8x2048xf32> to vector<1x128xf32>
    %sub3A_217 = vector.broadcast %slice3A : vector<2048x1xf32> to vector<2048x128xf32>
    %sub3A_218 = vector.broadcast %slice3A_216 : vector<1x128xf32> to vector<2048x128xf32>
    %sub3A_219 = arith.subf %sub3A_217, %sub3A_218 : vector<2048x128xf32>
    %slice3A_220 = vector.extract_strided_slice %get3A_9 {offsets = [1, 896], sizes = [1, 128], strides = [1, 1]} : vector<8x2048xf32> to vector<1x128xf32>
    %sub3A_221 = vector.broadcast %slice3A_10 : vector<2048x1xf32> to vector<2048x128xf32>
    %sub3A_222 = vector.broadcast %slice3A_220 : vector<1x128xf32> to vector<2048x128xf32>
    %sub3A_223 = arith.subf %sub3A_221, %sub3A_222 : vector<2048x128xf32>
    %slice3A_224 = vector.extract_strided_slice %get3A_9 {offsets = [2, 896], sizes = [1, 128], strides = [1, 1]} : vector<8x2048xf32> to vector<1x128xf32>
    %sub3A_225 = vector.broadcast %slice3A_11 : vector<2048x1xf32> to vector<2048x128xf32>
    %sub3A_226 = vector.broadcast %slice3A_224 : vector<1x128xf32> to vector<2048x128xf32>
    %sub3A_227 = arith.subf %sub3A_225, %sub3A_226 : vector<2048x128xf32>
    %mul3A_228 = arith.mulf %sub3A_219, %sub3A_219 : vector<2048x128xf32>
    %mul3A_229 = arith.mulf %sub3A_223, %sub3A_223 : vector<2048x128xf32>
    %add3A_230 = arith.addf %mul3A_228, %mul3A_229 : vector<2048x128xf32>
    %mul3A_231 = arith.mulf %sub3A_227, %sub3A_227 : vector<2048x128xf32>
    %add3A_232 = arith.addf %add3A_230, %mul3A_231 : vector<2048x128xf32>
    %bitcast_convert_type3A_233 = tpu.bitcast %add3A_232 : vector<2048x128xf32> -> vector<2048x128xi32>
    %and3A_234 = arith.constant -16 : i32
    %and3A_235 = vector.broadcast %and3A_234 : i32 to vector<2048x128xi32>
    %and3A_236 = arith.andi %bitcast_convert_type3A_233, %and3A_235 : vector<2048x128xi32>
    %or3A_237 = arith.constant 7 : i32
    %or3A_238 = vector.broadcast %or3A_237 : i32 to vector<2048x128xi32>
    %or3A_239 = arith.ori %and3A_236, %or3A_238 : vector<2048x128xi32>
    %bitcast_convert_type3A_240 = tpu.bitcast %or3A_239 : vector<2048x128xi32> -> vector<2048x128xf32>
    %min3A_241 = arith.minimumf %min3A_211, %bitcast_convert_type3A_240 : vector<2048x128xf32>
    %max3A_242 = arith.maximumf %min3A_211, %bitcast_convert_type3A_240 : vector<2048x128xf32>
    %min3A_243 = arith.minimumf %min3A_213, %max3A_242 : vector<2048x128xf32>
    %max3A_244 = arith.maximumf %min3A_213, %max3A_242 : vector<2048x128xf32>
    %min3A_245 = arith.minimumf %min3A_215, %max3A_244 : vector<2048x128xf32>
    %slice3A_246 = vector.extract_strided_slice %get3A_9 {offsets = [0, 1024], sizes = [1, 128], strides = [1, 1]} : vector<8x2048xf32> to vector<1x128xf32>
    %sub3A_247 = vector.broadcast %slice3A : vector<2048x1xf32> to vector<2048x128xf32>
    %sub3A_248 = vector.broadcast %slice3A_246 : vector<1x128xf32> to vector<2048x128xf32>
    %sub3A_249 = arith.subf %sub3A_247, %sub3A_248 : vector<2048x128xf32>
    %slice3A_250 = vector.extract_strided_slice %get3A_9 {offsets = [1, 1024], sizes = [1, 128], strides = [1, 1]} : vector<8x2048xf32> to vector<1x128xf32>
    %sub3A_251 = vector.broadcast %slice3A_10 : vector<2048x1xf32> to vector<2048x128xf32>
    %sub3A_252 = vector.broadcast %slice3A_250 : vector<1x128xf32> to vector<2048x128xf32>
    %sub3A_253 = arith.subf %sub3A_251, %sub3A_252 : vector<2048x128xf32>
    %slice3A_254 = vector.extract_strided_slice %get3A_9 {offsets = [2, 1024], sizes = [1, 128], strides = [1, 1]} : vector<8x2048xf32> to vector<1x128xf32>
    %sub3A_255 = vector.broadcast %slice3A_11 : vector<2048x1xf32> to vector<2048x128xf32>
    %sub3A_256 = vector.broadcast %slice3A_254 : vector<1x128xf32> to vector<2048x128xf32>
    %sub3A_257 = arith.subf %sub3A_255, %sub3A_256 : vector<2048x128xf32>
    %mul3A_258 = arith.mulf %sub3A_249, %sub3A_249 : vector<2048x128xf32>
    %mul3A_259 = arith.mulf %sub3A_253, %sub3A_253 : vector<2048x128xf32>
    %add3A_260 = arith.addf %mul3A_258, %mul3A_259 : vector<2048x128xf32>
    %mul3A_261 = arith.mulf %sub3A_257, %sub3A_257 : vector<2048x128xf32>
    %add3A_262 = arith.addf %add3A_260, %mul3A_261 : vector<2048x128xf32>
    %bitcast_convert_type3A_263 = tpu.bitcast %add3A_262 : vector<2048x128xf32> -> vector<2048x128xi32>
    %and3A_264 = arith.constant -16 : i32
    %and3A_265 = vector.broadcast %and3A_264 : i32 to vector<2048x128xi32>
    %and3A_266 = arith.andi %bitcast_convert_type3A_263, %and3A_265 : vector<2048x128xi32>
    %or3A_267 = arith.constant 8 : i32
    %or3A_268 = vector.broadcast %or3A_267 : i32 to vector<2048x128xi32>
    %or3A_269 = arith.ori %and3A_266, %or3A_268 : vector<2048x128xi32>
    %bitcast_convert_type3A_270 = tpu.bitcast %or3A_269 : vector<2048x128xi32> -> vector<2048x128xf32>
    %min3A_271 = arith.minimumf %min3A_241, %bitcast_convert_type3A_270 : vector<2048x128xf32>
    %max3A_272 = arith.maximumf %min3A_241, %bitcast_convert_type3A_270 : vector<2048x128xf32>
    %min3A_273 = arith.minimumf %min3A_243, %max3A_272 : vector<2048x128xf32>
    %max3A_274 = arith.maximumf %min3A_243, %max3A_272 : vector<2048x128xf32>
    %min3A_275 = arith.minimumf %min3A_245, %max3A_274 : vector<2048x128xf32>
    %slice3A_276 = vector.extract_strided_slice %get3A_9 {offsets = [0, 1152], sizes = [1, 128], strides = [1, 1]} : vector<8x2048xf32> to vector<1x128xf32>
    %sub3A_277 = vector.broadcast %slice3A : vector<2048x1xf32> to vector<2048x128xf32>
    %sub3A_278 = vector.broadcast %slice3A_276 : vector<1x128xf32> to vector<2048x128xf32>
    %sub3A_279 = arith.subf %sub3A_277, %sub3A_278 : vector<2048x128xf32>
    %slice3A_280 = vector.extract_strided_slice %get3A_9 {offsets = [1, 1152], sizes = [1, 128], strides = [1, 1]} : vector<8x2048xf32> to vector<1x128xf32>
    %sub3A_281 = vector.broadcast %slice3A_10 : vector<2048x1xf32> to vector<2048x128xf32>
    %sub3A_282 = vector.broadcast %slice3A_280 : vector<1x128xf32> to vector<2048x128xf32>
    %sub3A_283 = arith.subf %sub3A_281, %sub3A_282 : vector<2048x128xf32>
    %slice3A_284 = vector.extract_strided_slice %get3A_9 {offsets = [2, 1152], sizes = [1, 128], strides = [1, 1]} : vector<8x2048xf32> to vector<1x128xf32>
    %sub3A_285 = vector.broadcast %slice3A_11 : vector<2048x1xf32> to vector<2048x128xf32>
    %sub3A_286 = vector.broadcast %slice3A_284 : vector<1x128xf32> to vector<2048x128xf32>
    %sub3A_287 = arith.subf %sub3A_285, %sub3A_286 : vector<2048x128xf32>
    %mul3A_288 = arith.mulf %sub3A_279, %sub3A_279 : vector<2048x128xf32>
    %mul3A_289 = arith.mulf %sub3A_283, %sub3A_283 : vector<2048x128xf32>
    %add3A_290 = arith.addf %mul3A_288, %mul3A_289 : vector<2048x128xf32>
    %mul3A_291 = arith.mulf %sub3A_287, %sub3A_287 : vector<2048x128xf32>
    %add3A_292 = arith.addf %add3A_290, %mul3A_291 : vector<2048x128xf32>
    %bitcast_convert_type3A_293 = tpu.bitcast %add3A_292 : vector<2048x128xf32> -> vector<2048x128xi32>
    %and3A_294 = arith.constant -16 : i32
    %and3A_295 = vector.broadcast %and3A_294 : i32 to vector<2048x128xi32>
    %and3A_296 = arith.andi %bitcast_convert_type3A_293, %and3A_295 : vector<2048x128xi32>
    %or3A_297 = arith.constant 9 : i32
    %or3A_298 = vector.broadcast %or3A_297 : i32 to vector<2048x128xi32>
    %or3A_299 = arith.ori %and3A_296, %or3A_298 : vector<2048x128xi32>
    %bitcast_convert_type3A_300 = tpu.bitcast %or3A_299 : vector<2048x128xi32> -> vector<2048x128xf32>
    %min3A_301 = arith.minimumf %min3A_271, %bitcast_convert_type3A_300 : vector<2048x128xf32>
    %max3A_302 = arith.maximumf %min3A_271, %bitcast_convert_type3A_300 : vector<2048x128xf32>
    %min3A_303 = arith.minimumf %min3A_273, %max3A_302 : vector<2048x128xf32>
    %max3A_304 = arith.maximumf %min3A_273, %max3A_302 : vector<2048x128xf32>
    %min3A_305 = arith.minimumf %min3A_275, %max3A_304 : vector<2048x128xf32>
    %slice3A_306 = vector.extract_strided_slice %get3A_9 {offsets = [0, 1280], sizes = [1, 128], strides = [1, 1]} : vector<8x2048xf32> to vector<1x128xf32>
    %sub3A_307 = vector.broadcast %slice3A : vector<2048x1xf32> to vector<2048x128xf32>
    %sub3A_308 = vector.broadcast %slice3A_306 : vector<1x128xf32> to vector<2048x128xf32>
    %sub3A_309 = arith.subf %sub3A_307, %sub3A_308 : vector<2048x128xf32>
    %slice3A_310 = vector.extract_strided_slice %get3A_9 {offsets = [1, 1280], sizes = [1, 128], strides = [1, 1]} : vector<8x2048xf32> to vector<1x128xf32>
    %sub3A_311 = vector.broadcast %slice3A_10 : vector<2048x1xf32> to vector<2048x128xf32>
    %sub3A_312 = vector.broadcast %slice3A_310 : vector<1x128xf32> to vector<2048x128xf32>
    %sub3A_313 = arith.subf %sub3A_311, %sub3A_312 : vector<2048x128xf32>
    %slice3A_314 = vector.extract_strided_slice %get3A_9 {offsets = [2, 1280], sizes = [1, 128], strides = [1, 1]} : vector<8x2048xf32> to vector<1x128xf32>
    %sub3A_315 = vector.broadcast %slice3A_11 : vector<2048x1xf32> to vector<2048x128xf32>
    %sub3A_316 = vector.broadcast %slice3A_314 : vector<1x128xf32> to vector<2048x128xf32>
    %sub3A_317 = arith.subf %sub3A_315, %sub3A_316 : vector<2048x128xf32>
    %mul3A_318 = arith.mulf %sub3A_309, %sub3A_309 : vector<2048x128xf32>
    %mul3A_319 = arith.mulf %sub3A_313, %sub3A_313 : vector<2048x128xf32>
    %add3A_320 = arith.addf %mul3A_318, %mul3A_319 : vector<2048x128xf32>
    %mul3A_321 = arith.mulf %sub3A_317, %sub3A_317 : vector<2048x128xf32>
    %add3A_322 = arith.addf %add3A_320, %mul3A_321 : vector<2048x128xf32>
    %bitcast_convert_type3A_323 = tpu.bitcast %add3A_322 : vector<2048x128xf32> -> vector<2048x128xi32>
    %and3A_324 = arith.constant -16 : i32
    %and3A_325 = vector.broadcast %and3A_324 : i32 to vector<2048x128xi32>
    %and3A_326 = arith.andi %bitcast_convert_type3A_323, %and3A_325 : vector<2048x128xi32>
    %or3A_327 = arith.constant 10 : i32
    %or3A_328 = vector.broadcast %or3A_327 : i32 to vector<2048x128xi32>
    %or3A_329 = arith.ori %and3A_326, %or3A_328 : vector<2048x128xi32>
    %bitcast_convert_type3A_330 = tpu.bitcast %or3A_329 : vector<2048x128xi32> -> vector<2048x128xf32>
    %min3A_331 = arith.minimumf %min3A_301, %bitcast_convert_type3A_330 : vector<2048x128xf32>
    %max3A_332 = arith.maximumf %min3A_301, %bitcast_convert_type3A_330 : vector<2048x128xf32>
    %min3A_333 = arith.minimumf %min3A_303, %max3A_332 : vector<2048x128xf32>
    %max3A_334 = arith.maximumf %min3A_303, %max3A_332 : vector<2048x128xf32>
    %min3A_335 = arith.minimumf %min3A_305, %max3A_334 : vector<2048x128xf32>
    %slice3A_336 = vector.extract_strided_slice %get3A_9 {offsets = [0, 1408], sizes = [1, 128], strides = [1, 1]} : vector<8x2048xf32> to vector<1x128xf32>
    %sub3A_337 = vector.broadcast %slice3A : vector<2048x1xf32> to vector<2048x128xf32>
    %sub3A_338 = vector.broadcast %slice3A_336 : vector<1x128xf32> to vector<2048x128xf32>
    %sub3A_339 = arith.subf %sub3A_337, %sub3A_338 : vector<2048x128xf32>
    %slice3A_340 = vector.extract_strided_slice %get3A_9 {offsets = [1, 1408], sizes = [1, 128], strides = [1, 1]} : vector<8x2048xf32> to vector<1x128xf32>
    %sub3A_341 = vector.broadcast %slice3A_10 : vector<2048x1xf32> to vector<2048x128xf32>
    %sub3A_342 = vector.broadcast %slice3A_340 : vector<1x128xf32> to vector<2048x128xf32>
    %sub3A_343 = arith.subf %sub3A_341, %sub3A_342 : vector<2048x128xf32>
    %slice3A_344 = vector.extract_strided_slice %get3A_9 {offsets = [2, 1408], sizes = [1, 128], strides = [1, 1]} : vector<8x2048xf32> to vector<1x128xf32>
    %sub3A_345 = vector.broadcast %slice3A_11 : vector<2048x1xf32> to vector<2048x128xf32>
    %sub3A_346 = vector.broadcast %slice3A_344 : vector<1x128xf32> to vector<2048x128xf32>
    %sub3A_347 = arith.subf %sub3A_345, %sub3A_346 : vector<2048x128xf32>
    %mul3A_348 = arith.mulf %sub3A_339, %sub3A_339 : vector<2048x128xf32>
    %mul3A_349 = arith.mulf %sub3A_343, %sub3A_343 : vector<2048x128xf32>
    %add3A_350 = arith.addf %mul3A_348, %mul3A_349 : vector<2048x128xf32>
    %mul3A_351 = arith.mulf %sub3A_347, %sub3A_347 : vector<2048x128xf32>
    %add3A_352 = arith.addf %add3A_350, %mul3A_351 : vector<2048x128xf32>
    %bitcast_convert_type3A_353 = tpu.bitcast %add3A_352 : vector<2048x128xf32> -> vector<2048x128xi32>
    %and3A_354 = arith.constant -16 : i32
    %and3A_355 = vector.broadcast %and3A_354 : i32 to vector<2048x128xi32>
    %and3A_356 = arith.andi %bitcast_convert_type3A_353, %and3A_355 : vector<2048x128xi32>
    %or3A_357 = arith.constant 11 : i32
    %or3A_358 = vector.broadcast %or3A_357 : i32 to vector<2048x128xi32>
    %or3A_359 = arith.ori %and3A_356, %or3A_358 : vector<2048x128xi32>
    %bitcast_convert_type3A_360 = tpu.bitcast %or3A_359 : vector<2048x128xi32> -> vector<2048x128xf32>
    %min3A_361 = arith.minimumf %min3A_331, %bitcast_convert_type3A_360 : vector<2048x128xf32>
    %max3A_362 = arith.maximumf %min3A_331, %bitcast_convert_type3A_360 : vector<2048x128xf32>
    %min3A_363 = arith.minimumf %min3A_333, %max3A_362 : vector<2048x128xf32>
    %max3A_364 = arith.maximumf %min3A_333, %max3A_362 : vector<2048x128xf32>
    %min3A_365 = arith.minimumf %min3A_335, %max3A_364 : vector<2048x128xf32>
    %slice3A_366 = vector.extract_strided_slice %get3A_9 {offsets = [0, 1536], sizes = [1, 128], strides = [1, 1]} : vector<8x2048xf32> to vector<1x128xf32>
    %sub3A_367 = vector.broadcast %slice3A : vector<2048x1xf32> to vector<2048x128xf32>
    %sub3A_368 = vector.broadcast %slice3A_366 : vector<1x128xf32> to vector<2048x128xf32>
    %sub3A_369 = arith.subf %sub3A_367, %sub3A_368 : vector<2048x128xf32>
    %slice3A_370 = vector.extract_strided_slice %get3A_9 {offsets = [1, 1536], sizes = [1, 128], strides = [1, 1]} : vector<8x2048xf32> to vector<1x128xf32>
    %sub3A_371 = vector.broadcast %slice3A_10 : vector<2048x1xf32> to vector<2048x128xf32>
    %sub3A_372 = vector.broadcast %slice3A_370 : vector<1x128xf32> to vector<2048x128xf32>
    %sub3A_373 = arith.subf %sub3A_371, %sub3A_372 : vector<2048x128xf32>
    %slice3A_374 = vector.extract_strided_slice %get3A_9 {offsets = [2, 1536], sizes = [1, 128], strides = [1, 1]} : vector<8x2048xf32> to vector<1x128xf32>
    %sub3A_375 = vector.broadcast %slice3A_11 : vector<2048x1xf32> to vector<2048x128xf32>
    %sub3A_376 = vector.broadcast %slice3A_374 : vector<1x128xf32> to vector<2048x128xf32>
    %sub3A_377 = arith.subf %sub3A_375, %sub3A_376 : vector<2048x128xf32>
    %mul3A_378 = arith.mulf %sub3A_369, %sub3A_369 : vector<2048x128xf32>
    %mul3A_379 = arith.mulf %sub3A_373, %sub3A_373 : vector<2048x128xf32>
    %add3A_380 = arith.addf %mul3A_378, %mul3A_379 : vector<2048x128xf32>
    %mul3A_381 = arith.mulf %sub3A_377, %sub3A_377 : vector<2048x128xf32>
    %add3A_382 = arith.addf %add3A_380, %mul3A_381 : vector<2048x128xf32>
    %bitcast_convert_type3A_383 = tpu.bitcast %add3A_382 : vector<2048x128xf32> -> vector<2048x128xi32>
    %and3A_384 = arith.constant -16 : i32
    %and3A_385 = vector.broadcast %and3A_384 : i32 to vector<2048x128xi32>
    %and3A_386 = arith.andi %bitcast_convert_type3A_383, %and3A_385 : vector<2048x128xi32>
    %or3A_387 = arith.constant 12 : i32
    %or3A_388 = vector.broadcast %or3A_387 : i32 to vector<2048x128xi32>
    %or3A_389 = arith.ori %and3A_386, %or3A_388 : vector<2048x128xi32>
    %bitcast_convert_type3A_390 = tpu.bitcast %or3A_389 : vector<2048x128xi32> -> vector<2048x128xf32>
    %min3A_391 = arith.minimumf %min3A_361, %bitcast_convert_type3A_390 : vector<2048x128xf32>
    %max3A_392 = arith.maximumf %min3A_361, %bitcast_convert_type3A_390 : vector<2048x128xf32>
    %min3A_393 = arith.minimumf %min3A_363, %max3A_392 : vector<2048x128xf32>
    %max3A_394 = arith.maximumf %min3A_363, %max3A_392 : vector<2048x128xf32>
    %min3A_395 = arith.minimumf %min3A_365, %max3A_394 : vector<2048x128xf32>
    %slice3A_396 = vector.extract_strided_slice %get3A_9 {offsets = [0, 1664], sizes = [1, 128], strides = [1, 1]} : vector<8x2048xf32> to vector<1x128xf32>
    %sub3A_397 = vector.broadcast %slice3A : vector<2048x1xf32> to vector<2048x128xf32>
    %sub3A_398 = vector.broadcast %slice3A_396 : vector<1x128xf32> to vector<2048x128xf32>
    %sub3A_399 = arith.subf %sub3A_397, %sub3A_398 : vector<2048x128xf32>
    %slice3A_400 = vector.extract_strided_slice %get3A_9 {offsets = [1, 1664], sizes = [1, 128], strides = [1, 1]} : vector<8x2048xf32> to vector<1x128xf32>
    %sub3A_401 = vector.broadcast %slice3A_10 : vector<2048x1xf32> to vector<2048x128xf32>
    %sub3A_402 = vector.broadcast %slice3A_400 : vector<1x128xf32> to vector<2048x128xf32>
    %sub3A_403 = arith.subf %sub3A_401, %sub3A_402 : vector<2048x128xf32>
    %slice3A_404 = vector.extract_strided_slice %get3A_9 {offsets = [2, 1664], sizes = [1, 128], strides = [1, 1]} : vector<8x2048xf32> to vector<1x128xf32>
    %sub3A_405 = vector.broadcast %slice3A_11 : vector<2048x1xf32> to vector<2048x128xf32>
    %sub3A_406 = vector.broadcast %slice3A_404 : vector<1x128xf32> to vector<2048x128xf32>
    %sub3A_407 = arith.subf %sub3A_405, %sub3A_406 : vector<2048x128xf32>
    %mul3A_408 = arith.mulf %sub3A_399, %sub3A_399 : vector<2048x128xf32>
    %mul3A_409 = arith.mulf %sub3A_403, %sub3A_403 : vector<2048x128xf32>
    %add3A_410 = arith.addf %mul3A_408, %mul3A_409 : vector<2048x128xf32>
    %mul3A_411 = arith.mulf %sub3A_407, %sub3A_407 : vector<2048x128xf32>
    %add3A_412 = arith.addf %add3A_410, %mul3A_411 : vector<2048x128xf32>
    %bitcast_convert_type3A_413 = tpu.bitcast %add3A_412 : vector<2048x128xf32> -> vector<2048x128xi32>
    %and3A_414 = arith.constant -16 : i32
    %and3A_415 = vector.broadcast %and3A_414 : i32 to vector<2048x128xi32>
    %and3A_416 = arith.andi %bitcast_convert_type3A_413, %and3A_415 : vector<2048x128xi32>
    %or3A_417 = arith.constant 13 : i32
    %or3A_418 = vector.broadcast %or3A_417 : i32 to vector<2048x128xi32>
    %or3A_419 = arith.ori %and3A_416, %or3A_418 : vector<2048x128xi32>
    %bitcast_convert_type3A_420 = tpu.bitcast %or3A_419 : vector<2048x128xi32> -> vector<2048x128xf32>
    %min3A_421 = arith.minimumf %min3A_391, %bitcast_convert_type3A_420 : vector<2048x128xf32>
    %max3A_422 = arith.maximumf %min3A_391, %bitcast_convert_type3A_420 : vector<2048x128xf32>
    %min3A_423 = arith.minimumf %min3A_393, %max3A_422 : vector<2048x128xf32>
    %max3A_424 = arith.maximumf %min3A_393, %max3A_422 : vector<2048x128xf32>
    %min3A_425 = arith.minimumf %min3A_395, %max3A_424 : vector<2048x128xf32>
    %slice3A_426 = vector.extract_strided_slice %get3A_9 {offsets = [0, 1792], sizes = [1, 128], strides = [1, 1]} : vector<8x2048xf32> to vector<1x128xf32>
    %sub3A_427 = vector.broadcast %slice3A : vector<2048x1xf32> to vector<2048x128xf32>
    %sub3A_428 = vector.broadcast %slice3A_426 : vector<1x128xf32> to vector<2048x128xf32>
    %sub3A_429 = arith.subf %sub3A_427, %sub3A_428 : vector<2048x128xf32>
    %slice3A_430 = vector.extract_strided_slice %get3A_9 {offsets = [1, 1792], sizes = [1, 128], strides = [1, 1]} : vector<8x2048xf32> to vector<1x128xf32>
    %sub3A_431 = vector.broadcast %slice3A_10 : vector<2048x1xf32> to vector<2048x128xf32>
    %sub3A_432 = vector.broadcast %slice3A_430 : vector<1x128xf32> to vector<2048x128xf32>
    %sub3A_433 = arith.subf %sub3A_431, %sub3A_432 : vector<2048x128xf32>
    %slice3A_434 = vector.extract_strided_slice %get3A_9 {offsets = [2, 1792], sizes = [1, 128], strides = [1, 1]} : vector<8x2048xf32> to vector<1x128xf32>
    %sub3A_435 = vector.broadcast %slice3A_11 : vector<2048x1xf32> to vector<2048x128xf32>
    %sub3A_436 = vector.broadcast %slice3A_434 : vector<1x128xf32> to vector<2048x128xf32>
    %sub3A_437 = arith.subf %sub3A_435, %sub3A_436 : vector<2048x128xf32>
    %mul3A_438 = arith.mulf %sub3A_429, %sub3A_429 : vector<2048x128xf32>
    %mul3A_439 = arith.mulf %sub3A_433, %sub3A_433 : vector<2048x128xf32>
    %add3A_440 = arith.addf %mul3A_438, %mul3A_439 : vector<2048x128xf32>
    %mul3A_441 = arith.mulf %sub3A_437, %sub3A_437 : vector<2048x128xf32>
    %add3A_442 = arith.addf %add3A_440, %mul3A_441 : vector<2048x128xf32>
    %bitcast_convert_type3A_443 = tpu.bitcast %add3A_442 : vector<2048x128xf32> -> vector<2048x128xi32>
    %and3A_444 = arith.constant -16 : i32
    %and3A_445 = vector.broadcast %and3A_444 : i32 to vector<2048x128xi32>
    %and3A_446 = arith.andi %bitcast_convert_type3A_443, %and3A_445 : vector<2048x128xi32>
    %or3A_447 = arith.constant 14 : i32
    %or3A_448 = vector.broadcast %or3A_447 : i32 to vector<2048x128xi32>
    %or3A_449 = arith.ori %and3A_446, %or3A_448 : vector<2048x128xi32>
    %bitcast_convert_type3A_450 = tpu.bitcast %or3A_449 : vector<2048x128xi32> -> vector<2048x128xf32>
    %min3A_451 = arith.minimumf %min3A_421, %bitcast_convert_type3A_450 : vector<2048x128xf32>
    %max3A_452 = arith.maximumf %min3A_421, %bitcast_convert_type3A_450 : vector<2048x128xf32>
    %min3A_453 = arith.minimumf %min3A_423, %max3A_452 : vector<2048x128xf32>
    %max3A_454 = arith.maximumf %min3A_423, %max3A_452 : vector<2048x128xf32>
    %min3A_455 = arith.minimumf %min3A_425, %max3A_454 : vector<2048x128xf32>
    %slice3A_456 = vector.extract_strided_slice %get3A_9 {offsets = [0, 1920], sizes = [1, 128], strides = [1, 1]} : vector<8x2048xf32> to vector<1x128xf32>
    %sub3A_457 = vector.broadcast %slice3A : vector<2048x1xf32> to vector<2048x128xf32>
    %sub3A_458 = vector.broadcast %slice3A_456 : vector<1x128xf32> to vector<2048x128xf32>
    %sub3A_459 = arith.subf %sub3A_457, %sub3A_458 : vector<2048x128xf32>
    %slice3A_460 = vector.extract_strided_slice %get3A_9 {offsets = [1, 1920], sizes = [1, 128], strides = [1, 1]} : vector<8x2048xf32> to vector<1x128xf32>
    %sub3A_461 = vector.broadcast %slice3A_10 : vector<2048x1xf32> to vector<2048x128xf32>
    %sub3A_462 = vector.broadcast %slice3A_460 : vector<1x128xf32> to vector<2048x128xf32>
    %sub3A_463 = arith.subf %sub3A_461, %sub3A_462 : vector<2048x128xf32>
    %slice3A_464 = vector.extract_strided_slice %get3A_9 {offsets = [2, 1920], sizes = [1, 128], strides = [1, 1]} : vector<8x2048xf32> to vector<1x128xf32>
    %sub3A_465 = vector.broadcast %slice3A_11 : vector<2048x1xf32> to vector<2048x128xf32>
    %sub3A_466 = vector.broadcast %slice3A_464 : vector<1x128xf32> to vector<2048x128xf32>
    %sub3A_467 = arith.subf %sub3A_465, %sub3A_466 : vector<2048x128xf32>
    %mul3A_468 = arith.mulf %sub3A_459, %sub3A_459 : vector<2048x128xf32>
    %mul3A_469 = arith.mulf %sub3A_463, %sub3A_463 : vector<2048x128xf32>
    %add3A_470 = arith.addf %mul3A_468, %mul3A_469 : vector<2048x128xf32>
    %mul3A_471 = arith.mulf %sub3A_467, %sub3A_467 : vector<2048x128xf32>
    %add3A_472 = arith.addf %add3A_470, %mul3A_471 : vector<2048x128xf32>
    %bitcast_convert_type3A_473 = tpu.bitcast %add3A_472 : vector<2048x128xf32> -> vector<2048x128xi32>
    %and3A_474 = arith.constant -16 : i32
    %and3A_475 = vector.broadcast %and3A_474 : i32 to vector<2048x128xi32>
    %and3A_476 = arith.andi %bitcast_convert_type3A_473, %and3A_475 : vector<2048x128xi32>
    %or3A_477 = arith.constant 15 : i32
    %or3A_478 = vector.broadcast %or3A_477 : i32 to vector<2048x128xi32>
    %or3A_479 = arith.ori %and3A_476, %or3A_478 : vector<2048x128xi32>
    %bitcast_convert_type3A_480 = tpu.bitcast %or3A_479 : vector<2048x128xi32> -> vector<2048x128xf32>
    %min3A_481 = arith.minimumf %min3A_451, %bitcast_convert_type3A_480 : vector<2048x128xf32>
    %max3A_482 = arith.maximumf %min3A_451, %bitcast_convert_type3A_480 : vector<2048x128xf32>
    %min3A_483 = arith.minimumf %min3A_453, %max3A_482 : vector<2048x128xf32>
    %max3A_484 = arith.maximumf %min3A_453, %max3A_482 : vector<2048x128xf32>
    %min3A_485 = arith.minimumf %min3A_455, %max3A_484 : vector<2048x128xf32>
    %iota3A = tpu.iota {dimensions = array<i32: 1>} : vector<2048x128xi32>
    %bitcast_convert_type3A_486 = tpu.bitcast %min3A_481 : vector<2048x128xf32> -> vector<2048x128xi32>
    %bitcast_convert_type3A_487 = tpu.bitcast %min3A_483 : vector<2048x128xf32> -> vector<2048x128xi32>
    %bitcast_convert_type3A_488 = tpu.bitcast %min3A_485 : vector<2048x128xf32> -> vector<2048x128xi32>
    %and3A_489 = arith.constant -16 : i32
    %and3A_490 = vector.broadcast %and3A_489 : i32 to vector<2048x128xi32>
    %and3A_491 = arith.andi %bitcast_convert_type3A_486, %and3A_490 : vector<2048x128xi32>
    %bitcast_convert_type3A_492 = tpu.bitcast %and3A_491 : vector<2048x128xi32> -> vector<2048x128xf32>
    %and3A_493 = arith.constant -16 : i32
    %and3A_494 = vector.broadcast %and3A_493 : i32 to vector<2048x128xi32>
    %and3A_495 = arith.andi %bitcast_convert_type3A_487, %and3A_494 : vector<2048x128xi32>
    %bitcast_convert_type3A_496 = tpu.bitcast %and3A_495 : vector<2048x128xi32> -> vector<2048x128xf32>
    %and3A_497 = arith.constant -16 : i32
    %and3A_498 = vector.broadcast %and3A_497 : i32 to vector<2048x128xi32>
    %and3A_499 = arith.andi %bitcast_convert_type3A_488, %and3A_498 : vector<2048x128xi32>
    %bitcast_convert_type3A_500 = tpu.bitcast %and3A_499 : vector<2048x128xi32> -> vector<2048x128xf32>
    %concatenate3A = tpu.concatenate %bitcast_convert_type3A_492, %bitcast_convert_type3A_496, %bitcast_convert_type3A_500 in 1 : vector<2048x128xf32>, vector<2048x128xf32>, vector<2048x128xf32> -> vector<2048x384xf32>
    %and3A_501 = arith.constant 15 : i32
    %and3A_502 = vector.broadcast %and3A_501 : i32 to vector<2048x128xi32>
    %and3A_503 = arith.andi %bitcast_convert_type3A_486, %and3A_502 : vector<2048x128xi32>
    %mul3A_504 = arith.constant 128 : i32
    %mul3A_505 = vector.broadcast %mul3A_504 : i32 to vector<2048x128xi32>
    %mul3A_506 = arith.muli %and3A_503, %mul3A_505 : vector<2048x128xi32>
    %add3A_507 = arith.addi %mul3A_506, %iota3A : vector<2048x128xi32>
    %convert_element_type3A = arith.sitofp %add3A_507 : vector<2048x128xi32> to vector<2048x128xf32>
    %and3A_508 = arith.constant 15 : i32
    %and3A_509 = vector.broadcast %and3A_508 : i32 to vector<2048x128xi32>
    %and3A_510 = arith.andi %bitcast_convert_type3A_487, %and3A_509 : vector<2048x128xi32>
    %mul3A_511 = arith.constant 128 : i32
    %mul3A_512 = vector.broadcast %mul3A_511 : i32 to vector<2048x128xi32>
    %mul3A_513 = arith.muli %and3A_510, %mul3A_512 : vector<2048x128xi32>
    %add3A_514 = arith.addi %mul3A_513, %iota3A : vector<2048x128xi32>
    %convert_element_type3A_515 = arith.sitofp %add3A_514 : vector<2048x128xi32> to vector<2048x128xf32>
    %and3A_516 = arith.constant 15 : i32
    %and3A_517 = vector.broadcast %and3A_516 : i32 to vector<2048x128xi32>
    %and3A_518 = arith.andi %bitcast_convert_type3A_488, %and3A_517 : vector<2048x128xi32>
    %mul3A_519 = arith.constant 128 : i32
    %mul3A_520 = vector.broadcast %mul3A_519 : i32 to vector<2048x128xi32>
    %mul3A_521 = arith.muli %and3A_518, %mul3A_520 : vector<2048x128xi32>
    %add3A_522 = arith.addi %mul3A_521, %iota3A : vector<2048x128xi32>
    %convert_element_type3A_523 = arith.sitofp %add3A_522 : vector<2048x128xi32> to vector<2048x128xf32>
    %concatenate3A_524 = tpu.concatenate %convert_element_type3A, %convert_element_type3A_515, %convert_element_type3A_523 in 1 : vector<2048x128xf32>, vector<2048x128xf32>, vector<2048x128xf32> -> vector<2048x384xf32>
    %reduce_min3A = arith.constant dense<0x7F800000> : vector<2048xf32>
    %reduce_min3A_525 = vector.multi_reduction <minimumf>, %concatenate3A, %reduce_min3A [1] : vector<2048x384xf32> to vector<2048xf32>
    %broadcast_in_dim3A_526 = vector.shape_cast %reduce_min3A_525 : vector<2048xf32> to vector<2048x1xf32>
    %eq3A = vector.broadcast %broadcast_in_dim3A_526 : vector<2048x1xf32> to vector<2048x384xf32>
    %eq3A_527 = arith.cmpf oeq, %concatenate3A, %eq3A : vector<2048x384xf32>
    %jit3A = arith.constant 6.553600e+04 : f32
    %broadcast_in_dim3A_528 = vector.broadcast %jit3A : f32 to vector<2048x384xf32>
    %select_n3A = arith.select %eq3A_527, %concatenate3A_524, %broadcast_in_dim3A_528 : vector<2048x384xi1>, vector<2048x384xf32>
    %reduce_min3A_529 = arith.constant dense<0x7F800000> : vector<2048xf32>
    %reduce_min3A_530 = vector.multi_reduction <minimumf>, %select_n3A, %reduce_min3A_529 [1] : vector<2048x384xf32> to vector<2048xf32>
    %broadcast_in_dim3A_531 = vector.shape_cast %reduce_min3A_530 : vector<2048xf32> to vector<2048x1xf32>
    %eq3A_532 = vector.broadcast %broadcast_in_dim3A_526 : vector<2048x1xf32> to vector<2048x384xf32>
    %eq3A_533 = arith.cmpf oeq, %concatenate3A, %eq3A_532 : vector<2048x384xf32>
    %eq3A_534 = vector.broadcast %broadcast_in_dim3A_531 : vector<2048x1xf32> to vector<2048x384xf32>
    %eq3A_535 = arith.cmpf oeq, %concatenate3A_524, %eq3A_534 : vector<2048x384xf32>
    %and3A_536 = arith.andi %eq3A_533, %eq3A_535 : vector<2048x384xi1>
    %jit3A_537 = arith.constant 0x7F800000 : f32
    %broadcast_in_dim3A_538 = vector.broadcast %jit3A_537 : f32 to vector<2048x384xf32>
    %select_n3A_539 = arith.select %and3A_536, %broadcast_in_dim3A_538, %concatenate3A : vector<2048x384xi1>, vector<2048x384xf32>
    %reduce_min3A_540 = arith.constant dense<0x7F800000> : vector<2048xf32>
    %reduce_min3A_541 = vector.multi_reduction <minimumf>, %select_n3A_539, %reduce_min3A_540 [1] : vector<2048x384xf32> to vector<2048xf32>
    %broadcast_in_dim3A_542 = vector.shape_cast %reduce_min3A_541 : vector<2048xf32> to vector<2048x1xf32>
    %eq3A_543 = vector.broadcast %broadcast_in_dim3A_542 : vector<2048x1xf32> to vector<2048x384xf32>
    %eq3A_544 = arith.cmpf oeq, %select_n3A_539, %eq3A_543 : vector<2048x384xf32>
    %jit3A_545 = arith.constant 6.553600e+04 : f32
    %broadcast_in_dim3A_546 = vector.broadcast %jit3A_545 : f32 to vector<2048x384xf32>
    %select_n3A_547 = arith.select %eq3A_544, %concatenate3A_524, %broadcast_in_dim3A_546 : vector<2048x384xi1>, vector<2048x384xf32>
    %reduce_min3A_548 = arith.constant dense<0x7F800000> : vector<2048xf32>
    %reduce_min3A_549 = vector.multi_reduction <minimumf>, %select_n3A_547, %reduce_min3A_548 [1] : vector<2048x384xf32> to vector<2048xf32>
    %broadcast_in_dim3A_550 = vector.shape_cast %reduce_min3A_549 : vector<2048xf32> to vector<2048x1xf32>
    %eq3A_551 = vector.broadcast %broadcast_in_dim3A_542 : vector<2048x1xf32> to vector<2048x384xf32>
    %eq3A_552 = arith.cmpf oeq, %select_n3A_539, %eq3A_551 : vector<2048x384xf32>
    %eq3A_553 = vector.broadcast %broadcast_in_dim3A_550 : vector<2048x1xf32> to vector<2048x384xf32>
    %eq3A_554 = arith.cmpf oeq, %concatenate3A_524, %eq3A_553 : vector<2048x384xf32>
    %and3A_555 = arith.andi %eq3A_552, %eq3A_554 : vector<2048x384xi1>
    %jit3A_556 = arith.constant 0x7F800000 : f32
    %broadcast_in_dim3A_557 = vector.broadcast %jit3A_556 : f32 to vector<2048x384xf32>
    %select_n3A_558 = arith.select %and3A_555, %broadcast_in_dim3A_557, %select_n3A_539 : vector<2048x384xi1>, vector<2048x384xf32>
    %reduce_min3A_559 = arith.constant dense<0x7F800000> : vector<2048xf32>
    %reduce_min3A_560 = vector.multi_reduction <minimumf>, %select_n3A_558, %reduce_min3A_559 [1] : vector<2048x384xf32> to vector<2048xf32>
    %broadcast_in_dim3A_561 = vector.shape_cast %reduce_min3A_560 : vector<2048xf32> to vector<2048x1xf32>
    %eq3A_562 = vector.broadcast %broadcast_in_dim3A_561 : vector<2048x1xf32> to vector<2048x384xf32>
    %eq3A_563 = arith.cmpf oeq, %select_n3A_558, %eq3A_562 : vector<2048x384xf32>
    %jit3A_564 = arith.constant 6.553600e+04 : f32
    %broadcast_in_dim3A_565 = vector.broadcast %jit3A_564 : f32 to vector<2048x384xf32>
    %select_n3A_566 = arith.select %eq3A_563, %concatenate3A_524, %broadcast_in_dim3A_565 : vector<2048x384xi1>, vector<2048x384xf32>
    %reduce_min3A_567 = arith.constant dense<0x7F800000> : vector<2048xf32>
    %reduce_min3A_568 = vector.multi_reduction <minimumf>, %select_n3A_566, %reduce_min3A_567 [1] : vector<2048x384xf32> to vector<2048xf32>
    %broadcast_in_dim3A_569 = vector.shape_cast %reduce_min3A_568 : vector<2048xf32> to vector<2048x1xf32>
    %concatenate3A_570 = tpu.concatenate %broadcast_in_dim3A_526, %broadcast_in_dim3A_542, %broadcast_in_dim3A_561 in 1 : vector<2048x1xf32>, vector<2048x1xf32>, vector<2048x1xf32> -> vector<2048x3xf32>
    %add3A_571 = arith.constant 9.99999993E-9 : f32
    %add3A_572 = vector.broadcast %add3A_571 : f32 to vector<2048x3xf32>
    %add3A_573 = arith.addf %concatenate3A_570, %add3A_572 : vector<2048x3xf32>
    %div3A = arith.constant 1.000000e+00 : f32
    %div3A_574 = vector.broadcast %div3A : f32 to vector<2048x3xf32>
    %div3A_575 = arith.divf %div3A_574, %add3A_573 : vector<2048x3xf32>
    %reduce_sum3A = arith.constant dense<0.000000e+00> : vector<2048xf32>
    %reduce_sum3A_576 = vector.multi_reduction <add>, %div3A_575, %reduce_sum3A [1] : vector<2048x3xf32> to vector<2048xf32>
    %broadcast_in_dim3A_577 = vector.shape_cast %reduce_sum3A_576 : vector<2048xf32> to vector<2048x1xf32>
    %div3A_578 = vector.broadcast %broadcast_in_dim3A_577 : vector<2048x1xf32> to vector<2048x3xf32>
    %div3A_579 = arith.divf %div3A_575, %div3A_578 : vector<2048x3xf32>
    %concatenate3A_580 = tpu.concatenate %broadcast_in_dim3A_531, %broadcast_in_dim3A_550, %broadcast_in_dim3A_569 in 1 : vector<2048x1xf32>, vector<2048x1xf32>, vector<2048x1xf32> -> vector<2048x3xf32>
    %convert_element_type3A_581 = arith.fptosi %concatenate3A_580 : vector<2048x3xf32> to vector<2048x3xi32>
    %mul3A_582 = arith.constant 2048 : i32
    %mul3A_583 = arith.muli %add3A_0, %mul3A_582 : i32
    %add3A_584 = vector.broadcast %mul3A_583 : i32 to vector<2048x3xi32>
    %add3A_585 = arith.addi %convert_element_type3A_581, %add3A_584 : vector<2048x3xi32>
    %swap3A = arith.constant 0 : index
    %swap3A_586 = arith.constant 0 : index
    %swap3A_587 = arith.constant 0 : index
    %swap3A_588 = vector.load %arg4[%swap3A, %swap3A_586, %swap3A_587] : memref<1x2048x3xi32, #tpu.memory_space<vmem>>, vector<1x2048x3xi32>
    %swap3A_589 = vector.shape_cast %swap3A_588 : vector<1x2048x3xi32> to vector<2048x3xi32>
    %swap3A_590 = vector.shape_cast %add3A_585 : vector<2048x3xi32> to vector<1x2048x3xi32>
    tpu.vector_store %arg4[%swap3A, %swap3A_586, %swap3A_587], %swap3A_590 {strides = array<i32>} : memref<1x2048x3xi32, #tpu.memory_space<vmem>>, vector<1x2048x3xi32>,
    %swap3A_591 = arith.constant 0 : index
    %swap3A_592 = arith.constant 0 : index
    %swap3A_593 = arith.constant 0 : index
    %swap3A_594 = vector.load %arg5[%swap3A_591, %swap3A_592, %swap3A_593] : memref<1x2048x3xf32, #tpu.memory_space<vmem>>, vector<1x2048x3xf32>
    %swap3A_595 = vector.shape_cast %swap3A_594 : vector<1x2048x3xf32> to vector<2048x3xf32>
    %swap3A_596 = vector.shape_cast %div3A_579 : vector<2048x3xf32> to vector<1x2048x3xf32>
    tpu.vector_store %arg5[%swap3A_591, %swap3A_592, %swap3A_593], %swap3A_596 {strides = array<i32>} : memref<1x2048x3xf32, #tpu.memory_space<vmem>>, vector<1x2048x3xf32>,
    return
  }
  func.func @transform_0(%arg0: i32, %arg1: i32) -> (i32, i32, i32) {
    %c0_i32 = arith.constant 0 : i32
    %c0_i32_0 = arith.constant 0 : i32
    return %arg0, %arg1, %c0_i32 : i32, i32, i32
  }
  func.func @transform_1(%arg0: i32, %arg1: i32) -> (i32, i32, i32) {
    %c0_i32 = arith.constant 0 : i32
    %c0_i32_0 = arith.constant 0 : i32
    %c0_i32_1 = arith.constant 0 : i32
    return %arg0, %c0_i32, %c0_i32_0 : i32, i32, i32
  }
  func.func @transform_2(%arg0: i32, %arg1: i32) -> (i32, i32, i32) {
    %c0_i32 = arith.constant 0 : i32
    %c0_i32_0 = arith.constant 0 : i32
    return %arg0, %arg1, %c0_i32 : i32, i32, i32
  }
  func.func @transform_3(%arg0: i32, %arg1: i32) -> (i32, i32, i32) {
    %c0_i32 = arith.constant 0 : i32
    %c0_i32_0 = arith.constant 0 : i32
    return %arg0, %arg1, %c0_i32 : i32, i32, i32
  }
}

module attributes {stable_mosaic.version = 14 : i64} {
  func.func @_mlp_body(%arg0: i32, %arg1: memref<3x4096x128xf32, #tpu.memory_space<vmem>>, %arg2: memref<4096x3xf32, #tpu.memory_space<vmem>>, %arg3: memref<4096x128xf32, #tpu.memory_space<vmem>>, %arg4: memref<128x256xf32, #tpu.memory_space<vmem>>, %arg5: memref<128x256xf32, #tpu.memory_space<vmem>>, %arg6: memref<256x256xf32, #tpu.memory_space<vmem>>, %arg7: memref<1x256xf32, #tpu.memory_space<vmem>>, %arg8: memref<1x256xf32, #tpu.memory_space<vmem>>, %arg9: memref<1x256xf32, #tpu.memory_space<vmem>>, %arg10: memref<1x256xf32, #tpu.memory_space<vmem>>, %arg11: memref<4096x256xf32, #tpu.memory_space<vmem>>) attributes {dimension_semantics = [#tpu.dimension_semantics<arbitrary>], iteration_bounds = array<i64: 8>, scalar_prefetch = 0 : i64, scratch_operands = 0 : i64, tpu.core_type = #tpu.core_type<tc>, window_params = [{transform_indices = @transform_0, window_bounds = array<i64: 3, 4096, 128>}, {transform_indices = @transform_1, window_bounds = array<i64: 4096, 3>}, {transform_indices = @transform_2, window_bounds = array<i64: 4096, 128>}, {pipeline_mode = #tpu.pipeline_mode<synchronous>, transform_indices = @transform_3, window_bounds = array<i64: 128, 256>}, {pipeline_mode = #tpu.pipeline_mode<synchronous>, transform_indices = @transform_4, window_bounds = array<i64: 128, 256>}, {pipeline_mode = #tpu.pipeline_mode<synchronous>, transform_indices = @transform_5, window_bounds = array<i64: 256, 256>}, {pipeline_mode = #tpu.pipeline_mode<synchronous>, transform_indices = @transform_6, window_bounds = array<i64: 1, 256>}, {pipeline_mode = #tpu.pipeline_mode<synchronous>, transform_indices = @transform_7, window_bounds = array<i64: 1, 256>}, {pipeline_mode = #tpu.pipeline_mode<synchronous>, transform_indices = @transform_8, window_bounds = array<i64: 1, 256>}, {pipeline_mode = #tpu.pipeline_mode<synchronous>, transform_indices = @transform_9, window_bounds = array<i64: 1, 256>}, {transform_indices = @transform_10, window_bounds = array<i64: 4096, 256>}]} {
    %get3A = arith.constant 0 : index
    %get3A_0 = arith.constant 0 : index
    %get3A_1 = vector.load %arg2[%get3A, %get3A_0] : memref<4096x3xf32, #tpu.memory_space<vmem>>, vector<4096x3xf32>
    %slice3A = vector.extract_strided_slice %get3A_1 {offsets = [0, 0], sizes = [4096, 1], strides = [1, 1]} : vector<4096x3xf32> to vector<4096x1xf32>
    %get3A_2 = arith.constant 0 : index
    %get3A_3 = arith.constant 0 : index
    %get3A_4 = arith.constant 0 : index
    %get3A_5 = vector.load %arg1[%get3A_2, %get3A_3, %get3A_4] : memref<3x4096x128xf32, #tpu.memory_space<vmem>>, vector<1x4096x128xf32>
    %get3A_6 = vector.shape_cast %get3A_5 : vector<1x4096x128xf32> to vector<4096x128xf32>
    %mul3A = vector.broadcast %slice3A : vector<4096x1xf32> to vector<4096x128xf32>
    %mul3A_7 = arith.mulf %mul3A, %get3A_6 : vector<4096x128xf32>
    %slice3A_8 = vector.extract_strided_slice %get3A_1 {offsets = [0, 1], sizes = [4096, 1], strides = [1, 1]} : vector<4096x3xf32> to vector<4096x1xf32>
    %get3A_9 = arith.constant 1 : index
    %get3A_10 = arith.constant 0 : index
    %get3A_11 = arith.constant 0 : index
    %get3A_12 = vector.load %arg1[%get3A_9, %get3A_10, %get3A_11] : memref<3x4096x128xf32, #tpu.memory_space<vmem>>, vector<1x4096x128xf32>
    %get3A_13 = vector.shape_cast %get3A_12 : vector<1x4096x128xf32> to vector<4096x128xf32>
    %mul3A_14 = vector.broadcast %slice3A_8 : vector<4096x1xf32> to vector<4096x128xf32>
    %mul3A_15 = arith.mulf %mul3A_14, %get3A_13 : vector<4096x128xf32>
    %add3A = arith.addf %mul3A_7, %mul3A_15 : vector<4096x128xf32>
    %slice3A_16 = vector.extract_strided_slice %get3A_1 {offsets = [0, 2], sizes = [4096, 1], strides = [1, 1]} : vector<4096x3xf32> to vector<4096x1xf32>
    %get3A_17 = arith.constant 2 : index
    %get3A_18 = arith.constant 0 : index
    %get3A_19 = arith.constant 0 : index
    %get3A_20 = vector.load %arg1[%get3A_17, %get3A_18, %get3A_19] : memref<3x4096x128xf32, #tpu.memory_space<vmem>>, vector<1x4096x128xf32>
    %get3A_21 = vector.shape_cast %get3A_20 : vector<1x4096x128xf32> to vector<4096x128xf32>
    %mul3A_22 = vector.broadcast %slice3A_16 : vector<4096x1xf32> to vector<4096x128xf32>
    %mul3A_23 = arith.mulf %mul3A_22, %get3A_21 : vector<4096x128xf32>
    %add3A_24 = arith.addf %add3A, %mul3A_23 : vector<4096x128xf32>
    %get3A_25 = arith.constant 0 : index
    %get3A_26 = arith.constant 0 : index
    %get3A_27 = vector.load %arg4[%get3A_25, %get3A_26] : memref<128x256xf32, #tpu.memory_space<vmem>>, vector<128x256xf32>
    %dot_general3A = arith.constant dense<0.000000e+00> : vector<4096x256xf32>
    %dot_general3A_28 = tpu.matmul %add3A_24, %get3A_27, %dot_general3A {dimension_numbers = #tpu.dot_dimension_numbers<[1], [0], [0], [1], [0, 0, 1, 1], [], []>, transpose_lhs_hint = false} : vector<4096x128xf32>, vector<128x256xf32>, vector<4096x256xf32> -> vector<4096x256xf32>
    %get3A_29 = arith.constant 0 : index
    %get3A_30 = arith.constant 0 : index
    %get3A_31 = vector.load %arg3[%get3A_29, %get3A_30] : memref<4096x128xf32, #tpu.memory_space<vmem>>, vector<4096x128xf32>
    %get3A_32 = arith.constant 0 : index
    %get3A_33 = arith.constant 0 : index
    %get3A_34 = vector.load %arg5[%get3A_32, %get3A_33] : memref<128x256xf32, #tpu.memory_space<vmem>>, vector<128x256xf32>
    %dot_general3A_35 = arith.constant dense<0.000000e+00> : vector<4096x256xf32>
    %dot_general3A_36 = tpu.matmul %get3A_31, %get3A_34, %dot_general3A_35 {dimension_numbers = #tpu.dot_dimension_numbers<[1], [0], [0], [1], [0, 0, 1, 1], [], []>, transpose_lhs_hint = false} : vector<4096x128xf32>, vector<128x256xf32>, vector<4096x256xf32> -> vector<4096x256xf32>
    %add3A_37 = arith.addf %dot_general3A_28, %dot_general3A_36 : vector<4096x256xf32>
    %get3A_38 = arith.constant 0 : index
    %get3A_39 = arith.constant 0 : index
    %get3A_40 = vector.load %arg7[%get3A_38, %get3A_39] : memref<1x256xf32, #tpu.memory_space<vmem>>, vector<1x256xf32>
    %add3A_41 = vector.broadcast %get3A_40 : vector<1x256xf32> to vector<4096x256xf32>
    %add3A_42 = arith.addf %add3A_37, %add3A_41 : vector<4096x256xf32>
    %max3A = arith.constant 0.000000e+00 : f32
    %max3A_43 = vector.broadcast %max3A : f32 to vector<4096x256xf32>
    %max3A_44 = arith.maximumf %add3A_42, %max3A_43 : vector<4096x256xf32>
    %get3A_45 = arith.constant 0 : index
    %get3A_46 = arith.constant 0 : index
    %get3A_47 = vector.load %arg6[%get3A_45, %get3A_46] : memref<256x256xf32, #tpu.memory_space<vmem>>, vector<256x256xf32>
    %dot_general3A_48 = arith.constant dense<0.000000e+00> : vector<4096x256xf32>
    %dot_general3A_49 = tpu.matmul %max3A_44, %get3A_47, %dot_general3A_48 {dimension_numbers = #tpu.dot_dimension_numbers<[1], [0], [0], [1], [0, 0, 1, 1], [], []>, transpose_lhs_hint = false} : vector<4096x256xf32>, vector<256x256xf32>, vector<4096x256xf32> -> vector<4096x256xf32>
    %get3A_50 = arith.constant 0 : index
    %get3A_51 = arith.constant 0 : index
    %get3A_52 = vector.load %arg8[%get3A_50, %get3A_51] : memref<1x256xf32, #tpu.memory_space<vmem>>, vector<1x256xf32>
    %add3A_53 = vector.broadcast %get3A_52 : vector<1x256xf32> to vector<4096x256xf32>
    %add3A_54 = arith.addf %dot_general3A_49, %add3A_53 : vector<4096x256xf32>
    %max3A_55 = arith.constant 0.000000e+00 : f32
    %max3A_56 = vector.broadcast %max3A_55 : f32 to vector<4096x256xf32>
    %max3A_57 = arith.maximumf %add3A_54, %max3A_56 : vector<4096x256xf32>
    %reduce_sum3A = arith.constant dense<0.000000e+00> : vector<4096xf32>
    %reduce_sum3A_58 = vector.multi_reduction <add>, %max3A_57, %reduce_sum3A [1] : vector<4096x256xf32> to vector<4096xf32>
    %broadcast_in_dim3A = vector.shape_cast %reduce_sum3A_58 : vector<4096xf32> to vector<4096x1xf32>
    %div3A = arith.constant 2.560000e+02 : f32
    %div3A_59 = vector.broadcast %div3A : f32 to vector<4096x1xf32>
    %div3A_60 = arith.divf %broadcast_in_dim3A, %div3A_59 : vector<4096x1xf32>
    %sub3A = vector.broadcast %div3A_60 : vector<4096x1xf32> to vector<4096x256xf32>
    %sub3A_61 = arith.subf %max3A_57, %sub3A : vector<4096x256xf32>
    %integer_pow3A = arith.mulf %sub3A_61, %sub3A_61 : vector<4096x256xf32>
    %reduce_sum3A_62 = arith.constant dense<0.000000e+00> : vector<4096xf32>
    %reduce_sum3A_63 = vector.multi_reduction <add>, %integer_pow3A, %reduce_sum3A_62 [1] : vector<4096x256xf32> to vector<4096xf32>
    %broadcast_in_dim3A_64 = vector.shape_cast %reduce_sum3A_63 : vector<4096xf32> to vector<4096x1xf32>
    %div3A_65 = arith.constant 2.560000e+02 : f32
    %div3A_66 = vector.broadcast %div3A_65 : f32 to vector<4096x1xf32>
    %div3A_67 = arith.divf %broadcast_in_dim3A_64, %div3A_66 : vector<4096x1xf32>
    %sub3A_68 = vector.broadcast %div3A_60 : vector<4096x1xf32> to vector<4096x256xf32>
    %sub3A_69 = arith.subf %max3A_57, %sub3A_68 : vector<4096x256xf32>
    %add3A_70 = arith.constant 9.99999974E-6 : f32
    %add3A_71 = vector.broadcast %add3A_70 : f32 to vector<4096x1xf32>
    %add3A_72 = arith.addf %div3A_67, %add3A_71 : vector<4096x1xf32>
    %sqrt3A = math.sqrt %add3A_72 : vector<4096x1xf32>
    %div3A_73 = vector.broadcast %sqrt3A : vector<4096x1xf32> to vector<4096x256xf32>
    %div3A_74 = arith.divf %sub3A_69, %div3A_73 : vector<4096x256xf32>
    %get3A_75 = arith.constant 0 : index
    %get3A_76 = arith.constant 0 : index
    %get3A_77 = vector.load %arg9[%get3A_75, %get3A_76] : memref<1x256xf32, #tpu.memory_space<vmem>>, vector<1x256xf32>
    %mul3A_78 = vector.broadcast %get3A_77 : vector<1x256xf32> to vector<4096x256xf32>
    %mul3A_79 = arith.mulf %div3A_74, %mul3A_78 : vector<4096x256xf32>
    %get3A_80 = arith.constant 0 : index
    %get3A_81 = arith.constant 0 : index
    %get3A_82 = vector.load %arg10[%get3A_80, %get3A_81] : memref<1x256xf32, #tpu.memory_space<vmem>>, vector<1x256xf32>
    %add3A_83 = vector.broadcast %get3A_82 : vector<1x256xf32> to vector<4096x256xf32>
    %add3A_84 = arith.addf %mul3A_79, %add3A_83 : vector<4096x256xf32>
    %swap3A = arith.constant 0 : index
    %swap3A_85 = arith.constant 0 : index
    %swap3A_86 = vector.load %arg11[%swap3A, %swap3A_85] : memref<4096x256xf32, #tpu.memory_space<vmem>>, vector<4096x256xf32>
    tpu.vector_store %arg11[%swap3A, %swap3A_85], %add3A_84 {strides = array<i32>} : memref<4096x256xf32, #tpu.memory_space<vmem>>, vector<4096x256xf32>,
    return
  }
  func.func @transform_0(%arg0: i32) -> (i32, i32, i32) {
    %c0_i32 = arith.constant 0 : i32
    %c0_i32_0 = arith.constant 0 : i32
    %c0_i32_1 = arith.constant 0 : i32
    return %c0_i32, %arg0, %c0_i32_0 : i32, i32, i32
  }
  func.func @transform_1(%arg0: i32) -> (i32, i32) {
    %c0_i32 = arith.constant 0 : i32
    %c0_i32_0 = arith.constant 0 : i32
    return %arg0, %c0_i32 : i32, i32
  }
  func.func @transform_2(%arg0: i32) -> (i32, i32) {
    %c0_i32 = arith.constant 0 : i32
    %c0_i32_0 = arith.constant 0 : i32
    return %arg0, %c0_i32 : i32, i32
  }
  func.func @transform_3(%arg0: i32) -> (i32, i32) {
    %c0_i32 = arith.constant 0 : i32
    %c0_i32_0 = arith.constant 0 : i32
    %c0_i32_1 = arith.constant 0 : i32
    return %c0_i32, %c0_i32_0 : i32, i32
  }
  func.func @transform_4(%arg0: i32) -> (i32, i32) {
    %c0_i32 = arith.constant 0 : i32
    %c0_i32_0 = arith.constant 0 : i32
    %c0_i32_1 = arith.constant 0 : i32
    return %c0_i32, %c0_i32_0 : i32, i32
  }
  func.func @transform_5(%arg0: i32) -> (i32, i32) {
    %c0_i32 = arith.constant 0 : i32
    %c0_i32_0 = arith.constant 0 : i32
    %c0_i32_1 = arith.constant 0 : i32
    return %c0_i32, %c0_i32_0 : i32, i32
  }
  func.func @transform_6(%arg0: i32) -> (i32, i32) {
    %c0_i32 = arith.constant 0 : i32
    %c0_i32_0 = arith.constant 0 : i32
    %c0_i32_1 = arith.constant 0 : i32
    return %c0_i32, %c0_i32_0 : i32, i32
  }
  func.func @transform_7(%arg0: i32) -> (i32, i32) {
    %c0_i32 = arith.constant 0 : i32
    %c0_i32_0 = arith.constant 0 : i32
    %c0_i32_1 = arith.constant 0 : i32
    return %c0_i32, %c0_i32_0 : i32, i32
  }
  func.func @transform_8(%arg0: i32) -> (i32, i32) {
    %c0_i32 = arith.constant 0 : i32
    %c0_i32_0 = arith.constant 0 : i32
    %c0_i32_1 = arith.constant 0 : i32
    return %c0_i32, %c0_i32_0 : i32, i32
  }
  func.func @transform_9(%arg0: i32) -> (i32, i32) {
    %c0_i32 = arith.constant 0 : i32
    %c0_i32_0 = arith.constant 0 : i32
    %c0_i32_1 = arith.constant 0 : i32
    return %c0_i32, %c0_i32_0 : i32, i32
  }
  func.func @transform_10(%arg0: i32) -> (i32, i32) {
    %c0_i32 = arith.constant 0 : i32
    %c0_i32_0 = arith.constant 0 : i32
    return %arg0, %c0_i32 : i32, i32
  }
}

</mosaic_0001>

<sc_bundles>
// kernel: kernel.5.cloned.1.call-start
scs
__scs_entry_jumppad:
0x0: {  	(pc) =	sbr.rel $0x88, $3  }
0x1: {  	(tag) =	ssettag $0x0;
	lr =	simm.s32 $0x1  }
0x2: {  	[smem:$0x3F97] =	sst lr;
	_ =	strace $0xD0000000  }
0x3: {  	_ = 	snop  }
0x4: {  	_ = 	snop  }
0x5: {  	_ = 	snop  }
0x6: {  	_ = 	snop  }
0x7: {  	_ = 	snop  }
__scs_overlays_trampoline_lowered:
0x8: {  	[smem:$0x3FA6] =	sst s0  }
0x9: {  	[smem:$0x3FA7] =	sst s1  }
0xa: {  	[smem:$0x3FA8] =	sst s2  }
0xb: {  	[smem:$0x3FA9] =	sst s3  }
0xc: {  	[smem:$0x3FAA] =	sst s4  }
0xd: {  	[smem:$0x3FAB] =	sst s5  }
0xe: {  	[smem:$0x3FAC] =	sst s6  }
0xf: {  	[smem:$0x3FAD] =	sst s7  }
0x10: {  	[smem:$0x3FAE] =	sst s8  }
0x11: {  	[smem:$0x3FAF] =	sst s9;
	s0 =	simm.s32 @!p0 $0x0  }
0x12: {  	s1 =	sld [smem:$0x3F95];
	s0 =	simm.s32 @p0 $0x1  }
0x13: {  	[smem:$0x3FB0] =	sst s0;
	s0 =	simm.s32 @!p1 $0x0  }
0x14: {  	s2 =	sld [smem:$0x3F94];
	s0 =	simm.s32 @p1 $0x1  }
0x15: {  	[smem:$0x3FB1] =	sst s0;
	s0 =	simm.s32 @!p2 $0x0  }
0x16: {  	s3 =	sld [smem:$0x3FDB];
	s0 =	simm.s32 @p2 $0x1  }
0x17: {  	s4 =	simm.s32 $0x1BF5;
	[smem:$0x3FB3] =	sst s0  }
0x18: {  	s0 =	sld [smem:$0x3F96];
	_ =	swait.ge [sflag:s4], $0x0  }
0x19: {  	s7 =	sld [smem:$0x3F97]  }
0x1a: {  	s8 =	sadd.s32 $0xFFFFE003, lr  }
0x1b: {  	s9 =	sadd.s32 $0xFFFFFEF7, lr;
	s5 =	simm.s32 $0xFFFFFFFF;
	p2 =	slt.u32 s8, $0xFFFFF086  }
0x1c: {  	p1 =	slt.u32 s9, $0xF7A;
	s5 =	simm.s32 @!p2 $0x0  }
0x1d: {  	s5 =	simm.s32 @p1 $0x1;
	p0 =	seq.s32 s7, s2  }
0x1e: {  	s7 =	smul.u32 @!p0 $0xF7A, s2;
	p2 =	seq.s32 @!p0 s5, $0x0  }
0x1f: {  	s9 =	smul.u32 $0xF7A, s1;
	s8 =	simm.s32 @!p0 $0x1BF5;
	p2 =	por !p2, p0  }
0x20: {  	[sflag:s8] =	ssyncset.s32 @!p0 $0xFFFFF086;
	s6 =	sadd.s32 @!p0 s3, s7;
	s7 =	simm.s32 @!p0 $0x108  }
0x21: {  	s3 =	sadd.s32 s3, s9;
	s6 =	sadd.s32 @!p0 $0x88, s6;
	s7 =	simm.s32 @p2 $0x1082  }
0x22: {  	[simem:s7], [sflag:s8] =	dma.local @!p0 [hbm:s6], $0xF7A  }
0x23: {  	s9 =	sor.u32 $0xD0000000, s2;
	s6 =	simm.s32 $0x108;
	_ =	swait.ge @!p0 [sflag:s8], $0x0  }
0x24: {  	s3 =	sadd.s32 $0x88, s3;
	s6 =	simm.s32 @!p1 $0x1082;
	[sflag:s4] =	ssyncset.s32 $0xFFFFF086  }
0x25: {  	[simem:s6], [sflag:s4] =	dma.local [hbm:s3], $0xF7A  }
0x26: {  	[smem:$0x3F97] =	sst s1;
	(tag) =	ssettag s2;
	_ =	strace s9  }
0x27: {  	s1 =	sld [smem:$0x3FA7]  }
0x28: {  	s2 =	sld [smem:$0x3FA8]  }
0x29: {  	s4 =	sld [smem:$0x3FAA]  }
0x2a: {  	p0 =	seq.s32 s5, $0x0;
	s5 =	sld [smem:$0x3FAB]  }
0x2b: {  	s6 =	sld [smem:$0x3FAC]  }
0x2c: {  	s7 =	sld [smem:$0x3FAD]  }
0x2d: {  	s3 =	simm.s32 $0x108;
	s8 =	sld [smem:$0x3FAE]  }
0x2e: {  	s3 =	simm.s32 @!p0 $0x1082;
	s9 =	sld [smem:$0x3FAF]  }
0x2f: {  	lr =	sadd.s32 s0, s3;
	s0 =	sld [smem:$0x3FA6]  }
0x30: {  	s3 =	sld [smem:$0x3FA9]  }
0x31: {  	[smem:$0x3FB2] =	sst s10  }
0x32: {  	s10 =	sld [smem:$0x3FB0];
	_ =	sdelay $0x3  }
0x33: {  	p0 =	seq.s32 s10, $0x1;
	s10 =	sld [smem:$0x3FB2];
	_ =	sdelay $0x3  }
0x34: {  	[smem:$0x3FB2] =	sst s10  }
0x35: {  	s10 =	sld [smem:$0x3FB1];
	_ =	sdelay $0x3  }
0x36: {  	p1 =	seq.s32 s10, $0x1;
	s10 =	sld [smem:$0x3FB2];
	_ =	sdelay $0x3  }
0x37: {  	[smem:$0x3FB2] =	sst s10  }
0x38: {  	s10 =	sld [smem:$0x3FB3]  }
0x39: {  	_ = 	snop;
	(pc) =	sbr.ind lr, $3  }
0x3a: {  	_ = 	snop  }
0x3b: {  	_ = 	snop  }
0x3c: {  	p2 =	seq.s32 s10, $0x1;
	s10 =	sld [smem:$0x3FB2]  }
0x3d: {  	_ =	shalt  }
0x3e: {  	_ =	shalt  }
0x3f: {  	_ =	shalt  }
0x40: {  	_ =	shalt  }
0x41: {  	_ =	shalt  }
0x42: {  	_ =	shalt  }
0x43: {  	_ =	shalt  }
0x44: {  	_ =	shalt  }
0x45: {  	_ =	shalt  }
0x46: {  	_ =	shalt  }
0x47: {  	_ =	shalt  }
0x48: {  	_ =	shalt  }
0x49: {  	_ =	shalt  }
0x4a: {  	_ =	shalt  }
0x4b: {  	_ =	shalt  }
0x4c: {  	_ =	shalt  }
0x4d: {  	_ =	shalt  }
0x4e: {  	_ =	shalt  }
0x4f: {  	_ =	shalt  }
0x50: {  	_ =	shalt  }
0x51: {  	_ =	shalt  }
0x52: {  	_ =	shalt  }
0x53: {  	_ =	shalt  }
0x54: {  	_ =	shalt  }
0x55: {  	_ =	shalt  }
0x56: {  	_ =	shalt  }
0x57: {  	_ =	shalt  }
0x58: {  	_ =	shalt  }
0x59: {  	_ =	shalt  }
0x5a: {  	_ =	shalt  }
0x5b: {  	_ =	shalt  }
0x5c: {  	_ =	shalt  }
0x5d: {  	_ =	shalt  }
0x5e: {  	_ =	shalt  }
0x5f: {  	_ =	shalt  }
0x60: {  	_ =	shalt  }
0x61: {  	_ =	shalt  }
0x62: {  	_ =	shalt  }
0x63: {  	_ =	shalt  }
0x64: {  	_ =	shalt  }
0x65: {  	_ =	shalt  }
0x66: {  	_ =	shalt  }
0x67: {  	_ =	shalt  }
0x68: {  	_ =	shalt  }
0x69: {  	_ =	shalt  }
0x6a: {  	_ =	shalt  }
0x6b: {  	_ =	shalt  }
0x6c: {  	_ =	shalt  }
0x6d: {  	_ =	shalt  }
0x6e: {  	_ =	shalt  }
0x6f: {  	_ =	shalt  }
0x70: {  	_ =	shalt  }
0x71: {  	_ =	shalt  }
0x72: {  	_ =	shalt  }
0x73: {  	_ =	shalt  }
0x74: {  	_ =	shalt  }
0x75: {  	_ =	shalt  }
0x76: {  	_ =	shalt  }
0x77: {  	_ =	shalt  }
0x78: {  	_ =	shalt  }
0x79: {  	_ =	shalt  }
0x7a: {  	_ =	shalt  }
0x7b: {  	_ =	shalt  }
0x7c: {  	_ =	shalt  }
0x7d: {  	_ =	shalt  }
0x7e: {  	_ =	shalt  }
0x7f: {  	_ =	shalt  }
0x80: {  	_ =	shalt  }
0x81: {  	_ =	shalt  }
0x82: {  	_ =	shalt  }
0x83: {  	_ =	shalt  }
0x84: {  	_ =	shalt  }
0x85: {  	_ =	shalt  }
0x86: {  	_ =	shalt  }
0x87: {  	_ =	shalt  }
.Lfunc_end0:
.L_simem_size_0:
called_computation_lowered:
.L_overlay_start_0:
0x88: {  	s2 =	sld [smem:$0x3FD9]  }
0x89: {  	s3 =	sld [smem:$0x3FFE];
	_ =	sdelay $0x1  }
0x8a: {  	s1 =	srdreg.scid  }
0x8b: {  	s0 =	sand.u32 $0x1, s1  }
0x8c: {  	s17 =	sshll.u32 s0, $0xA;
	s2 =	sadd.s32 s3, s2  }
0x8d: {  	s2 =	sadd.s32 s2, s17  }
0x8e: {  	[smem:$0x3FBE] =	sst s2  }
0x8f: {  	_ = 	snop  }
0x90: {  	s2 =	sld [smem:$0x3FC9]  }
0x91: {  	s18 =	sld [smem:$0x3FD0];
	(tm) =	ssettm $0x1  }
0x92: {  	s4 =	sld [smem:$0x3FFB];
	_ =	sdelay $0x3  }
0x93: {  	_ =	strace s4  }
0x94: {  	s4 =	sld [smem:$0x3FFC];
	_ =	sdelay $0x3  }
0x95: {  	_ =	strace s4  }
0x96: {  	s4 =	sld [smem:$0x3FFD];
	_ =	sdelay $0x3  }
0x97: {  	_ =	strace s4  }
0x98: {  	_ =	strace $0x8FFFFFFF  }
0x99: {  	s19 =	sld [smem:$0x3FDB];
	_ =	sdelay $0x1  }
0x9a: {  	s5 =	simm.s32 $_scs_section_size  }
0x9b: {  	s6 =	simm.s32 $_size__tile_overlayer_lowered;
	s7 =	simm.s32 $_tile_overlayer_lowered  }
0x9c: {  	s22 =	simm.s32 $0x1BFF;
	s21 =	sshll.u32 s7, $0x1;
	s4 =	sadd.s32 s5, s19  }
0x9d: {  	s8 =	simm.s32 $0x0;
	s20 =	sshll.u32 s6, $0x1;
	s6 =	sadd.s32 s21, s4  }
0x9e: {  	[timem:s8], [sflag:s22] =	dma.local [hbm:s6], s20  }
0x9f: {  	_ =	swait.ge [sflag:s22], s20  }
0xa0: {  	s5 =	ssub.s32 $0x0, s20;
	[sflag:s22] =	ssyncset.done $0x0  }
0xa1: {  	[sflag:s22] =	ssyncadd.s32 s5;
	_ =	sdelay $0x1  }
0xa2: {  	s23 =	simm.s32 $0x1B8B  }
0xa3: {  	_ =	swait.ge [sflag:s23], $0x1  }
0xa4: {  	[sflag:s23] =	ssyncset.done $0x0  }
0xa5: {  	s25 =	simm.s32 $0x1B8E;
	s24 =	sld [smem:$0x3FFE];
	[sflag:s23] =	ssyncadd.s32 $0xFFFFFFFF  }
0xa6: {  	s26 =	simm.s32 $execute0_lowered;
	[smem:$0x3FD2] =	sst s25  }
0xa7: {  	s6 =	sshll.u32 s26, $0x1;
	_ =	strace $0x80000046;
	[dreg:$0x1] =	wrdreg $0xFFFFFFFF  }
0xa8: {  	s28 =	simm.s32 $_size_execute0_lowered;
	s4 =	sadd.s32 s4, s6;
	[dreg:$0x0] =	wrdreg $0x0  }
0xa9: {  	s6 =	sshll.u32 s28, $0x1;
	[dreg:$0x2] =	wrdreg s4  }
0xaa: {  	[dreg:$0x3] =	wrdreg s6  }
0xab: {  	[dreg:$0x4] =	wrdreg $0xC0  }
0xac: {  	_ =	task [dreg:s8], $0x5FFFF  }
0xad: {  	[dreg:$0x1] =	wrdreg $0xFFFFFFFF  }
0xae: {  	[dreg:$0x0] =	wrdreg $0x60  }
0xaf: {  	[dreg:$0x2] =	wrdreg s18  }
0xb0: {  	[dreg:$0x3] =	wrdreg s2  }
0xb1: {  	[dreg:$0x4] =	wrdreg s24  }
0xb2: {  	[dreg:$0x5] =	wrdreg $0x9  }
0xb3: {  	_ =	task.clear_ibuf [dreg:s8], $0x6FFFF;
	_ =	strace $0x90000046  }
0xb4: {  	s29 =	simm.s32 $0x9;
	_ =	strace $0x80000048  }
0xb5: {  	_ =	swait.ge [sflag:s29], $0x1  }
0xb6: {  	[sflag:s29] =	ssyncadd.s32 $0xFFFFFFFF  }
0xb7: {  	_ =	strace $0x90000048  }
0xb8: {  	_ =	sfence  }
0xb9: {  	s30 =	sld [smem:$0x0];
	_ =	sdelay $0x2  }
0xba: {  	s31 =	sshll.u32 s1, $0xD;
	s1 =	sshrl.u32 s1, $0x2  }
0xbb: {  	s3 =	sand.u32 $0x4000, s31;
	s1 =	sadd.s32 s1, s30  }
0xbc: {  	s0 =	sor.u32 s3, s0;
	s1 =	sshll.u32 s1, $0x11  }
0xbd: {  	s0 =	sor.u32 s1, s0  }
0xbe: {  	s0 =	sadd.s32 $0x8F2B, s0  }
0xbf: {  	[sflag:s0] =	ssyncadd.remote.s32 $0x1  }
0xc0: {  	_ =	sfence.sel $0xFFFF  }
0xc1: {  	[dreg:$0x0] =	wrdreg $0xFFFFFFFF;
	(pc) =	sbr.abs _section_cstart, $3  }
0xc2: {  	[dreg:$0x1] =	wrdreg $0xFFFFFFFF  }
0xc3: {  	_ =	task.clear_ibuf [dreg:s8], $0x2FFFF;
	_ =	strace $0x9FFFFFFF  }
0xc4: {  	(tm) =	ssettm $0x7FFFFFFF  }
0xc5: {  	_ =	shalt  }
tec
execute0_lowered:
.L_overlay_start_1:
0x0: {  	(tag) =	ssettag $0x1  }
0x1: {  	s0 =	srdreg.scid;
	s2 =	stileid.u32  }
0x2: {  	s0 =	sand.u32 $0x1, s0;
	s2 =	sshll.u32 s2, $0x1  }
0x3: {  	s4 =	sor.u32 s0, s2  }
0x4: {  	s1 =	rddreg [dreg:$0x0];
	s6 =	smul.u32 $0x180, s4  }
0x5: {  	s5 =	rddreg [dreg:$0x2];
	s7 =	smul.u32 $0xC000, s4  }
0x6: {  	s3 =	rddreg [dreg:$0x1];
	s5 =	sadd.s32 $0x81600, s5;
	s2 =	simm.s32 $0x0  }
0x7: {  	[smem:$0x7FF] =	sst s2;
	s1 =	sadd.s32 s1, s6;
	s30 =	sadd.s32 s5, s7  }
0x8: {  	_ =	strace $0x80000047;
	[dreg:$0x4] =	wrdreg s1;
	s15 =	sadd.s32 $0x800, s30  }
0x9: {  	s16 =	sadd.s32 $0x1000, s30;
	[dreg:$0x5] =	wrdreg s15  }
0xa: {  	s17 =	sadd.s32 $0x1800, s30;
	[dreg:$0x6] =	wrdreg s16  }
0xb: {  	s4 =	smul.u32 $0x60000, s4;
	s18 =	sadd.s32 $0x2000, s30;
	[dreg:$0x7] =	wrdreg s17  }
0xc: {  	s19 =	sadd.s32 $0x2800, s30;
	[dreg:$0x8] =	wrdreg s18  }
0xd: {  	s4 =	sshrl.u32 s4, $0x3;
	s20 =	sadd.s32 $0x3000, s30;
	[dreg:$0x9] =	wrdreg s19  }
0xe: {  	s21 =	sadd.s32 $0x3800, s30;
	s4 =	sadd.s32 s5, s4;
	[dreg:$0xa] =	wrdreg s20  }
0xf: {  	[dreg:$0xb] =	wrdreg s21;
	s22 =	sadd.s32 $0x4000, s4  }
0x10: {  	s23 =	sadd.s32 $0x4800, s4;
	[dreg:$0xc] =	wrdreg s22  }
0x11: {  	s24 =	sadd.s32 $0x5000, s4;
	[dreg:$0xd] =	wrdreg s23  }
0x12: {  	s25 =	sadd.s32 $0x5800, s4;
	[dreg:$0xe] =	wrdreg s24  }
0x13: {  	s26 =	sadd.s32 $0x6000, s4;
	[dreg:$0xf] =	wrdreg s25  }
0x14: {  	s5 =	sadd.s32 $0x6800, s4;
	[dreg:$0x10] =	wrdreg s26  }
0x15: {  	s6 =	sadd.s32 $0x7000, s4;
	[dreg:$0x11] =	wrdreg s5  }
0x16: {  	s7 =	sadd.s32 $0x7800, s4;
	[dreg:$0x12] =	wrdreg s6  }
0x17: {  	s31 =	simm.s32 $0x9;
	s8 =	sadd.s32 $0x8000, s4;
	[dreg:$0x13] =	wrdreg s7  }
0x18: {  	s29 =	simm.s32 $0x600;
	s9 =	sadd.s32 $0x8800, s4;
	[dreg:$0x14] =	wrdreg s8  }
0x19: {  	s28 =	simm.s32 $0x680;
	s10 =	sadd.s32 $0x9000, s4;
	[dreg:$0x15] =	wrdreg s9  }
0x1a: {  	p0 =	por $0x0, $0x0;
	s11 =	sadd.s32 $0x9800, s4;
	[dreg:$0x16] =	wrdreg s10  }
0x1b: {  	s0 =	ssub.s32 $0x2, s0;
	s12 =	sadd.s32 $0xA000, s4;
	[dreg:$0x17] =	wrdreg s11  }
0x1c: {  	s13 =	sadd.s32 $0xA800, s4;
	s14 =	sadd.s32 $0xB000, s4;
	[dreg:$0x18] =	wrdreg s12  }
0x1d: {  	s15 =	sshrl.u32 s0, $0x1;
	s16 =	sadd.s32 $0xB800, s4;
	[dreg:$0x19] =	wrdreg s13  }
0x1e: {  	s17 =	simm.s32 $0x100;
	s4 =	simm.s32 $0x8C00;
	[dreg:$0x1a] =	wrdreg s14  }
0x1f: {  	s18 =	simm.s32 $0x180;
	s19 =	simm.s32 $0x200;
	[dreg:$0x1b] =	wrdreg s16  }
0x20: {  	s20 =	simm.s32 $0x280;
	s21 =	simm.s32 $0x300;
	[dreg:$0x1c] =	wrdreg s17  }
0x21: {  	s0 =	ssub.s32 s0, s15;
	s8 =	simm.s32 $0x80;
	[dreg:$0x1d] =	wrdreg s18  }
0x22: {  	s12 =	simm.s32 $0xC00;
	s6 =	simm.s32 $0x4C00;
	[dreg:$0x1e] =	wrdreg s19  }
0x23: {  	s16 =	simm.s32 $0x1;
	s5 =	simm.s32 $0xCC00;
	[dreg:$0x1f] =	wrdreg s20  }
0x24: {  	s13 =	simm.s32 $0x2;
	s7 =	simm.s32 $0x5;
	[smem:$0x7F8] =	sst s21  }
0x25: {  	s22 =	simm.s32 $0x380;
	s14 =	simm.s32 $0x3;
	s23 =	simm.s32 $0x400  }
0x26: {  	s9 =	simm.s32 $0x6;
	s24 =	simm.s32 $0x480;
	s15 =	simm.s32 $0x4  }
0x27: {  	s25 =	simm.s32 $0x500;
	s10 =	simm.s32 $0x7;
	s26 =	simm.s32 $0x580  }
0x28: {  	s11 =	simm.s32 $0x8;
	s0 =	smax.u32 s0, $0x1;
	[smem:$0x7F9] =	sst s22  }
0x29: {  	s21 =	simm.s32 $0x980;
	[smem:$0x7FA] =	sst s23;
	p1 =	sne.s32 s0, $0x1  }
.Ltmp0:
0x2a: {  	s20 =	simm.s32 $0xA00;
	[smem:$0x7FB] =	sst s24;
	(pc) =	sbr.rel @!p1 .LBB2_3-.Ltmp0, $4  }
0x2b: {  	s19 =	simm.s32 $0xA80;
	s18 =	simm.s32 $0xB00;
	[smem:$0x7FC] =	sst s25  }
0x2c: {  	s17 =	simm.s32 $0xB80;
	[smem:$0x7FD] =	sst s26;
	s26 =	simm.s32 $0x700  }
0x2d: {  	s25 =	simm.s32 $0x780;
	s24 =	simm.s32 $0x800;
	s23 =	simm.s32 $0x880  }
0x2e: {  	s22 =	simm.s32 $0x900;
	s1 =	sadd.s32 $0xFFFFFFFF, s0;
	s0 =	rddreg [dreg:$0x4]  }
0x2f: {  	[tilespmem:s2], [sflag:$0x9] =	stream.linear.gather [hbm4b:s0+s2], $0xC00, $0x38;
	[tilespmem:$0x10C00] =	vst v63  }
0x30: {  	_ =	swait.ge [sflag:s31], $0xC00  }
0x31: {  	[sflag:s31] =	ssyncset.done $0x0  }
0x32: {  	[sflag:s31] =	ssyncadd.s32 $0xFFFFF400  }
0x33: {  	[tilespmem:s12], [sflag:$0x1] =	stream.indirect.gather [hbm4b:s3+s8], $0x80, s2, s8, $0xb8;
	[tilespmem:$0x10C00] =	vst v63  }
0x34: {  	_ = 	snop  }
0x35: {  	[tilespmem:s6], [sflag:$0x2] =	stream.indirect.gather [hbm4b:s3+s8], $0x80, s8, s8, $0xb8;
	[tilespmem:$0x10C00] =	vst v63  }
0x36: {  	s0 =	rddreg [dreg:$0x1c]  }
0x37: {  	[tilespmem:s4], [sflag:$0x3] =	stream.indirect.gather [hbm4b:s3+s8], $0x80, s0, s8, $0xb8;
	[tilespmem:$0x10C00] =	vst v63  }
0x38: {  	_ =	swait.ge [sflag:s16], $0x4000  }
0x39: {  	[sflag:s16] =	ssyncset.done $0x0  }
0x3a: {  	[sflag:s16] =	ssyncadd.s32 $0xFFFFC000  }
0x3b: {  	[hbm4b:s30+s2] =	stream.linear.scatter [tilespmem:s12], [sflag:$0x5], $0x4000, $0x38;
	[tilespmem:$0x10C00] =	vst v63  }
0x3c: {  	s0 =	rddreg [dreg:$0x1d]  }
0x3d: {  	[tilespmem:s5], [sflag:$0x4] =	stream.indirect.gather [hbm4b:s3+s8], $0x80, s0, s8, $0xb8;
	[tilespmem:$0x10C00] =	vst v63  }
0x3e: {  	_ =	swait.ge [sflag:s13], $0x4000  }
0x3f: {  	[sflag:s13] =	ssyncset.done $0x0  }
0x40: {  	s0 =	rddreg [dreg:$0x5];
	[sflag:s13] =	ssyncadd.s32 $0xFFFFC000  }
0x41: {  	[hbm4b:s0+s2] =	stream.linear.scatter [tilespmem:s6], [sflag:$0x6], $0x4000, $0x38;
	[tilespmem:$0x10C00] =	vst v63  }
0x42: {  	_ =	swait.ge [sflag:s7], $0x4000  }
0x43: {  	[sflag:s7] =	ssyncset.done $0x0  }
0x44: {  	s0 =	rddreg [dreg:$0x1e];
	[sflag:s7] =	ssyncadd.s32 $0xFFFFC000  }
0x45: {  	[tilespmem:s12], [sflag:$0x1] =	stream.indirect.gather [hbm4b:s3+s8], $0x80, s0, s8, $0xb8;
	[tilespmem:$0x10C00] =	vst v63  }
0x46: {  	_ =	swait.ge [sflag:s14], $0x4000  }
0x47: {  	[sflag:s14] =	ssyncset.done $0x0  }
0x48: {  	s0 =	rddreg [dreg:$0x6];
	[sflag:s14] =	ssyncadd.s32 $0xFFFFC000  }
0x49: {  	[hbm4b:s0+s2] =	stream.linear.scatter [tilespmem:s4], [sflag:$0x7], $0x4000, $0x38;
	[tilespmem:$0x10C00] =	vst v63  }
0x4a: {  	_ =	swait.ge [sflag:s9], $0x4000  }
0x4b: {  	[sflag:s9] =	ssyncset.done $0x0  }
0x4c: {  	s0 =	rddreg [dreg:$0x1f];
	[sflag:s9] =	ssyncadd.s32 $0xFFFFC000  }
0x4d: {  	[tilespmem:s6], [sflag:$0x2] =	stream.indirect.gather [hbm4b:s3+s8], $0x80, s0, s8, $0xb8;
	[tilespmem:$0x10C00] =	vst v63  }
0x4e: {  	_ =	swait.ge [sflag:s15], $0x4000  }
0x4f: {  	[sflag:s15] =	ssyncset.done $0x0  }
0x50: {  	s0 =	rddreg [dreg:$0x7];
	[sflag:s15] =	ssyncadd.s32 $0xFFFFC000  }
0x51: {  	[hbm4b:s0+s2] =	stream.linear.scatter [tilespmem:s5], [sflag:$0x8], $0x4000, $0x38;
	[tilespmem:$0x10C00] =	vst v63  }
0x52: {  	_ =	swait.ge [sflag:s10], $0x4000  }
0x53: {  	s0 =	sld [smem:$0x7F8]  }
0x54: {  	[sflag:s10] =	ssyncset.done $0x0  }
0x55: {  	[sflag:s10] =	ssyncadd.s32 $0xFFFFC000  }
0x56: {  	[tilespmem:s4], [sflag:$0x3] =	stream.indirect.gather [hbm4b:s3+s8], $0x80, s0, s8, $0xb8;
	[tilespmem:$0x10C00] =	vst v63  }
0x57: {  	_ =	swait.ge [sflag:s16], $0x4000  }
0x58: {  	[sflag:s16] =	ssyncset.done $0x0  }
0x59: {  	s0 =	rddreg [dreg:$0x8];
	[sflag:s16] =	ssyncadd.s32 $0xFFFFC000  }
0x5a: {  	[hbm4b:s0+s2] =	stream.linear.scatter [tilespmem:s12], [sflag:$0x5], $0x4000, $0x38;
	[tilespmem:$0x10C00] =	vst v63  }
0x5b: {  	_ =	swait.ge [sflag:s11], $0x4000  }
0x5c: {  	s0 =	sld [smem:$0x7F9]  }
0x5d: {  	[sflag:s11] =	ssyncset.done $0x0  }
0x5e: {  	[sflag:s11] =	ssyncadd.s32 $0xFFFFC000  }
0x5f: {  	[tilespmem:s5], [sflag:$0x4] =	stream.indirect.gather [hbm4b:s3+s8], $0x80, s0, s8, $0xb8;
	[tilespmem:$0x10C00] =	vst v63  }
0x60: {  	_ =	swait.ge [sflag:s13], $0x4000  }
0x61: {  	[sflag:s13] =	ssyncset.done $0x0  }
0x62: {  	s0 =	rddreg [dreg:$0x9];
	[sflag:s13] =	ssyncadd.s32 $0xFFFFC000  }
0x63: {  	[hbm4b:s0+s2] =	stream.linear.scatter [tilespmem:s6], [sflag:$0x6], $0x4000, $0x38;
	[tilespmem:$0x10C00] =	vst v63  }
0x64: {  	_ =	swait.ge [sflag:s7], $0x4000  }
0x65: {  	s0 =	sld [smem:$0x7FA]  }
0x66: {  	[sflag:s7] =	ssyncset.done $0x0  }
0x67: {  	[sflag:s7] =	ssyncadd.s32 $0xFFFFC000  }
0x68: {  	[tilespmem:s12], [sflag:$0x1] =	stream.indirect.gather [hbm4b:s3+s8], $0x80, s0, s8, $0xb8;
	[tilespmem:$0x10C00] =	vst v63  }
0x69: {  	_ =	swait.ge [sflag:s14], $0x4000  }
0x6a: {  	[sflag:s14] =	ssyncset.done $0x0  }
0x6b: {  	s0 =	rddreg [dreg:$0xa];
	[sflag:s14] =	ssyncadd.s32 $0xFFFFC000  }
0x6c: {  	[hbm4b:s0+s2] =	stream.linear.scatter [tilespmem:s4], [sflag:$0x7], $0x4000, $0x38;
	[tilespmem:$0x10C00] =	vst v63  }
0x6d: {  	_ =	swait.ge [sflag:s9], $0x4000  }
0x6e: {  	s0 =	sld [smem:$0x7FB]  }
0x6f: {  	[sflag:s9] =	ssyncset.done $0x0  }
0x70: {  	[sflag:s9] =	ssyncadd.s32 $0xFFFFC000  }
0x71: {  	[tilespmem:s6], [sflag:$0x2] =	stream.indirect.gather [hbm4b:s3+s8], $0x80, s0, s8, $0xb8;
	[tilespmem:$0x10C00] =	vst v63  }
0x72: {  	_ =	swait.ge [sflag:s15], $0x4000  }
0x73: {  	[sflag:s15] =	ssyncset.done $0x0  }
0x74: {  	s0 =	rddreg [dreg:$0xb];
	[sflag:s15] =	ssyncadd.s32 $0xFFFFC000  }
0x75: {  	[hbm4b:s0+s2] =	stream.linear.scatter [tilespmem:s5], [sflag:$0x8], $0x4000, $0x38;
	[tilespmem:$0x10C00] =	vst v63  }
0x76: {  	_ =	swait.ge [sflag:s10], $0x4000  }
0x77: {  	s0 =	sld [smem:$0x7FC]  }
0x78: {  	[sflag:s10] =	ssyncset.done $0x0  }
0x79: {  	[sflag:s10] =	ssyncadd.s32 $0xFFFFC000  }
0x7a: {  	[tilespmem:s4], [sflag:$0x3] =	stream.indirect.gather [hbm4b:s3+s8], $0x80, s0, s8, $0xb8;
	[tilespmem:$0x10C00] =	vst v63  }
0x7b: {  	_ =	swait.ge [sflag:s16], $0x4000  }
0x7c: {  	[sflag:s16] =	ssyncset.done $0x0  }
0x7d: {  	s0 =	rddreg [dreg:$0xc];
	[sflag:s16] =	ssyncadd.s32 $0xFFFFC000  }
0x7e: {  	[hbm4b:s0+s2] =	stream.linear.scatter [tilespmem:s12], [sflag:$0x5], $0x4000, $0x38;
	[tilespmem:$0x10C00] =	vst v63  }
0x7f: {  	_ =	swait.ge [sflag:s11], $0x4000  }
0x80: {  	s0 =	sld [smem:$0x7FD]  }
0x81: {  	[sflag:s11] =	ssyncset.done $0x0  }
0x82: {  	[sflag:s11] =	ssyncadd.s32 $0xFFFFC000  }
0x83: {  	[tilespmem:s5], [sflag:$0x4] =	stream.indirect.gather [hbm4b:s3+s8], $0x80, s0, s8, $0xb8;
	[tilespmem:$0x10C00] =	vst v63  }
0x84: {  	_ =	swait.ge [sflag:s13], $0x4000  }
0x85: {  	[sflag:s13] =	ssyncset.done $0x0  }
0x86: {  	s0 =	rddreg [dreg:$0xd];
	[sflag:s13] =	ssyncadd.s32 $0xFFFFC000  }
0x87: {  	[hbm4b:s0+s2] =	stream.linear.scatter [tilespmem:s6], [sflag:$0x6], $0x4000, $0x38;
	[tilespmem:$0x10C00] =	vst v63  }
0x88: {  	_ =	swait.ge [sflag:s7], $0x4000  }
0x89: {  	[sflag:s7] =	ssyncset.done $0x0  }
0x8a: {  	[sflag:s7] =	ssyncadd.s32 $0xFFFFC000  }
0x8b: {  	[tilespmem:s12], [sflag:$0x1] =	stream.indirect.gather [hbm4b:s3+s8], $0x80, s29, s8, $0xb8;
	[tilespmem:$0x10C00] =	vst v63  }
0x8c: {  	_ =	swait.ge [sflag:s14], $0x4000  }
0x8d: {  	[sflag:s14] =	ssyncset.done $0x0  }
0x8e: {  	s0 =	rddreg [dreg:$0xe];
	[sflag:s14] =	ssyncadd.s32 $0xFFFFC000  }
0x8f: {  	[hbm4b:s0+s2] =	stream.linear.scatter [tilespmem:s4], [sflag:$0x7], $0x4000, $0x38;
	[tilespmem:$0x10C00] =	vst v63  }
0x90: {  	_ =	swait.ge [sflag:s9], $0x4000  }
0x91: {  	[sflag:s9] =	ssyncset.done $0x0  }
0x92: {  	[sflag:s9] =	ssyncadd.s32 $0xFFFFC000  }
0x93: {  	[tilespmem:s6], [sflag:$0x2] =	stream.indirect.gather [hbm4b:s3+s8], $0x80, s28, s8, $0xb8;
	[tilespmem:$0x10C00] =	vst v63  }
0x94: {  	_ =	swait.ge [sflag:s15], $0x4000  }
0x95: {  	[sflag:s15] =	ssyncset.done $0x0  }
0x96: {  	s0 =	rddreg [dreg:$0xf];
	[sflag:s15] =	ssyncadd.s32 $0xFFFFC000  }
0x97: {  	[hbm4b:s0+s2] =	stream.linear.scatter [tilespmem:s5], [sflag:$0x8], $0x4000, $0x38;
	[tilespmem:$0x10C00] =	vst v63  }
0x98: {  	_ =	swait.ge [sflag:s10], $0x4000  }
0x99: {  	[sflag:s10] =	ssyncset.done $0x0  }
0x9a: {  	[sflag:s10] =	ssyncadd.s32 $0xFFFFC000  }
0x9b: {  	[tilespmem:s4], [sflag:$0x3] =	stream.indirect.gather [hbm4b:s3+s8], $0x80, s26, s8, $0xb8;
	[tilespmem:$0x10C00] =	vst v63  }
0x9c: {  	_ =	swait.ge [sflag:s16], $0x4000  }
0x9d: {  	[sflag:s16] =	ssyncset.done $0x0  }
0x9e: {  	s0 =	rddreg [dreg:$0x10];
	[sflag:s16] =	ssyncadd.s32 $0xFFFFC000  }
0x9f: {  	[hbm4b:s0+s2] =	stream.linear.scatter [tilespmem:s12], [sflag:$0x5], $0x4000, $0x38;
	[tilespmem:$0x10C00] =	vst v63  }
0xa0: {  	_ =	swait.ge [sflag:s11], $0x4000  }
0xa1: {  	[sflag:s11] =	ssyncset.done $0x0  }
0xa2: {  	[sflag:s11] =	ssyncadd.s32 $0xFFFFC000  }
0xa3: {  	[tilespmem:s5], [sflag:$0x4] =	stream.indirect.gather [hbm4b:s3+s8], $0x80, s25, s8, $0xb8;
	[tilespmem:$0x10C00] =	vst v63  }
0xa4: {  	_ =	swait.ge [sflag:s13], $0x4000  }
0xa5: {  	[sflag:s13] =	ssyncset.done $0x0  }
0xa6: {  	s0 =	rddreg [dreg:$0x11];
	[sflag:s13] =	ssyncadd.s32 $0xFFFFC000  }
0xa7: {  	[hbm4b:s0+s2] =	stream.linear.scatter [tilespmem:s6], [sflag:$0x6], $0x4000, $0x38;
	[tilespmem:$0x10C00] =	vst v63  }
0xa8: {  	_ =	swait.ge [sflag:s7], $0x4000  }
0xa9: {  	[sflag:s7] =	ssyncset.done $0x0  }
0xaa: {  	[sflag:s7] =	ssyncadd.s32 $0xFFFFC000  }
0xab: {  	[tilespmem:s12], [sflag:$0x1] =	stream.indirect.gather [hbm4b:s3+s8], $0x80, s24, s8, $0xb8;
	[tilespmem:$0x10C00] =	vst v63  }
0xac: {  	_ =	swait.ge [sflag:s14], $0x4000  }
0xad: {  	[sflag:s14] =	ssyncset.done $0x0  }
0xae: {  	s0 =	rddreg [dreg:$0x12];
	[sflag:s14] =	ssyncadd.s32 $0xFFFFC000  }
0xaf: {  	[hbm4b:s0+s2] =	stream.linear.scatter [tilespmem:s4], [sflag:$0x7], $0x4000, $0x38;
	[tilespmem:$0x10C00] =	vst v63  }
0xb0: {  	_ =	swait.ge [sflag:s9], $0x4000  }
0xb1: {  	[sflag:s9] =	ssyncset.done $0x0  }
0xb2: {  	[sflag:s9] =	ssyncadd.s32 $0xFFFFC000  }
0xb3: {  	[tilespmem:s6], [sflag:$0x2] =	stream.indirect.gather [hbm4b:s3+s8], $0x80, s23, s8, $0xb8;
	[tilespmem:$0x10C00] =	vst v63  }
0xb4: {  	_ =	swait.ge [sflag:s15], $0x4000  }
0xb5: {  	[sflag:s15] =	ssyncset.done $0x0  }
0xb6: {  	s0 =	rddreg [dreg:$0x13];
	[sflag:s15] =	ssyncadd.s32 $0xFFFFC000  }
0xb7: {  	[hbm4b:s0+s2] =	stream.linear.scatter [tilespmem:s5], [sflag:$0x8], $0x4000, $0x38;
	[tilespmem:$0x10C00] =	vst v63  }
0xb8: {  	_ =	swait.ge [sflag:s10], $0x4000  }
0xb9: {  	[sflag:s10] =	ssyncset.done $0x0  }
0xba: {  	[sflag:s10] =	ssyncadd.s32 $0xFFFFC000  }
0xbb: {  	[tilespmem:s4], [sflag:$0x3] =	stream.indirect.gather [hbm4b:s3+s8], $0x80, s22, s8, $0xb8;
	[tilespmem:$0x10C00] =	vst v63  }
0xbc: {  	_ =	swait.ge [sflag:s16], $0x4000  }
0xbd: {  	[sflag:s16] =	ssyncset.done $0x0  }
0xbe: {  	s0 =	rddreg [dreg:$0x14];
	[sflag:s16] =	ssyncadd.s32 $0xFFFFC000  }
0xbf: {  	[hbm4b:s0+s2] =	stream.linear.scatter [tilespmem:s12], [sflag:$0x5], $0x4000, $0x38;
	[tilespmem:$0x10C00] =	vst v63  }
0xc0: {  	_ =	swait.ge [sflag:s11], $0x4000  }
0xc1: {  	[sflag:s11] =	ssyncset.done $0x0  }
0xc2: {  	[sflag:s11] =	ssyncadd.s32 $0xFFFFC000  }
0xc3: {  	[tilespmem:s5], [sflag:$0x4] =	stream.indirect.gather [hbm4b:s3+s8], $0x80, s21, s8, $0xb8;
	[tilespmem:$0x10C00] =	vst v63  }
0xc4: {  	_ =	swait.ge [sflag:s13], $0x4000  }
0xc5: {  	[sflag:s13] =	ssyncset.done $0x0  }
0xc6: {  	s0 =	rddreg [dreg:$0x15];
	[sflag:s13] =	ssyncadd.s32 $0xFFFFC000  }
0xc7: {  	[hbm4b:s0+s2] =	stream.linear.scatter [tilespmem:s6], [sflag:$0x6], $0x4000, $0x38;
	[tilespmem:$0x10C00] =	vst v63  }
0xc8: {  	_ =	swait.ge [sflag:s7], $0x4000  }
0xc9: {  	[sflag:s7] =	ssyncset.done $0x0  }
0xca: {  	[sflag:s7] =	ssyncadd.s32 $0xFFFFC000  }
0xcb: {  	[tilespmem:s12], [sflag:$0x1] =	stream.indirect.gather [hbm4b:s3+s8], $0x80, s20, s8, $0xb8;
	[tilespmem:$0x10C00] =	vst v63  }
0xcc: {  	_ =	swait.ge [sflag:s14], $0x4000  }
0xcd: {  	[sflag:s14] =	ssyncset.done $0x0  }
0xce: {  	s0 =	rddreg [dreg:$0x16];
	[sflag:s14] =	ssyncadd.s32 $0xFFFFC000  }
0xcf: {  	[hbm4b:s0+s2] =	stream.linear.scatter [tilespmem:s4], [sflag:$0x7], $0x4000, $0x38;
	[tilespmem:$0x10C00] =	vst v63  }
0xd0: {  	_ =	swait.ge [sflag:s9], $0x4000  }
0xd1: {  	[sflag:s9] =	ssyncset.done $0x0  }
0xd2: {  	[sflag:s9] =	ssyncadd.s32 $0xFFFFC000  }
0xd3: {  	[tilespmem:s6], [sflag:$0x2] =	stream.indirect.gather [hbm4b:s3+s8], $0x80, s19, s8, $0xb8;
	[tilespmem:$0x10C00] =	vst v63  }
0xd4: {  	_ =	swait.ge [sflag:s15], $0x4000  }
0xd5: {  	[sflag:s15] =	ssyncset.done $0x0  }
0xd6: {  	s0 =	rddreg [dreg:$0x17];
	[sflag:s15] =	ssyncadd.s32 $0xFFFFC000  }
0xd7: {  	[hbm4b:s0+s2] =	stream.linear.scatter [tilespmem:s5], [sflag:$0x8], $0x4000, $0x38;
	[tilespmem:$0x10C00] =	vst v63  }
0xd8: {  	_ =	swait.ge [sflag:s10], $0x4000  }
0xd9: {  	[sflag:s10] =	ssyncset.done $0x0  }
0xda: {  	[sflag:s10] =	ssyncadd.s32 $0xFFFFC000  }
0xdb: {  	[tilespmem:s4], [sflag:$0x3] =	stream.indirect.gather [hbm4b:s3+s8], $0x80, s18, s8, $0xb8;
	[tilespmem:$0x10C00] =	vst v63  }
0xdc: {  	_ =	swait.ge [sflag:s16], $0x4000  }
0xdd: {  	[sflag:s16] =	ssyncset.done $0x0  }
0xde: {  	s0 =	rddreg [dreg:$0x18];
	[sflag:s16] =	ssyncadd.s32 $0xFFFFC000  }
0xdf: {  	[hbm4b:s0+s2] =	stream.linear.scatter [tilespmem:s12], [sflag:$0x5], $0x4000, $0x38;
	[tilespmem:$0x10C00] =	vst v63  }
0xe0: {  	_ =	swait.ge [sflag:s11], $0x4000  }
0xe1: {  	[sflag:s11] =	ssyncset.done $0x0  }
0xe2: {  	[sflag:s11] =	ssyncadd.s32 $0xFFFFC000  }
0xe3: {  	[tilespmem:s5], [sflag:$0x4] =	stream.indirect.gather [hbm4b:s3+s8], $0x80, s17, s8, $0xb8;
	[tilespmem:$0x10C00] =	vst v63  }
0xe4: {  	_ =	swait.ge [sflag:s13], $0x4000  }
0xe5: {  	[sflag:s13] =	ssyncset.done $0x0  }
0xe6: {  	s0 =	rddreg [dreg:$0x19];
	[sflag:s13] =	ssyncadd.s32 $0xFFFFC000  }
0xe7: {  	[hbm4b:s0+s2] =	stream.linear.scatter [tilespmem:s6], [sflag:$0x6], $0x4000, $0x38;
	[tilespmem:$0x10C00] =	vst v63  }
0xe8: {  	_ =	swait.ge [sflag:s14], $0x4000  }
0xe9: {  	[sflag:s14] =	ssyncset.done $0x0  }
0xea: {  	s0 =	rddreg [dreg:$0x1a];
	[sflag:s14] =	ssyncadd.s32 $0xFFFFC000  }
0xeb: {  	[hbm4b:s0+s2] =	stream.linear.scatter [tilespmem:s4], [sflag:$0x7], $0x4000, $0x38;
	[tilespmem:$0x10C00] =	vst v63  }
0xec: {  	_ =	swait.ge [sflag:s15], $0x4000  }
0xed: {  	[sflag:s15] =	ssyncset.done $0x0  }
0xee: {  	s0 =	rddreg [dreg:$0x1b];
	[sflag:s15] =	ssyncadd.s32 $0xFFFFC000  }
0xef: {  	[hbm4b:s0+s2] =	stream.linear.scatter [tilespmem:s5], [sflag:$0x8], $0x4000, $0x38;
	[tilespmem:$0x10C00] =	vst v63  }
0xf0: {  	_ =	swait.ge [sflag:s7], $0x4000  }
0xf1: {  	[sflag:s7] =	ssyncset.done $0x0  }
0xf2: {  	[sflag:s7] =	ssyncadd.s32 $0xFFFFC000  }
0xf3: {  	_ =	swait.ge [sflag:s9], $0x4000  }
0xf4: {  	[sflag:s9] =	ssyncset.done $0x0  }
0xf5: {  	p1 =	sne.s32 s1, $0x1;
	[sflag:s9] =	ssyncadd.s32 $0xFFFFC000  }
.Ltmp1:
0xf6: {  	_ =	swait.ge [sflag:s10], $0x4000;
	(pc) =	sbr.rel @!p1 .LBB2_3-.Ltmp1, $4  }
0xf7: {  	[sflag:s10] =	ssyncset.done $0x0  }
0xf8: {  	[sflag:s10] =	ssyncadd.s32 $0xFFFFC000  }
0xf9: {  	s1 =	sadd.s32 $0xFFFFFFFF, s1;
	_ =	swait.ge [sflag:s11], $0x4000  }
0xfa: {  	p0 =	por $0x1, $0x1;
	s0 =	rddreg [dreg:$0x4];
	[sflag:s11] =	ssyncset.done $0x0  }
.LBB2_2:
0xfb: {  	[sflag:s11] =	ssyncadd.s32 $0xFFFFC000  }
0xfc: {  	[tilespmem:s2], [sflag:$0x9] =	stream.linear.gather [hbm4b:s0+s2], $0xC00, $0x38;
	[tilespmem:$0x10C00] =	vst v63  }
0xfd: {  	_ =	swait.ge [sflag:s31], $0xC00  }
0xfe: {  	[sflag:s31] =	ssyncset.done $0x0  }
0xff: {  	[sflag:s31] =	ssyncadd.s32 $0xFFFFF400  }
0x100: {  	[tilespmem:s12], [sflag:$0x1] =	stream.indirect.gather [hbm4b:s3+s8], $0x80, s2, s8, $0xb8;
	[tilespmem:$0x10C00] =	vst v63  }
0x101: {  	_ = 	snop  }
0x102: {  	[tilespmem:s6], [sflag:$0x2] =	stream.indirect.gather [hbm4b:s3+s8], $0x80, s8, s8, $0xb8;
	[tilespmem:$0x10C00] =	vst v63  }
0x103: {  	s0 =	rddreg [dreg:$0x1c]  }
0x104: {  	[tilespmem:s4], [sflag:$0x3] =	stream.indirect.gather [hbm4b:s3+s8], $0x80, s0, s8, $0xb8;
	[tilespmem:$0x10C00] =	vst v63  }
0x105: {  	_ =	swait.ge [sflag:s16], $0x4000  }
0x106: {  	[sflag:s16] =	ssyncset.done $0x0  }
0x107: {  	[sflag:s16] =	ssyncadd.s32 $0xFFFFC000  }
0x108: {  	[hbm4b:s30+s2] =	stream.linear.scatter [tilespmem:s12], [sflag:$0x5], $0x4000, $0x38;
	[tilespmem:$0x10C00] =	vst v63  }
0x109: {  	s0 =	rddreg [dreg:$0x1d]  }
0x10a: {  	[tilespmem:s5], [sflag:$0x4] =	stream.indirect.gather [hbm4b:s3+s8], $0x80, s0, s8, $0xb8;
	[tilespmem:$0x10C00] =	vst v63  }
0x10b: {  	_ =	swait.ge [sflag:s13], $0x4000  }
0x10c: {  	[sflag:s13] =	ssyncset.done $0x0  }
0x10d: {  	s0 =	rddreg [dreg:$0x5];
	[sflag:s13] =	ssyncadd.s32 $0xFFFFC000  }
0x10e: {  	[hbm4b:s0+s2] =	stream.linear.scatter [tilespmem:s6], [sflag:$0x6], $0x4000, $0x38;
	[tilespmem:$0x10C00] =	vst v63  }
0x10f: {  	_ =	swait.ge [sflag:s7], $0x4000  }
0x110: {  	[sflag:s7] =	ssyncset.done $0x0  }
0x111: {  	s0 =	rddreg [dreg:$0x1e];
	[sflag:s7] =	ssyncadd.s32 $0xFFFFC000  }
0x112: {  	[tilespmem:s12], [sflag:$0x1] =	stream.indirect.gather [hbm4b:s3+s8], $0x80, s0, s8, $0xb8;
	[tilespmem:$0x10C00] =	vst v63  }
0x113: {  	_ =	swait.ge [sflag:s14], $0x4000  }
0x114: {  	[sflag:s14] =	ssyncset.done $0x0  }
0x115: {  	s0 =	rddreg [dreg:$0x6];
	[sflag:s14] =	ssyncadd.s32 $0xFFFFC000  }
0x116: {  	[hbm4b:s0+s2] =	stream.linear.scatter [tilespmem:s4], [sflag:$0x7], $0x4000, $0x38;
	[tilespmem:$0x10C00] =	vst v63  }
0x117: {  	_ =	swait.ge [sflag:s9], $0x4000  }
0x118: {  	[sflag:s9] =	ssyncset.done $0x0  }
0x119: {  	s0 =	rddreg [dreg:$0x1f];
	[sflag:s9] =	ssyncadd.s32 $0xFFFFC000  }
0x11a: {  	[tilespmem:s6], [sflag:$0x2] =	stream.indirect.gather [hbm4b:s3+s8], $0x80, s0, s8, $0xb8;
	[tilespmem:$0x10C00] =	vst v63  }
0x11b: {  	_ =	swait.ge [sflag:s15], $0x4000  }
0x11c: {  	[sflag:s15] =	ssyncset.done $0x0  }
0x11d: {  	s0 =	rddreg [dreg:$0x7];
	[sflag:s15] =	ssyncadd.s32 $0xFFFFC000  }
0x11e: {  	[hbm4b:s0+s2] =	stream.linear.scatter [tilespmem:s5], [sflag:$0x8], $0x4000, $0x38;
	[tilespmem:$0x10C00] =	vst v63  }
0x11f: {  	_ =	swait.ge [sflag:s10], $0x4000  }
0x120: {  	s0 =	sld [smem:$0x7F8]  }
0x121: {  	[sflag:s10] =	ssyncset.done $0x0  }
0x122: {  	[sflag:s10] =	ssyncadd.s32 $0xFFFFC000  }
0x123: {  	[tilespmem:s4], [sflag:$0x3] =	stream.indirect.gather [hbm4b:s3+s8], $0x80, s0, s8, $0xb8;
	[tilespmem:$0x10C00] =	vst v63  }
0x124: {  	_ =	swait.ge [sflag:s16], $0x4000  }
0x125: {  	[sflag:s16] =	ssyncset.done $0x0  }
0x126: {  	s0 =	rddreg [dreg:$0x8];
	[sflag:s16] =	ssyncadd.s32 $0xFFFFC000  }
0x127: {  	[hbm4b:s0+s2] =	stream.linear.scatter [tilespmem:s12], [sflag:$0x5], $0x4000, $0x38;
	[tilespmem:$0x10C00] =	vst v63  }
0x128: {  	_ =	swait.ge [sflag:s11], $0x4000  }
0x129: {  	s0 =	sld [smem:$0x7F9]  }
0x12a: {  	[sflag:s11] =	ssyncset.done $0x0  }
0x12b: {  	[sflag:s11] =	ssyncadd.s32 $0xFFFFC000  }
0x12c: {  	[tilespmem:s5], [sflag:$0x4] =	stream.indirect.gather [hbm4b:s3+s8], $0x80, s0, s8, $0xb8;
	[tilespmem:$0x10C00] =	vst v63  }
0x12d: {  	_ =	swait.ge [sflag:s13], $0x4000  }
0x12e: {  	[sflag:s13] =	ssyncset.done $0x0  }
0x12f: {  	s0 =	rddreg [dreg:$0x9];
	[sflag:s13] =	ssyncadd.s32 $0xFFFFC000  }
0x130: {  	[hbm4b:s0+s2] =	stream.linear.scatter [tilespmem:s6], [sflag:$0x6], $0x4000, $0x38;
	[tilespmem:$0x10C00] =	vst v63  }
0x131: {  	_ =	swait.ge [sflag:s7], $0x4000  }
0x132: {  	s0 =	sld [smem:$0x7FA]  }
0x133: {  	[sflag:s7] =	ssyncset.done $0x0  }
0x134: {  	[sflag:s7] =	ssyncadd.s32 $0xFFFFC000  }
0x135: {  	[tilespmem:s12], [sflag:$0x1] =	stream.indirect.gather [hbm4b:s3+s8], $0x80, s0, s8, $0xb8;
	[tilespmem:$0x10C00] =	vst v63  }
0x136: {  	_ =	swait.ge [sflag:s14], $0x4000  }
0x137: {  	[sflag:s14] =	ssyncset.done $0x0  }
0x138: {  	s0 =	rddreg [dreg:$0xa];
	[sflag:s14] =	ssyncadd.s32 $0xFFFFC000  }
0x139: {  	[hbm4b:s0+s2] =	stream.linear.scatter [tilespmem:s4], [sflag:$0x7], $0x4000, $0x38;
	[tilespmem:$0x10C00] =	vst v63  }
0x13a: {  	_ =	swait.ge [sflag:s9], $0x4000  }
0x13b: {  	s0 =	sld [smem:$0x7FB]  }
0x13c: {  	[sflag:s9] =	ssyncset.done $0x0  }
0x13d: {  	[sflag:s9] =	ssyncadd.s32 $0xFFFFC000  }
0x13e: {  	[tilespmem:s6], [sflag:$0x2] =	stream.indirect.gather [hbm4b:s3+s8], $0x80, s0, s8, $0xb8;
	[tilespmem:$0x10C00] =	vst v63  }
0x13f: {  	_ =	swait.ge [sflag:s15], $0x4000  }
0x140: {  	[sflag:s15] =	ssyncset.done $0x0  }
0x141: {  	s0 =	rddreg [dreg:$0xb];
	[sflag:s15] =	ssyncadd.s32 $0xFFFFC000  }
0x142: {  	[hbm4b:s0+s2] =	stream.linear.scatter [tilespmem:s5], [sflag:$0x8], $0x4000, $0x38;
	[tilespmem:$0x10C00] =	vst v63  }
0x143: {  	_ =	swait.ge [sflag:s10], $0x4000  }
0x144: {  	s0 =	sld [smem:$0x7FC]  }
0x145: {  	[sflag:s10] =	ssyncset.done $0x0  }
0x146: {  	[sflag:s10] =	ssyncadd.s32 $0xFFFFC000  }
0x147: {  	[tilespmem:s4], [sflag:$0x3] =	stream.indirect.gather [hbm4b:s3+s8], $0x80, s0, s8, $0xb8;
	[tilespmem:$0x10C00] =	vst v63  }
0x148: {  	_ =	swait.ge [sflag:s16], $0x4000  }
0x149: {  	[sflag:s16] =	ssyncset.done $0x0  }
0x14a: {  	s0 =	rddreg [dreg:$0xc];
	[sflag:s16] =	ssyncadd.s32 $0xFFFFC000  }
0x14b: {  	[hbm4b:s0+s2] =	stream.linear.scatter [tilespmem:s12], [sflag:$0x5], $0x4000, $0x38;
	[tilespmem:$0x10C00] =	vst v63  }
0x14c: {  	_ =	swait.ge [sflag:s11], $0x4000  }
0x14d: {  	s0 =	sld [smem:$0x7FD]  }
0x14e: {  	[sflag:s11] =	ssyncset.done $0x0  }
0x14f: {  	[sflag:s11] =	ssyncadd.s32 $0xFFFFC000  }
0x150: {  	[tilespmem:s5], [sflag:$0x4] =	stream.indirect.gather [hbm4b:s3+s8], $0x80, s0, s8, $0xb8;
	[tilespmem:$0x10C00] =	vst v63  }
0x151: {  	_ =	swait.ge [sflag:s13], $0x4000  }
0x152: {  	[sflag:s13] =	ssyncset.done $0x0  }
0x153: {  	s0 =	rddreg [dreg:$0xd];
	[sflag:s13] =	ssyncadd.s32 $0xFFFFC000  }
0x154: {  	[hbm4b:s0+s2] =	stream.linear.scatter [tilespmem:s6], [sflag:$0x6], $0x4000, $0x38;
	[tilespmem:$0x10C00] =	vst v63  }
0x155: {  	_ =	swait.ge [sflag:s7], $0x4000  }
0x156: {  	[sflag:s7] =	ssyncset.done $0x0  }
0x157: {  	[sflag:s7] =	ssyncadd.s32 $0xFFFFC000  }
0x158: {  	[tilespmem:s12], [sflag:$0x1] =	stream.indirect.gather [hbm4b:s3+s8], $0x80, s29, s8, $0xb8;
	[tilespmem:$0x10C00] =	vst v63  }
0x159: {  	_ =	swait.ge [sflag:s14], $0x4000  }
0x15a: {  	[sflag:s14] =	ssyncset.done $0x0  }
0x15b: {  	s0 =	rddreg [dreg:$0xe];
	[sflag:s14] =	ssyncadd.s32 $0xFFFFC000  }
0x15c: {  	[hbm4b:s0+s2] =	stream.linear.scatter [tilespmem:s4], [sflag:$0x7], $0x4000, $0x38;
	[tilespmem:$0x10C00] =	vst v63  }
0x15d: {  	_ =	swait.ge [sflag:s9], $0x4000  }
0x15e: {  	[sflag:s9] =	ssyncset.done $0x0  }
0x15f: {  	[sflag:s9] =	ssyncadd.s32 $0xFFFFC000  }
0x160: {  	[tilespmem:s6], [sflag:$0x2] =	stream.indirect.gather [hbm4b:s3+s8], $0x80, s28, s8, $0xb8;
	[tilespmem:$0x10C00] =	vst v63  }
0x161: {  	_ =	swait.ge [sflag:s15], $0x4000  }
0x162: {  	[sflag:s15] =	ssyncset.done $0x0  }
0x163: {  	s0 =	rddreg [dreg:$0xf];
	[sflag:s15] =	ssyncadd.s32 $0xFFFFC000  }
0x164: {  	[hbm4b:s0+s2] =	stream.linear.scatter [tilespmem:s5], [sflag:$0x8], $0x4000, $0x38;
	[tilespmem:$0x10C00] =	vst v63  }
0x165: {  	_ =	swait.ge [sflag:s10], $0x4000  }
0x166: {  	[sflag:s10] =	ssyncset.done $0x0  }
0x167: {  	[sflag:s10] =	ssyncadd.s32 $0xFFFFC000  }
0x168: {  	[tilespmem:s4], [sflag:$0x3] =	stream.indirect.gather [hbm4b:s3+s8], $0x80, s26, s8, $0xb8;
	[tilespmem:$0x10C00] =	vst v63  }
0x169: {  	_ =	swait.ge [sflag:s16], $0x4000  }
0x16a: {  	[sflag:s16] =	ssyncset.done $0x0  }
0x16b: {  	s0 =	rddreg [dreg:$0x10];
	[sflag:s16] =	ssyncadd.s32 $0xFFFFC000  }
0x16c: {  	[hbm4b:s0+s2] =	stream.linear.scatter [tilespmem:s12], [sflag:$0x5], $0x4000, $0x38;
	[tilespmem:$0x10C00] =	vst v63  }
0x16d: {  	_ =	swait.ge [sflag:s11], $0x4000  }
0x16e: {  	[sflag:s11] =	ssyncset.done $0x0  }
0x16f: {  	[sflag:s11] =	ssyncadd.s32 $0xFFFFC000  }
0x170: {  	[tilespmem:s5], [sflag:$0x4] =	stream.indirect.gather [hbm4b:s3+s8], $0x80, s25, s8, $0xb8;
	[tilespmem:$0x10C00] =	vst v63  }
0x171: {  	_ =	swait.ge [sflag:s13], $0x4000  }
0x172: {  	[sflag:s13] =	ssyncset.done $0x0  }
0x173: {  	s0 =	rddreg [dreg:$0x11];
	[sflag:s13] =	ssyncadd.s32 $0xFFFFC000  }
0x174: {  	[hbm4b:s0+s2] =	stream.linear.scatter [tilespmem:s6], [sflag:$0x6], $0x4000, $0x38;
	[tilespmem:$0x10C00] =	vst v63  }
0x175: {  	_ =	swait.ge [sflag:s7], $0x4000  }
0x176: {  	[sflag:s7] =	ssyncset.done $0x0  }
0x177: {  	[sflag:s7] =	ssyncadd.s32 $0xFFFFC000  }
0x178: {  	[tilespmem:s12], [sflag:$0x1] =	stream.indirect.gather [hbm4b:s3+s8], $0x80, s24, s8, $0xb8;
	[tilespmem:$0x10C00] =	vst v63  }
0x179: {  	_ =	swait.ge [sflag:s14], $0x4000  }
0x17a: {  	[sflag:s14] =	ssyncset.done $0x0  }
0x17b: {  	s0 =	rddreg [dreg:$0x12];
	[sflag:s14] =	ssyncadd.s32 $0xFFFFC000  }
0x17c: {  	[hbm4b:s0+s2] =	stream.linear.scatter [tilespmem:s4], [sflag:$0x7], $0x4000, $0x38;
	[tilespmem:$0x10C00] =	vst v63  }
0x17d: {  	_ =	swait.ge [sflag:s9], $0x4000  }
0x17e: {  	[sflag:s9] =	ssyncset.done $0x0  }
0x17f: {  	[sflag:s9] =	ssyncadd.s32 $0xFFFFC000  }
0x180: {  	[tilespmem:s6], [sflag:$0x2] =	stream.indirect.gather [hbm4b:s3+s8], $0x80, s23, s8, $0xb8;
	[tilespmem:$0x10C00] =	vst v63  }
0x181: {  	_ =	swait.ge [sflag:s15], $0x4000  }
0x182: {  	[sflag:s15] =	ssyncset.done $0x0  }
0x183: {  	s0 =	rddreg [dreg:$0x13];
	[sflag:s15] =	ssyncadd.s32 $0xFFFFC000  }
0x184: {  	[hbm4b:s0+s2] =	stream.linear.scatter [tilespmem:s5], [sflag:$0x8], $0x4000, $0x38;
	[tilespmem:$0x10C00] =	vst v63  }
0x185: {  	_ =	swait.ge [sflag:s10], $0x4000  }
0x186: {  	[sflag:s10] =	ssyncset.done $0x0  }
0x187: {  	[sflag:s10] =	ssyncadd.s32 $0xFFFFC000  }
0x188: {  	[tilespmem:s4], [sflag:$0x3] =	stream.indirect.gather [hbm4b:s3+s8], $0x80, s22, s8, $0xb8;
	[tilespmem:$0x10C00] =	vst v63  }
0x189: {  	_ =	swait.ge [sflag:s16], $0x4000  }
0x18a: {  	[sflag:s16] =	ssyncset.done $0x0  }
0x18b: {  	s0 =	rddreg [dreg:$0x14];
	[sflag:s16] =	ssyncadd.s32 $0xFFFFC000  }
0x18c: {  	[hbm4b:s0+s2] =	stream.linear.scatter [tilespmem:s12], [sflag:$0x5], $0x4000, $0x38;
	[tilespmem:$0x10C00] =	vst v63  }
0x18d: {  	_ =	swait.ge [sflag:s11], $0x4000  }
0x18e: {  	[sflag:s11] =	ssyncset.done $0x0  }
0x18f: {  	[sflag:s11] =	ssyncadd.s32 $0xFFFFC000  }
0x190: {  	[tilespmem:s5], [sflag:$0x4] =	stream.indirect.gather [hbm4b:s3+s8], $0x80, s21, s8, $0xb8;
	[tilespmem:$0x10C00] =	vst v63  }
0x191: {  	_ =	swait.ge [sflag:s13], $0x4000  }
0x192: {  	[sflag:s13] =	ssyncset.done $0x0  }
0x193: {  	s0 =	rddreg [dreg:$0x15];
	[sflag:s13] =	ssyncadd.s32 $0xFFFFC000  }
0x194: {  	[hbm4b:s0+s2] =	stream.linear.scatter [tilespmem:s6], [sflag:$0x6], $0x4000, $0x38;
	[tilespmem:$0x10C00] =	vst v63  }
0x195: {  	_ =	swait.ge [sflag:s7], $0x4000  }
0x196: {  	[sflag:s7] =	ssyncset.done $0x0  }
0x197: {  	[sflag:s7] =	ssyncadd.s32 $0xFFFFC000  }
0x198: {  	[tilespmem:s12], [sflag:$0x1] =	stream.indirect.gather [hbm4b:s3+s8], $0x80, s20, s8, $0xb8;
	[tilespmem:$0x10C00] =	vst v63  }
0x199: {  	_ =	swait.ge [sflag:s14], $0x4000  }
0x19a: {  	[sflag:s14] =	ssyncset.done $0x0  }
0x19b: {  	s0 =	rddreg [dreg:$0x16];
	[sflag:s14] =	ssyncadd.s32 $0xFFFFC000  }
0x19c: {  	[hbm4b:s0+s2] =	stream.linear.scatter [tilespmem:s4], [sflag:$0x7], $0x4000, $0x38;
	[tilespmem:$0x10C00] =	vst v63  }
0x19d: {  	_ =	swait.ge [sflag:s9], $0x4000  }
0x19e: {  	[sflag:s9] =	ssyncset.done $0x0  }
0x19f: {  	[sflag:s9] =	ssyncadd.s32 $0xFFFFC000  }
0x1a0: {  	[tilespmem:s6], [sflag:$0x2] =	stream.indirect.gather [hbm4b:s3+s8], $0x80, s19, s8, $0xb8;
	[tilespmem:$0x10C00] =	vst v63  }
0x1a1: {  	_ =	swait.ge [sflag:s15], $0x4000  }
0x1a2: {  	[sflag:s15] =	ssyncset.done $0x0  }
0x1a3: {  	s0 =	rddreg [dreg:$0x17];
	[sflag:s15] =	ssyncadd.s32 $0xFFFFC000  }
0x1a4: {  	[hbm4b:s0+s2] =	stream.linear.scatter [tilespmem:s5], [sflag:$0x8], $0x4000, $0x38;
	[tilespmem:$0x10C00] =	vst v63  }
0x1a5: {  	_ =	swait.ge [sflag:s10], $0x4000  }
0x1a6: {  	[sflag:s10] =	ssyncset.done $0x0  }
0x1a7: {  	[sflag:s10] =	ssyncadd.s32 $0xFFFFC000  }
0x1a8: {  	[tilespmem:s4], [sflag:$0x3] =	stream.indirect.gather [hbm4b:s3+s8], $0x80, s18, s8, $0xb8;
	[tilespmem:$0x10C00] =	vst v63  }
0x1a9: {  	_ =	swait.ge [sflag:s16], $0x4000  }
0x1aa: {  	[sflag:s16] =	ssyncset.done $0x0  }
0x1ab: {  	s0 =	rddreg [dreg:$0x18];
	[sflag:s16] =	ssyncadd.s32 $0xFFFFC000  }
0x1ac: {  	[hbm4b:s0+s2] =	stream.linear.scatter [tilespmem:s12], [sflag:$0x5], $0x4000, $0x38;
	[tilespmem:$0x10C00] =	vst v63  }
0x1ad: {  	_ =	swait.ge [sflag:s11], $0x4000  }
0x1ae: {  	[sflag:s11] =	ssyncset.done $0x0  }
0x1af: {  	[sflag:s11] =	ssyncadd.s32 $0xFFFFC000  }
0x1b0: {  	[tilespmem:s5], [sflag:$0x4] =	stream.indirect.gather [hbm4b:s3+s8], $0x80, s17, s8, $0xb8;
	[tilespmem:$0x10C00] =	vst v63  }
0x1b1: {  	_ =	swait.ge [sflag:s13], $0x4000  }
0x1b2: {  	[sflag:s13] =	ssyncset.done $0x0  }
0x1b3: {  	s0 =	rddreg [dreg:$0x19];
	[sflag:s13] =	ssyncadd.s32 $0xFFFFC000  }
0x1b4: {  	[hbm4b:s0+s2] =	stream.linear.scatter [tilespmem:s6], [sflag:$0x6], $0x4000, $0x38;
	[tilespmem:$0x10C00] =	vst v63  }
0x1b5: {  	_ =	swait.ge [sflag:s14], $0x4000  }
0x1b6: {  	[sflag:s14] =	ssyncset.done $0x0  }
0x1b7: {  	s0 =	rddreg [dreg:$0x1a];
	[sflag:s14] =	ssyncadd.s32 $0xFFFFC000  }
0x1b8: {  	[hbm4b:s0+s2] =	stream.linear.scatter [tilespmem:s4], [sflag:$0x7], $0x4000, $0x38;
	[tilespmem:$0x10C00] =	vst v63  }
0x1b9: {  	_ =	swait.ge [sflag:s15], $0x4000  }
0x1ba: {  	[sflag:s15] =	ssyncset.done $0x0  }
0x1bb: {  	s0 =	rddreg [dreg:$0x1b];
	[sflag:s15] =	ssyncadd.s32 $0xFFFFC000  }
0x1bc: {  	[hbm4b:s0+s2] =	stream.linear.scatter [tilespmem:s5], [sflag:$0x8], $0x4000, $0x38;
	[tilespmem:$0x10C00] =	vst v63  }
0x1bd: {  	_ =	swait.ge [sflag:s7], $0x4000  }
0x1be: {  	[sflag:s7] =	ssyncset.done $0x0  }
0x1bf: {  	[sflag:s7] =	ssyncadd.s32 $0xFFFFC000  }
0x1c0: {  	_ =	swait.ge [sflag:s9], $0x4000  }
0x1c1: {  	[sflag:s9] =	ssyncset.done $0x0  }
0x1c2: {  	p1 =	sne.s32 s1, $0x1;
	[sflag:s9] =	ssyncadd.s32 $0xFFFFC000  }
.Ltmp2:
0x1c3: {  	_ =	swait.ge [sflag:s10], $0x4000;
	(pc) =	sbr.rel @p1 .LBB2_2-.Ltmp2, $4  }
0x1c4: {  	[sflag:s10] =	ssyncset.done $0x0  }
0x1c5: {  	[sflag:s10] =	ssyncadd.s32 $0xFFFFC000  }
0x1c6: {  	_ =	swait.ge [sflag:s11], $0x4000  }
0x1c7: {  	s1 =	sadd.s32 $0xFFFFFFFF, s1;
	s0 =	rddreg [dreg:$0x4];
	[sflag:s11] =	ssyncset.done $0x0  }
.LBB2_3:
0x1c8: {  	[sflag:s11] =	ssyncadd.s32 @p0 $0xFFFFC000  }
0x1c9: {  	[tilespmem:s2], [sflag:$0x9] =	stream.linear.gather [hbm4b:s0+s2], $0xC00, $0x38;
	[tilespmem:$0x10C00] =	vst v63  }
0x1ca: {  	_ =	swait.ge [sflag:s31], $0xC00  }
0x1cb: {  	[sflag:s31] =	ssyncset.done $0x0  }
0x1cc: {  	[sflag:s31] =	ssyncadd.s32 $0xFFFFF400  }
0x1cd: {  	[tilespmem:s12], [sflag:$0x1] =	stream.indirect.gather [hbm4b:s3+s8], $0x80, s2, s8, $0xb8;
	[tilespmem:$0x10C00] =	vst v63  }
0x1ce: {  	_ = 	snop  }
0x1cf: {  	[tilespmem:s6], [sflag:$0x2] =	stream.indirect.gather [hbm4b:s3+s8], $0x80, s8, s8, $0xb8;
	[tilespmem:$0x10C00] =	vst v63  }
0x1d0: {  	s31 =	rddreg [dreg:$0x1c]  }
0x1d1: {  	[tilespmem:s4], [sflag:$0x3] =	stream.indirect.gather [hbm4b:s3+s8], $0x80, s31, s8, $0xb8;
	[tilespmem:$0x10C00] =	vst v63  }
0x1d2: {  	_ =	swait.ge [sflag:s16], $0x4000  }
0x1d3: {  	[sflag:s16] =	ssyncset.done $0x0  }
0x1d4: {  	[sflag:s16] =	ssyncadd.s32 $0xFFFFC000  }
0x1d5: {  	[hbm4b:s30+s2] =	stream.linear.scatter [tilespmem:s12], [sflag:$0x5], $0x4000, $0x38;
	[tilespmem:$0x10C00] =	vst v63  }
0x1d6: {  	s1 =	rddreg [dreg:$0x1d]  }
0x1d7: {  	[tilespmem:s5], [sflag:$0x4] =	stream.indirect.gather [hbm4b:s3+s8], $0x80, s1, s8, $0xb8;
	[tilespmem:$0x10C00] =	vst v63  }
0x1d8: {  	_ =	swait.ge [sflag:s13], $0x4000  }
0x1d9: {  	[sflag:s13] =	ssyncset.done $0x0  }
0x1da: {  	s30 =	rddreg [dreg:$0x5];
	[sflag:s13] =	ssyncadd.s32 $0xFFFFC000  }
0x1db: {  	[hbm4b:s30+s2] =	stream.linear.scatter [tilespmem:s6], [sflag:$0x6], $0x4000, $0x38;
	[tilespmem:$0x10C00] =	vst v63  }
0x1dc: {  	_ =	swait.ge [sflag:s7], $0x4000  }
0x1dd: {  	[sflag:s7] =	ssyncset.done $0x0  }
0x1de: {  	s31 =	rddreg [dreg:$0x1e];
	[sflag:s7] =	ssyncadd.s32 $0xFFFFC000  }
0x1df: {  	[tilespmem:s12], [sflag:$0x1] =	stream.indirect.gather [hbm4b:s3+s8], $0x80, s31, s8, $0xb8;
	[tilespmem:$0x10C00] =	vst v63  }
0x1e0: {  	_ =	swait.ge [sflag:s14], $0x4000  }
0x1e1: {  	[sflag:s14] =	ssyncset.done $0x0  }
0x1e2: {  	s1 =	rddreg [dreg:$0x6];
	[sflag:s14] =	ssyncadd.s32 $0xFFFFC000  }
0x1e3: {  	[hbm4b:s1+s2] =	stream.linear.scatter [tilespmem:s4], [sflag:$0x7], $0x4000, $0x38;
	[tilespmem:$0x10C00] =	vst v63  }
0x1e4: {  	_ =	swait.ge [sflag:s9], $0x4000  }
0x1e5: {  	[sflag:s9] =	ssyncset.done $0x0  }
0x1e6: {  	s30 =	rddreg [dreg:$0x1f];
	[sflag:s9] =	ssyncadd.s32 $0xFFFFC000  }
0x1e7: {  	[tilespmem:s6], [sflag:$0x2] =	stream.indirect.gather [hbm4b:s3+s8], $0x80, s30, s8, $0xb8;
	[tilespmem:$0x10C00] =	vst v63  }
0x1e8: {  	_ =	swait.ge [sflag:s15], $0x4000  }
0x1e9: {  	[sflag:s15] =	ssyncset.done $0x0  }
0x1ea: {  	s31 =	rddreg [dreg:$0x7];
	[sflag:s15] =	ssyncadd.s32 $0xFFFFC000  }
0x1eb: {  	[hbm4b:s31+s2] =	stream.linear.scatter [tilespmem:s5], [sflag:$0x8], $0x4000, $0x38;
	[tilespmem:$0x10C00] =	vst v63  }
0x1ec: {  	_ =	swait.ge [sflag:s10], $0x4000  }
0x1ed: {  	s1 =	sld [smem:$0x7F8]  }
0x1ee: {  	[sflag:s10] =	ssyncset.done $0x0  }
0x1ef: {  	[sflag:s10] =	ssyncadd.s32 $0xFFFFC000  }
0x1f0: {  	[tilespmem:s4], [sflag:$0x3] =	stream.indirect.gather [hbm4b:s3+s8], $0x80, s1, s8, $0xb8;
	[tilespmem:$0x10C00] =	vst v63  }
0x1f1: {  	_ =	swait.ge [sflag:s16], $0x4000  }
0x1f2: {  	[sflag:s16] =	ssyncset.done $0x0  }
0x1f3: {  	s30 =	rddreg [dreg:$0x8];
	[sflag:s16] =	ssyncadd.s32 $0xFFFFC000  }
0x1f4: {  	[hbm4b:s30+s2] =	stream.linear.scatter [tilespmem:s12], [sflag:$0x5], $0x4000, $0x38;
	[tilespmem:$0x10C00] =	vst v63  }
0x1f5: {  	_ =	swait.ge [sflag:s11], $0x4000  }
0x1f6: {  	s31 =	sld [smem:$0x7F9]  }
0x1f7: {  	[sflag:s11] =	ssyncset.done $0x0  }
0x1f8: {  	[sflag:s11] =	ssyncadd.s32 $0xFFFFC000  }
0x1f9: {  	[tilespmem:s5], [sflag:$0x4] =	stream.indirect.gather [hbm4b:s3+s8], $0x80, s31, s8, $0xb8;
	[tilespmem:$0x10C00] =	vst v63  }
0x1fa: {  	_ =	swait.ge [sflag:s13], $0x4000  }
0x1fb: {  	[sflag:s13] =	ssyncset.done $0x0  }
0x1fc: {  	s1 =	rddreg [dreg:$0x9];
	[sflag:s13] =	ssyncadd.s32 $0xFFFFC000  }
0x1fd: {  	[hbm4b:s1+s2] =	stream.linear.scatter [tilespmem:s6], [sflag:$0x6], $0x4000, $0x38;
	[tilespmem:$0x10C00] =	vst v63  }
0x1fe: {  	_ =	swait.ge [sflag:s7], $0x4000  }
0x1ff: {  	s30 =	sld [smem:$0x7FA]  }
0x200: {  	[sflag:s7] =	ssyncset.done $0x0  }
0x201: {  	[sflag:s7] =	ssyncadd.s32 $0xFFFFC000  }
0x202: {  	[tilespmem:s12], [sflag:$0x1] =	stream.indirect.gather [hbm4b:s3+s8], $0x80, s30, s8, $0xb8;
	[tilespmem:$0x10C00] =	vst v63  }
0x203: {  	_ =	swait.ge [sflag:s14], $0x4000  }
0x204: {  	[sflag:s14] =	ssyncset.done $0x0  }
0x205: {  	s31 =	rddreg [dreg:$0xa];
	[sflag:s14] =	ssyncadd.s32 $0xFFFFC000  }
0x206: {  	[hbm4b:s31+s2] =	stream.linear.scatter [tilespmem:s4], [sflag:$0x7], $0x4000, $0x38;
	[tilespmem:$0x10C00] =	vst v63  }
0x207: {  	_ =	swait.ge [sflag:s9], $0x4000  }
0x208: {  	s1 =	sld [smem:$0x7FB]  }
0x209: {  	[sflag:s9] =	ssyncset.done $0x0  }
0x20a: {  	[sflag:s9] =	ssyncadd.s32 $0xFFFFC000  }
0x20b: {  	[tilespmem:s6], [sflag:$0x2] =	stream.indirect.gather [hbm4b:s3+s8], $0x80, s1, s8, $0xb8;
	[tilespmem:$0x10C00] =	vst v63  }
0x20c: {  	_ =	swait.ge [sflag:s15], $0x4000  }
0x20d: {  	[sflag:s15] =	ssyncset.done $0x0  }
0x20e: {  	s30 =	rddreg [dreg:$0xb];
	[sflag:s15] =	ssyncadd.s32 $0xFFFFC000  }
0x20f: {  	[hbm4b:s30+s2] =	stream.linear.scatter [tilespmem:s5], [sflag:$0x8], $0x4000, $0x38;
	[tilespmem:$0x10C00] =	vst v63  }
0x210: {  	_ =	swait.ge [sflag:s10], $0x4000  }
0x211: {  	s31 =	sld [smem:$0x7FC]  }
0x212: {  	[sflag:s10] =	ssyncset.done $0x0  }
0x213: {  	[sflag:s10] =	ssyncadd.s32 $0xFFFFC000  }
0x214: {  	[tilespmem:s4], [sflag:$0x3] =	stream.indirect.gather [hbm4b:s3+s8], $0x80, s31, s8, $0xb8;
	[tilespmem:$0x10C00] =	vst v63  }
0x215: {  	_ =	swait.ge [sflag:s16], $0x4000  }
0x216: {  	[sflag:s16] =	ssyncset.done $0x0  }
0x217: {  	s1 =	rddreg [dreg:$0xc];
	[sflag:s16] =	ssyncadd.s32 $0xFFFFC000  }
0x218: {  	[hbm4b:s1+s2] =	stream.linear.scatter [tilespmem:s12], [sflag:$0x5], $0x4000, $0x38;
	[tilespmem:$0x10C00] =	vst v63  }
0x219: {  	_ =	swait.ge [sflag:s11], $0x4000  }
0x21a: {  	s30 =	sld [smem:$0x7FD]  }
0x21b: {  	[sflag:s11] =	ssyncset.done $0x0  }
0x21c: {  	[sflag:s11] =	ssyncadd.s32 $0xFFFFC000  }
0x21d: {  	[tilespmem:s5], [sflag:$0x4] =	stream.indirect.gather [hbm4b:s3+s8], $0x80, s30, s8, $0xb8;
	[tilespmem:$0x10C00] =	vst v63  }
0x21e: {  	_ =	swait.ge [sflag:s13], $0x4000  }
0x21f: {  	[sflag:s13] =	ssyncset.done $0x0  }
0x220: {  	s31 =	rddreg [dreg:$0xd];
	[sflag:s13] =	ssyncadd.s32 $0xFFFFC000  }
0x221: {  	[hbm4b:s31+s2] =	stream.linear.scatter [tilespmem:s6], [sflag:$0x6], $0x4000, $0x38;
	[tilespmem:$0x10C00] =	vst v63  }
0x222: {  	_ =	swait.ge [sflag:s7], $0x4000  }
0x223: {  	[sflag:s7] =	ssyncset.done $0x0  }
0x224: {  	[sflag:s7] =	ssyncadd.s32 $0xFFFFC000  }
0x225: {  	[tilespmem:s12], [sflag:$0x1] =	stream.indirect.gather [hbm4b:s3+s8], $0x80, s29, s8, $0xb8;
	[tilespmem:$0x10C00] =	vst v63  }
0x226: {  	_ =	swait.ge [sflag:s14], $0x4000  }
0x227: {  	[sflag:s14] =	ssyncset.done $0x0  }
0x228: {  	s1 =	rddreg [dreg:$0xe];
	[sflag:s14] =	ssyncadd.s32 $0xFFFFC000  }
0x229: {  	[hbm4b:s1+s2] =	stream.linear.scatter [tilespmem:s4], [sflag:$0x7], $0x4000, $0x38;
	[tilespmem:$0x10C00] =	vst v63  }
0x22a: {  	_ =	swait.ge [sflag:s9], $0x4000  }
0x22b: {  	[sflag:s9] =	ssyncset.done $0x0  }
0x22c: {  	[sflag:s9] =	ssyncadd.s32 $0xFFFFC000  }
0x22d: {  	[tilespmem:s6], [sflag:$0x2] =	stream.indirect.gather [hbm4b:s3+s8], $0x80, s28, s8, $0xb8;
	[tilespmem:$0x10C00] =	vst v63  }
0x22e: {  	_ =	swait.ge [sflag:s15], $0x4000  }
0x22f: {  	[sflag:s15] =	ssyncset.done $0x0  }
0x230: {  	s28 =	rddreg [dreg:$0xf];
	[sflag:s15] =	ssyncadd.s32 $0xFFFFC000  }
0x231: {  	[hbm4b:s28+s2] =	stream.linear.scatter [tilespmem:s5], [sflag:$0x8], $0x4000, $0x38;
	[tilespmem:$0x10C00] =	vst v63  }
0x232: {  	_ =	swait.ge [sflag:s10], $0x4000  }
0x233: {  	[sflag:s10] =	ssyncset.done $0x0  }
0x234: {  	[sflag:s10] =	ssyncadd.s32 $0xFFFFC000  }
0x235: {  	[tilespmem:s4], [sflag:$0x3] =	stream.indirect.gather [hbm4b:s3+s8], $0x80, s26, s8, $0xb8;
	[tilespmem:$0x10C00] =	vst v63  }
0x236: {  	_ =	swait.ge [sflag:s16], $0x4000  }
0x237: {  	[sflag:s16] =	ssyncset.done $0x0  }
0x238: {  	s29 =	rddreg [dreg:$0x10];
	[sflag:s16] =	ssyncadd.s32 $0xFFFFC000  }
0x239: {  	[hbm4b:s29+s2] =	stream.linear.scatter [tilespmem:s12], [sflag:$0x5], $0x4000, $0x38;
	[tilespmem:$0x10C00] =	vst v63  }
0x23a: {  	_ =	swait.ge [sflag:s11], $0x4000  }
0x23b: {  	[sflag:s11] =	ssyncset.done $0x0  }
0x23c: {  	[sflag:s11] =	ssyncadd.s32 $0xFFFFC000  }
0x23d: {  	[tilespmem:s5], [sflag:$0x4] =	stream.indirect.gather [hbm4b:s3+s8], $0x80, s25, s8, $0xb8;
	[tilespmem:$0x10C00] =	vst v63  }
0x23e: {  	_ =	swait.ge [sflag:s13], $0x4000  }
0x23f: {  	[sflag:s13] =	ssyncset.done $0x0  }
0x240: {  	s30 =	rddreg [dreg:$0x11];
	[sflag:s13] =	ssyncadd.s32 $0xFFFFC000  }
0x241: {  	[hbm4b:s30+s2] =	stream.linear.scatter [tilespmem:s6], [sflag:$0x6], $0x4000, $0x38;
	[tilespmem:$0x10C00] =	vst v63  }
0x242: {  	_ =	swait.ge [sflag:s7], $0x4000  }
0x243: {  	[sflag:s7] =	ssyncset.done $0x0  }
0x244: {  	[sflag:s7] =	ssyncadd.s32 $0xFFFFC000  }
0x245: {  	[tilespmem:s12], [sflag:$0x1] =	stream.indirect.gather [hbm4b:s3+s8], $0x80, s24, s8, $0xb8;
	[tilespmem:$0x10C00] =	vst v63  }
0x246: {  	_ =	swait.ge [sflag:s14], $0x4000  }
0x247: {  	[sflag:s14] =	ssyncset.done $0x0  }
0x248: {  	s31 =	rddreg [dreg:$0x12];
	[sflag:s14] =	ssyncadd.s32 $0xFFFFC000  }
0x249: {  	[hbm4b:s31+s2] =	stream.linear.scatter [tilespmem:s4], [sflag:$0x7], $0x4000, $0x38;
	[tilespmem:$0x10C00] =	vst v63  }
0x24a: {  	_ =	swait.ge [sflag:s9], $0x4000  }
0x24b: {  	[sflag:s9] =	ssyncset.done $0x0  }
0x24c: {  	[sflag:s9] =	ssyncadd.s32 $0xFFFFC000  }
0x24d: {  	[tilespmem:s6], [sflag:$0x2] =	stream.indirect.gather [hbm4b:s3+s8], $0x80, s23, s8, $0xb8;
	[tilespmem:$0x10C00] =	vst v63  }
0x24e: {  	_ =	swait.ge [sflag:s15], $0x4000  }
0x24f: {  	[sflag:s15] =	ssyncset.done $0x0  }
0x250: {  	s1 =	rddreg [dreg:$0x13];
	[sflag:s15] =	ssyncadd.s32 $0xFFFFC000  }
0x251: {  	[hbm4b:s1+s2] =	stream.linear.scatter [tilespmem:s5], [sflag:$0x8], $0x4000, $0x38;
	[tilespmem:$0x10C00] =	vst v63  }
0x252: {  	_ =	swait.ge [sflag:s10], $0x4000  }
0x253: {  	[sflag:s10] =	ssyncset.done $0x0  }
0x254: {  	[sflag:s10] =	ssyncadd.s32 $0xFFFFC000  }
0x255: {  	[tilespmem:s4], [sflag:$0x3] =	stream.indirect.gather [hbm4b:s3+s8], $0x80, s22, s8, $0xb8;
	[tilespmem:$0x10C00] =	vst v63  }
0x256: {  	_ =	swait.ge [sflag:s16], $0x4000  }
0x257: {  	[sflag:s16] =	ssyncset.done $0x0  }
0x258: {  	s22 =	rddreg [dreg:$0x14];
	[sflag:s16] =	ssyncadd.s32 $0xFFFFC000  }
0x259: {  	[hbm4b:s22+s2] =	stream.linear.scatter [tilespmem:s12], [sflag:$0x5], $0x4000, $0x38;
	[tilespmem:$0x10C00] =	vst v63  }
0x25a: {  	_ =	swait.ge [sflag:s11], $0x4000  }
0x25b: {  	[sflag:s11] =	ssyncset.done $0x0  }
0x25c: {  	[sflag:s11] =	ssyncadd.s32 $0xFFFFC000  }
0x25d: {  	[tilespmem:s5], [sflag:$0x4] =	stream.indirect.gather [hbm4b:s3+s8], $0x80, s21, s8, $0xb8;
	[tilespmem:$0x10C00] =	vst v63  }
0x25e: {  	_ =	swait.ge [sflag:s13], $0x4000  }
0x25f: {  	[sflag:s13] =	ssyncset.done $0x0  }
0x260: {  	s23 =	rddreg [dreg:$0x15];
	[sflag:s13] =	ssyncadd.s32 $0xFFFFC000  }
0x261: {  	[hbm4b:s23+s2] =	stream.linear.scatter [tilespmem:s6], [sflag:$0x6], $0x4000, $0x38;
	[tilespmem:$0x10C00] =	vst v63  }
0x262: {  	_ =	swait.ge [sflag:s7], $0x4000  }
0x263: {  	[sflag:s7] =	ssyncset.done $0x0  }
0x264: {  	[sflag:s7] =	ssyncadd.s32 $0xFFFFC000  }
0x265: {  	[tilespmem:s12], [sflag:$0x1] =	stream.indirect.gather [hbm4b:s3+s8], $0x80, s20, s8, $0xb8;
	[tilespmem:$0x10C00] =	vst v63  }
0x266: {  	_ =	swait.ge [sflag:s14], $0x4000  }
0x267: {  	[sflag:s14] =	ssyncset.done $0x0  }
0x268: {  	s24 =	rddreg [dreg:$0x16];
	[sflag:s14] =	ssyncadd.s32 $0xFFFFC000  }
0x269: {  	[hbm4b:s24+s2] =	stream.linear.scatter [tilespmem:s4], [sflag:$0x7], $0x4000, $0x38;
	[tilespmem:$0x10C00] =	vst v63  }
0x26a: {  	_ =	swait.ge [sflag:s9], $0x4000  }
0x26b: {  	[sflag:s9] =	ssyncset.done $0x0  }
0x26c: {  	[sflag:s9] =	ssyncadd.s32 $0xFFFFC000  }
0x26d: {  	[tilespmem:s6], [sflag:$0x2] =	stream.indirect.gather [hbm4b:s3+s8], $0x80, s19, s8, $0xb8;
	[tilespmem:$0x10C00] =	vst v63  }
0x26e: {  	_ =	swait.ge [sflag:s15], $0x4000  }
0x26f: {  	[sflag:s15] =	ssyncset.done $0x0  }
0x270: {  	s25 =	rddreg [dreg:$0x17];
	[sflag:s15] =	ssyncadd.s32 $0xFFFFC000  }
0x271: {  	[hbm4b:s25+s2] =	stream.linear.scatter [tilespmem:s5], [sflag:$0x8], $0x4000, $0x38;
	[tilespmem:$0x10C00] =	vst v63  }
0x272: {  	_ =	swait.ge [sflag:s10], $0x4000  }
0x273: {  	[sflag:s10] =	ssyncset.done $0x0  }
0x274: {  	[sflag:s10] =	ssyncadd.s32 $0xFFFFC000  }
0x275: {  	[tilespmem:s4], [sflag:$0x3] =	stream.indirect.gather [hbm4b:s3+s8], $0x80, s18, s8, $0xb8;
	[tilespmem:$0x10C00] =	vst v63  }
0x276: {  	_ =	swait.ge [sflag:s16], $0x4000  }
0x277: {  	[sflag:s16] =	ssyncset.done $0x0  }
0x278: {  	s26 =	rddreg [dreg:$0x18];
	[sflag:s16] =	ssyncadd.s32 $0xFFFFC000  }
0x279: {  	[hbm4b:s26+s2] =	stream.linear.scatter [tilespmem:s12], [sflag:$0x5], $0x4000, $0x38;
	[tilespmem:$0x10C00] =	vst v63  }
0x27a: {  	_ =	swait.ge [sflag:s11], $0x4000  }
0x27b: {  	[sflag:s11] =	ssyncset.done $0x0  }
0x27c: {  	[sflag:s11] =	ssyncadd.s32 $0xFFFFC000  }
0x27d: {  	[tilespmem:s5], [sflag:$0x4] =	stream.indirect.gather [hbm4b:s3+s8], $0x80, s17, s8, $0xb8;
	[tilespmem:$0x10C00] =	vst v63  }
0x27e: {  	_ =	swait.ge [sflag:s13], $0x4000  }
0x27f: {  	[sflag:s13] =	ssyncset.done $0x0  }
0x280: {  	s28 =	rddreg [dreg:$0x19];
	[sflag:s13] =	ssyncadd.s32 $0xFFFFC000  }
0x281: {  	[hbm4b:s28+s2] =	stream.linear.scatter [tilespmem:s6], [sflag:$0x6], $0x4000, $0x38;
	[tilespmem:$0x10C00] =	vst v63  }
0x282: {  	_ =	swait.ge [sflag:s14], $0x4000  }
0x283: {  	[sflag:s14] =	ssyncset.done $0x0  }
0x284: {  	s29 =	rddreg [dreg:$0x1a];
	[sflag:s14] =	ssyncadd.s32 $0xFFFFC000  }
0x285: {  	[hbm4b:s29+s2] =	stream.linear.scatter [tilespmem:s4], [sflag:$0x7], $0x4000, $0x38;
	[tilespmem:$0x10C00] =	vst v63  }
0x286: {  	_ =	swait.ge [sflag:s15], $0x4000  }
0x287: {  	[sflag:s15] =	ssyncset.done $0x0  }
0x288: {  	s30 =	rddreg [dreg:$0x1b];
	[sflag:s15] =	ssyncadd.s32 $0xFFFFC000  }
0x289: {  	[hbm4b:s30+s2] =	stream.linear.scatter [tilespmem:s5], [sflag:$0x8], $0x4000, $0x38;
	[tilespmem:$0x10C00] =	vst v63  }
0x28a: {  	_ =	swait.ge [sflag:s7], $0x4000  }
0x28b: {  	[sflag:s7] =	ssyncset.done $0x0  }
0x28c: {  	[sflag:s7] =	ssyncadd.s32 $0xFFFFC000  }
0x28d: {  	_ =	swait.ge [sflag:s9], $0x4000  }
0x28e: {  	[sflag:s9] =	ssyncset.done $0x0  }
0x28f: {  	[sflag:s9] =	ssyncadd.s32 $0xFFFFC000  }
0x290: {  	_ =	swait.ge [sflag:s10], $0x4000  }
0x291: {  	[sflag:s10] =	ssyncset.done $0x0  }
0x292: {  	[sflag:s10] =	ssyncadd.s32 $0xFFFFC000  }
0x293: {  	_ =	swait.ge [sflag:s11], $0x4000  }
0x294: {  	[sflag:s11] =	ssyncset.done $0x0  }
0x295: {  	[sflag:s11] =	ssyncadd.s32 $0xFFFFC000  }
0x296: {  	_ =	sfence.sel $0x180000  }
0x297: {  	[bflag:$0x0] =	sbarrier.arrive $0xFFFF  }
0x298: {  	_ =	strace $0x90000047  }
0x299: {  	s31 =	stileid.u32;
	[bflag:$0x2] =	sbarrier.arrive $0xFFFF  }
0x29a: {  	p0 =	sne.s32 s31, $0x0;
	s0 =	rddreg [dreg:$0x3]  }
0x29b: {  	s0 =	sadd.s32 @!p0 $0x100000, s0  }
0x29c: {  	[sflag:s0] =	ssyncadd.tile.s32 @!p0 $0x1;
	_ =	shalt  }
.Lfunc_end2:
_tile_overlayer_lowered:
.L_overlay_start_2:
0x29d: {  	(tag) =	ssettag $0x2  }
0x29e: {  	s0 =	rddreg [dreg:$0x0];
	s2 =	stileid.u32  }
0x29f: {  	s1 =	rddreg [dreg:$0x1];
	p0 =	sne.s32 s2, $0x0  }
0x2a0: {  	s3 =	rddreg [dreg:$0x2];
	[bflag:$0x3] =	sbarrier.arrive $0xFFFF;
	s2 =	simm.s32 @!p0 $0x1C09  }
0x2a1: {  	[timem:s3], [sflag:s2] =	dma.local @!p0 [hbm:s0], s1  }
0x2a2: {  	s0 =	simm.s32 @!p0 $0x9  }
0x2a3: {  	_ =	swait.ge @!p0 [sflag:s0], s1  }
0x2a4: {  	s1 =	ssub.s32 @!p0 $0x0, s1;
	[sflag:s0] =	ssyncset.done @!p0 $0x0  }
0x2a5: {  	[sflag:s0] =	ssyncadd.s32 @!p0 s1  }
0x2a6: {  	[bflag:$0x3] =	sbarrier.arrive $0xFFFF  }
0x2a7: {  	_ =	shalt  }

</sc_bundles>
